<compile_context>
chip_gen: v7x
topology: tpu7x:2x2x1
jax: 0.10.2.dev20260603
libtpu: 0.0.44.dev20260713+nightly
codegen_flags: <defaults>
</compile_context>

<pallas_src>
import functools

import jax
import jax.numpy as jnp
from jax import lax
from jax.experimental import pallas as pl
from jax.experimental.pallas import tpu as pltpu
from jax.experimental.pallas import tpu_sc as plsc

B = 64
FEAT = 160
M = 16
A = 16
CONV_OUT = 2560
HID = 320
OUT = 512

_L2 = (32, 48)
_L3 = (16, 32)
_L4 = (8, 24)
_S = 8




def _routing_sc(tasks, P1, P2, P3):
    mesh = plsc.VectorSubcoreMesh(core_axis_name="c", subcore_axis_name="s")
    out_t = [jax.ShapeDtypeStruct((B,), jnp.int32) for _ in range(3)]

    @functools.partial(
        pl.kernel,
        out_type=out_t,
        mesh=mesh,
        scratch_types=[
            pltpu.VMEM((A * M,), jnp.float32),
            pltpu.VMEM((16,), jnp.int32),
            pltpu.VMEM((16,), jnp.int32),
        ],
    )
    def k(tasks_hbm, p1_hbm, p2_hbm, p3_hbm, a1_hbm, a2_hbm, a3_hbm, p_v, t_v, o_v):
        cid = lax.axis_index("c")
        sid = lax.axis_index("s")
        wid = sid * 2 + cid
        pol = wid // 4
        chunk = wid % 4

        @pl.when(wid < 12)
        def _():
            @pl.when(pol == 0)
            def _():
                pltpu.sync_copy(p1_hbm, p_v)

            @pl.when(pol == 1)
            def _():
                pltpu.sync_copy(p2_hbm, p_v)

            @pl.when(pol == 2)
            def _():
                pltpu.sync_copy(p3_hbm, p_v)

            off = pl.multiple_of(chunk * 16, 16)
            pltpu.sync_copy(tasks_hbm.at[pl.ds(off, 16)], t_v)
            tvec = t_v[...]
            best_v = p_v[pl.ds(0, M)]
            best_i = jnp.zeros((16,), jnp.int32)
            for j in range(1, M):
                col = p_v[pl.ds(j * M, M)]
                better = col > best_v
                best_v = jnp.where(better, col, best_v)
                best_i = jnp.where(better, jnp.full((16,), j, jnp.int32), best_i)
            res = jnp.zeros((16,), jnp.int32)
            for t in range(A):
                val = jnp.broadcast_to(best_i[t], (16,))
                res = jnp.where(tvec == jnp.full((16,), t, jnp.int32), val, res)
            o_v[...] = res

            @pl.when(pol == 0)
            def _():
                pltpu.sync_copy(o_v, a1_hbm.at[pl.ds(off, 16)])

            @pl.when(pol == 1)
            def _():
                pltpu.sync_copy(o_v, a2_hbm.at[pl.ds(off, 16)])

            @pl.when(pol == 2)
            def _():
                pltpu.sync_copy(o_v, a3_hbm.at[pl.ds(off, 16)])

    return k(tasks, P1.T.reshape(A * M), P2.T.reshape(A * M), P3.T.reshape(A * M))




def _pool_relu(acc, bias, H, Wp):
    W = H
    v4 = acc.reshape(H // 2, 2, Wp, FEAT)
    ph = jnp.maximum(v4[:, 0], v4[:, 1])[:, _S : _S + W, :]
    pv = ph.reshape(H // 2, W // 2, 2, FEAT)
    pw = jnp.maximum(pv[:, :, 0, :], pv[:, :, 1, :])
    return jnp.maximum(pw + bias[None, None, :], 0.0).astype(jnp.bfloat16)


def _conv_layer(xf, wts, bias, H, Wp, Wp_next):
    W = H
    rows = H * Wp
    xc = jnp.concatenate(
        [xf[dy * Wp + dx : dy * Wp + dx + rows] for dy in range(3) for dx in range(3)],
        axis=1)
    acc = lax.dot_general(
        xc, wts, (((1,), (0,)), ((), ())), preferred_element_type=jnp.float32)
    z = _pool_relu(acc, bias, H, Wp)
    if Wp_next is None:
        return z
    Hn, Wn = H // 2, W // 2
    zp = jnp.pad(z, ((1, 2), (_S + 1, Wp_next - Wn - _S - 1), (0, 0)))
    return zp.reshape((Hn + 3) * Wp_next, FEAT)


_G = 4


def _trunk_body(patches_ref, wt1_ref, b1_ref, wt2_ref, b2_ref, wt3_ref, b3_ref,
                wt4_ref, b4_ref, bns_ref, bnb_ref, out_ref):
    for g in range(_G):
        acc = lax.dot_general(
            patches_ref[g], wt1_ref[...], (((1,), (0,)), ((), ())),
            preferred_element_type=jnp.float32)
        z = _pool_relu(acc, b1_ref[0], 64, 80)
        Wp2 = _L2[1]
        xf = jnp.pad(z, ((1, 2), (_S + 1, Wp2 - 32 - _S - 1), (0, 0)))
        xf = xf.reshape(35 * Wp2, FEAT)

        for (H, Wp), Wp_next, wref, bref in (
            (_L2, _L3[1], wt2_ref, b2_ref),
            (_L3, _L4[1], wt3_ref, b3_ref),
            (_L4, None, wt4_ref, b4_ref),
        ):
            xf = _conv_layer(xf, wref[...], bref[0], H, Wp, Wp_next)

        z4 = (xf.astype(jnp.float32) * bns_ref[0][None, None, :]
              + bnb_ref[0][None, None, :])
        out_ref[g] = z4.reshape(16, FEAT).T


def _trunk(patches, wt1, bc1, wt2, bc2, wt3, bc3, wt4, bc4, bns, bnb):
    grid = (B // _G,)
    return pl.pallas_call(
        _trunk_body,
        grid=grid,
        in_specs=[
            pl.BlockSpec((_G, 64 * 80, 27), lambda b: (b, 0, 0)),
            pl.BlockSpec((27, FEAT), lambda b: (0, 0)),
            pl.BlockSpec((1, FEAT), lambda b: (0, 0)),
            pl.BlockSpec((9 * FEAT, FEAT), lambda b: (0, 0)),
            pl.BlockSpec((1, FEAT), lambda b: (0, 0)),
            pl.BlockSpec((9 * FEAT, FEAT), lambda b: (0, 0)),
            pl.BlockSpec((1, FEAT), lambda b: (0, 0)),
            pl.BlockSpec((9 * FEAT, FEAT), lambda b: (0, 0)),
            pl.BlockSpec((1, FEAT), lambda b: (0, 0)),
            pl.BlockSpec((1, FEAT), lambda b: (0, 0)),
            pl.BlockSpec((1, FEAT), lambda b: (0, 0)),
        ],
        out_specs=pl.BlockSpec((_G, FEAT, 16), lambda b: (b, 0, 0)),
        out_shape=jax.ShapeDtypeStruct((B, FEAT, 16), jnp.float32),
        compiler_params=pltpu.CompilerParams(
            dimension_semantics=("parallel",)),
    )(patches, wt1, bc1, wt2, bc2, wt3, bc3, wt4, bc4, bns, bnb)




def _fc_body(a_ref, h_ref, w_ref, b_ref, o_ref, *, relu):
    m = pl.program_id(0)

    @pl.when(m == 0)
    def _():
        o_ref[...] = jnp.zeros_like(o_ref)

    y = lax.dot_general(
        h_ref[...].astype(jnp.bfloat16),
        w_ref[0].astype(jnp.bfloat16),
        (((1,), (0,)), ((), ())),
        preferred_element_type=jnp.float32,
    ) + b_ref[0]
    if relu:
        y = jnp.maximum(y, 0.0)
    mask = a_ref[...] == m
    o_ref[...] += jnp.where(mask, y, 0.0)


def _fc1_body(a_ref, h_ref, w_ref, b_ref, o_ref):
    hb = h_ref[...].astype(jnp.bfloat16)
    acc = jnp.zeros((B, HID), jnp.float32)
    for m in range(M):
        y = lax.dot_general(hb, w_ref[m],
                            (((1,), (0,)), ((), ())),
                            preferred_element_type=jnp.float32) + b_ref[m]
        y = jnp.maximum(y, 0.0)
        acc = acc + jnp.where(a_ref[...] == m, y, 0.0)
    o_ref[...] = acc


def _fc1(a_col, h, w_bf, b):
    return pl.pallas_call(
        _fc1_body,
        out_shape=jax.ShapeDtypeStruct((B, HID), jnp.float32),
    )(a_col, h, w_bf, b.reshape(M, 1, HID))


def _fc23_body(a2_ref, a3_ref, h_ref, w2_ref, b2_ref, w3_ref, b3_ref, o_ref):
    h1 = h_ref[...].astype(jnp.bfloat16)
    acc2 = jnp.zeros((B, HID), jnp.float32)
    for m in range(M):
        y = lax.dot_general(h1, w2_ref[m].astype(jnp.bfloat16),
                            (((1,), (0,)), ((), ())),
                            preferred_element_type=jnp.float32) + b2_ref[m]
        y = jnp.maximum(y, 0.0)
        acc2 = acc2 + jnp.where(a2_ref[...] == m, y, 0.0)
    h2 = acc2.astype(jnp.bfloat16)
    acc3 = jnp.zeros((B, OUT), jnp.float32)
    for m in range(M):
        y = lax.dot_general(h2, w3_ref[m].astype(jnp.bfloat16),
                            (((1,), (0,)), ((), ())),
                            preferred_element_type=jnp.float32) + b3_ref[m]
        acc3 = acc3 + jnp.where(a3_ref[...] == m, y, 0.0)
    o_ref[...] = acc3


def _fc23(a2_col, a3_col, h1, W2, b2, W3, b3):
    return pl.pallas_call(
        _fc23_body,
        out_shape=jax.ShapeDtypeStruct((B, OUT), jnp.float32),
    )(a2_col, a3_col, h1, W2, b2.reshape(M, 1, HID), W3, b3.reshape(M, 1, OUT))


def _fc(a_col, h, w, b, relu):
    K, N = w.shape[1], w.shape[2]
    return pl.pallas_call(
        functools.partial(_fc_body, relu=relu),
        grid=(M,),
        in_specs=[
            pl.BlockSpec((B, 1), lambda m: (0, 0)),
            pl.BlockSpec((B, K), lambda m: (0, 0)),
            pl.BlockSpec((1, K, N), lambda m: (m, 0, 0)),
            pl.BlockSpec((1, 1, N), lambda m: (m, 0, 0)),
        ],
        out_specs=pl.BlockSpec((B, N), lambda m: (0, 0)),
        out_shape=jax.ShapeDtypeStruct((B, N), jnp.float32),
        compiler_params=pltpu.CompilerParams(
            dimension_semantics=("arbitrary",)),
    )(a_col, h, w, b.reshape(M, 1, N))




def _build_patches(x):
    xh = x.transpose(0, 2, 3, 1).astype(jnp.bfloat16)
    xp = jnp.pad(xh, ((0, 0), (1, 2), (_S + 1, 80 - 64 - _S - 1), (0, 0)))
    xpf = xp.reshape(B, 67 * 80, 3)
    rows = 64 * 80
    slabs = [xpf[:, dy * 80 + dx : dy * 80 + dx + rows, :]
             for dy in range(3) for dx in range(3)]
    return jnp.concatenate(slabs, axis=2)


def kernel(x, tasks, Wc1, bc1, Wc2, bc2, Wc3, bc3, Wc4, bc4, bn_g, bn_b,
           bn_m, bn_v, P1, P2, P3, W1, b1, W2, b2, W3, b3):
    a1, a2, a3 = _routing_sc(tasks, P1, P2, P3)

    patches = _build_patches(x)
    wt1 = Wc1.transpose(2, 3, 1, 0).reshape(27, FEAT).astype(jnp.bfloat16)
    wt2 = Wc2.transpose(2, 3, 1, 0).reshape(9 * FEAT, FEAT).astype(jnp.bfloat16)
    wt3 = Wc3.transpose(2, 3, 1, 0).reshape(9 * FEAT, FEAT).astype(jnp.bfloat16)
    wt4 = Wc4.transpose(2, 3, 1, 0).reshape(9 * FEAT, FEAT).astype(jnp.bfloat16)
    bns = (bn_g / jnp.sqrt(bn_v + 1e-5)).reshape(1, FEAT)
    bnb = (bn_b - bn_m * bns[0]).reshape(1, FEAT)

    feats = _trunk(patches, wt1, bc1.reshape(1, FEAT), wt2, bc2.reshape(1, FEAT),
                   wt3, bc3.reshape(1, FEAT), wt4, bc4.reshape(1, FEAT),
                   bns, bnb).reshape(B, CONV_OUT)

    h1 = _fc1(a1.reshape(B, 1), feats, W1.astype(jnp.bfloat16), b1)
    y = _fc23(a2.reshape(B, 1), a3.reshape(B, 1), h1, W2, b2, W3, b3)
    return (y, a1, a2, a3)

# --- scband reference (transcript-rebuilt; emitter-appended) ---
"""Pipeline reference for scband-routed-all-fc-61349312856156 (READ-ONLY COPY).

The authoritative reference and input builder live on the scoring server;
editing this copy changes nothing except your own understanding.
"""

import jax, jax.numpy as jnp
import numpy as np
from jax import lax

B, C, H, W = 64, 3, 64, 64
M, A = 16, 16
FEAT = 160
CONV_OUT = 2560
HID = 320
OUT = 512


def setup_inputs(seed: int = 0):
    key = jax.random.key(seed)
    ks = jax.random.split(key, 16)
    inp = {}
    inp['x'] = jax.random.normal(ks[0], (B, C, H, W), dtype=jnp.float32)
    inp['tasks'] = jax.random.randint(ks[1], (B,), 0, A, dtype=jnp.int32)
    inp['Wc1'] = jax.random.normal(ks[2], (FEAT, C, 3, 3), dtype=jnp.float32) / np.float32(np.sqrt(C * 9))
    inp['bc1'] = jnp.zeros((FEAT,), dtype=jnp.float32)
    inp['Wc2'] = jax.random.normal(ks[3], (FEAT, FEAT, 3, 3), dtype=jnp.float32) / np.float32(np.sqrt(FEAT * 9))
    inp['bc2'] = jnp.zeros((FEAT,), dtype=jnp.float32)
    inp['Wc3'] = jax.random.normal(ks[4], (FEAT, FEAT, 3, 3), dtype=jnp.float32) / np.float32(np.sqrt(FEAT * 9))
    inp['bc3'] = jnp.zeros((FEAT,), dtype=jnp.float32)
    inp['Wc4'] = jax.random.normal(ks[5], (FEAT, FEAT, 3, 3), dtype=jnp.float32) / np.float32(np.sqrt(FEAT * 9))
    inp['bc4'] = jnp.zeros((FEAT,), dtype=jnp.float32)
    inp['bn_g'] = jnp.ones((FEAT,), dtype=jnp.float32)
    inp['bn_b'] = jnp.zeros((FEAT,), dtype=jnp.float32)
    inp['bn_m'] = jnp.zeros((FEAT,), dtype=jnp.float32)
    inp['bn_v'] = jnp.ones((FEAT,), dtype=jnp.float32)
    inp['P1'] = jax.random.normal(ks[6], (A, M), dtype=jnp.float32)
    inp['P2'] = jax.random.normal(ks[7], (A, M), dtype=jnp.float32)
    inp['P3'] = jax.random.normal(ks[8], (A, M), dtype=jnp.float32)
    inp['W1'] = jax.random.normal(ks[9], (M, CONV_OUT, HID), dtype=jnp.float32) / np.float32(np.sqrt(CONV_OUT))
    inp['b1'] = jnp.zeros((M, HID), dtype=jnp.float32)
    inp['W2'] = jax.random.normal(ks[10], (M, HID, HID), dtype=jnp.float32) / np.float32(np.sqrt(HID))
    inp['b2'] = jnp.zeros((M, HID), dtype=jnp.float32)
    inp['W3'] = jax.random.normal(ks[11], (M, HID, OUT), dtype=jnp.float32) / np.float32(np.sqrt(HID))
    inp['b3'] = jnp.zeros((M, OUT), dtype=jnp.float32)
    return inp


def _conv_block(x, w, b):
    y = lax.conv_general_dilated(x, w, (1, 1), ((1, 1), (1, 1)), dimension_numbers=('NCHW', 'OIHW', 'NCHW'))
    y = y + b[None, :, None, None]
    y = jax.nn.relu(y)
    return lax.reduce_window(y, -jnp.inf, lax.max, (1, 1, 2, 2), (1, 1, 2, 2), 'VALID')


def _select(x, w, b, actions):
    # Selection: per-sample expert FC. Dense dispatch to all modules, gather routed output.
    allout = jnp.einsum('bi,mio->bmo', x, w) + b[None, :, :]
    return jnp.take_along_axis(allout, actions[:, None, None], axis=1)[:, 0, :]


def reference(x, tasks, Wc1, bc1, Wc2, bc2, Wc3, bc3, Wc4, bc4, bn_g, bn_b, bn_m, bn_v, P1, P2, P3, W1, b1, W2, b2, W3, b3):
    y = _conv_block(x, Wc1, bc1)
    y = _conv_block(y, Wc2, bc2)
    y = _conv_block(y, Wc3, bc3)
    y = _conv_block(y, Wc4, bc4)
    y = (y - bn_m[None, :, None, None]) / jnp.sqrt(bn_v[None, :, None, None] + 1e-5) * bn_g[None, :, None, None] + bn_b[None, :, None, None]
    y = y.reshape(y.shape[0], -1)
    task_actions = tasks  # PerTaskAssignment: action = task id
    a1 = jnp.argmax(P1[task_actions], axis=-1)  # tabular policy, greedy
    y = jax.nn.relu(_select(y, W1, b1, a1))
    a2 = jnp.argmax(P2[task_actions], axis=-1)
    y = jax.nn.relu(_select(y, W2, b2, a2))
    a3 = jnp.argmax(P3[task_actions], axis=-1)
    y = _select(y, W3, b3, a3)
    return (y, a1, a2, a3)

if __name__ == "__main__":
    import jax
    _d = setup_inputs()
    print(jax.jit(kernel)(*tuple(_d.values())))

</pallas_src>

<mosaic_0001>
#map = affine_map<(d0, d1) -> (0)>
module attributes {stable_mosaic.version = 14 : i64} {
  func.func @k(%arg0: i32, %arg1: i32, %arg2: memref<64xi32, #tpu.memory_space<hbm>>, %arg3: memref<256xf32, #tpu.memory_space<hbm>>, %arg4: memref<256xf32, #tpu.memory_space<hbm>>, %arg5: memref<256xf32, #tpu.memory_space<hbm>>, %arg6: memref<64xi32, #tpu.memory_space<hbm>>, %arg7: memref<64xi32, #tpu.memory_space<hbm>>, %arg8: memref<64xi32, #tpu.memory_space<hbm>>, %arg9: memref<256xf32, #tpu.memory_space<vmem>>, %arg10: memref<16xi32, #tpu.memory_space<vmem>>, %arg11: memref<16xi32, #tpu.memory_space<vmem>>) attributes {dimension_semantics = [#tpu.dimension_semantics<core_parallel>, #tpu.dimension_semantics<subcore_parallel>], iteration_bounds = array<i64: 2, 16>, scalar_prefetch = 0 : i64, scratch_operands = 3 : i64, tpu.core_type = #tpu.core_type<sc_vector_subcore>, window_params = [{transform_indices = #map}, {transform_indices = #map}, {transform_indices = #map}, {transform_indices = #map}, {transform_indices = #map}, {transform_indices = #map}, {transform_indices = #map}]} {
    %mul3A = arith.constant 2 : i32
    %mul3A_0 = arith.muli %arg1, %mul3A : i32
    %add3A = arith.addi %mul3A_0, %arg0 : i32
    %jit3A = arith.constant 4 : i32
    %div3A = arith.divsi %add3A, %jit3A : i32
    %sign3A = arith.constant 0 : i32
    %sign3A_1 = arith.cmpi sgt, %add3A, %sign3A : i32
    %sign3A_2 = arith.extui %sign3A_1 : i1 to i32
    %sign3A_3 = arith.constant 0 : i32
    %sign3A_4 = arith.cmpi slt, %add3A, %sign3A_3 : i32
    %sign3A_5 = arith.extui %sign3A_4 : i1 to i32
    %sign3A_6 = arith.subi %sign3A_2, %sign3A_5 : i32
    %sign3A_7 = arith.constant 0 : i32
    %sign3A_8 = arith.cmpi sgt, %jit3A, %sign3A_7 : i32
    %sign3A_9 = arith.extui %sign3A_8 : i1 to i32
    %sign3A_10 = arith.constant 0 : i32
    %sign3A_11 = arith.cmpi slt, %jit3A, %sign3A_10 : i32
    %sign3A_12 = arith.extui %sign3A_11 : i1 to i32
    %sign3A_13 = arith.subi %sign3A_9, %sign3A_12 : i32
    %ne3A = arith.cmpi ne, %sign3A_6, %sign3A_13 : i32
    %rem3A = arith.remsi %add3A, %jit3A : i32
    %ne3A_14 = arith.constant 0 : i32
    %ne3A_15 = arith.cmpi ne, %rem3A, %ne3A_14 : i32
    %and3A = arith.andi %ne3A, %ne3A_15 : i1
    %sub3A = arith.constant 1 : i32
    %sub3A_16 = arith.subi %div3A, %sub3A : i32
    %select_n3A = arith.select %and3A, %sub3A_16, %div3A : i32
    %jit3A_17 = arith.constant 4 : i32
    %eq3A = arith.constant 0 : i32
    %eq3A_18 = arith.cmpi eq, %jit3A_17, %eq3A : i32
    %jit3A_19 = arith.constant 1 : i32
    %select_n3A_20 = arith.select %eq3A_18, %jit3A_19, %jit3A_17 : i32
    %rem3A_21 = arith.remsi %add3A, %select_n3A_20 : i32
    %ne3A_22 = arith.constant 0 : i32
    %ne3A_23 = arith.cmpi ne, %rem3A_21, %ne3A_22 : i32
    %lt3A = arith.constant 0 : i32
    %lt3A_24 = arith.cmpi slt, %rem3A_21, %lt3A : i32
    %lt3A_25 = arith.constant 0 : i32
    %lt3A_26 = arith.cmpi slt, %select_n3A_20, %lt3A_25 : i32
    %ne3A_27 = arith.xori %lt3A_24, %lt3A_26 : i1
    %and3A_28 = arith.andi %ne3A_27, %ne3A_23 : i1
    %add3A_29 = arith.addi %rem3A_21, %select_n3A_20 : i32
    %select_n3A_30 = arith.select %and3A_28, %add3A_29, %rem3A_21 : i32
    %lt3A_31 = arith.constant 12 : i32
    %lt3A_32 = arith.cmpi slt, %add3A, %lt3A_31 : i32
    %convert_element_type3A = arith.extui %lt3A_32 : i1 to i32
    %cond3A = arith.constant 0 : i32
    %cond3A_33 = arith.cmpi ne, %convert_element_type3A, %cond3A : i32
    scf.if %cond3A_33 {
      %eq3A_34 = arith.constant 0 : i32
      %eq3A_35 = arith.cmpi eq, %select_n3A, %eq3A_34 : i32
      %convert_element_type3A_36 = arith.extui %eq3A_35 : i1 to i32
      %cond3A_37 = arith.constant 0 : i32
      %cond3A_38 = arith.cmpi ne, %convert_element_type3A_36, %cond3A_37 : i32
      scf.if %cond3A_38 {
        "tpu.region"() ({
          %run_scoped3A = tpu.sem_alloc : memref<!tpu.dma_semaphore, #tpu.memory_space<semaphore_mem>>
          tpu.enqueue_dma source(%arg3 : memref<256xf32, #tpu.memory_space<hbm>>) target(%arg9 : memref<256xf32, #tpu.memory_space<vmem>>) target_semaphore(%run_scoped3A : memref<!tpu.dma_semaphore, #tpu.memory_space<semaphore_mem>>)
          tpu.wait_dma2 semaphore(%run_scoped3A : memref<!tpu.dma_semaphore, #tpu.memory_space<semaphore_mem>>) src(%arg3 : memref<256xf32, #tpu.memory_space<hbm>>) dst(%arg9 : memref<256xf32, #tpu.memory_space<vmem>>)
          tpu.yield
        }) : () -> ()
      } else {
      }
      %eq3A_39 = arith.constant 1 : i32
      %eq3A_40 = arith.cmpi eq, %select_n3A, %eq3A_39 : i32
      %convert_element_type3A_41 = arith.extui %eq3A_40 : i1 to i32
      %cond3A_42 = arith.constant 0 : i32
      %cond3A_43 = arith.cmpi ne, %convert_element_type3A_41, %cond3A_42 : i32
      scf.if %cond3A_43 {
        "tpu.region"() ({
          %run_scoped3A = tpu.sem_alloc : memref<!tpu.dma_semaphore, #tpu.memory_space<semaphore_mem>>
          tpu.enqueue_dma source(%arg4 : memref<256xf32, #tpu.memory_space<hbm>>) target(%arg9 : memref<256xf32, #tpu.memory_space<vmem>>) target_semaphore(%run_scoped3A : memref<!tpu.dma_semaphore, #tpu.memory_space<semaphore_mem>>)
          tpu.wait_dma2 semaphore(%run_scoped3A : memref<!tpu.dma_semaphore, #tpu.memory_space<semaphore_mem>>) src(%arg4 : memref<256xf32, #tpu.memory_space<hbm>>) dst(%arg9 : memref<256xf32, #tpu.memory_space<vmem>>)
          tpu.yield
        }) : () -> ()
      } else {
      }
      %eq3A_44 = arith.constant 2 : i32
      %eq3A_45 = arith.cmpi eq, %select_n3A, %eq3A_44 : i32
      %convert_element_type3A_46 = arith.extui %eq3A_45 : i1 to i32
      %cond3A_47 = arith.constant 0 : i32
      %cond3A_48 = arith.cmpi ne, %convert_element_type3A_46, %cond3A_47 : i32
      scf.if %cond3A_48 {
        "tpu.region"() ({
          %run_scoped3A = tpu.sem_alloc : memref<!tpu.dma_semaphore, #tpu.memory_space<semaphore_mem>>
          tpu.enqueue_dma source(%arg5 : memref<256xf32, #tpu.memory_space<hbm>>) target(%arg9 : memref<256xf32, #tpu.memory_space<vmem>>) target_semaphore(%run_scoped3A : memref<!tpu.dma_semaphore, #tpu.memory_space<semaphore_mem>>)
          tpu.wait_dma2 semaphore(%run_scoped3A : memref<!tpu.dma_semaphore, #tpu.memory_space<semaphore_mem>>) src(%arg5 : memref<256xf32, #tpu.memory_space<hbm>>) dst(%arg9 : memref<256xf32, #tpu.memory_space<vmem>>)
          tpu.yield
        }) : () -> ()
      } else {
      }
      %mul3A_49 = arith.constant 16 : i32
      %mul3A_50 = arith.muli %select_n3A_30, %mul3A_49 : i32
      %multiple_of3A = tpu.assume_multiple %mul3A_50, 16 : i32
      "tpu.region"() ({
        %run_scoped3A = tpu.sem_alloc : memref<!tpu.dma_semaphore, #tpu.memory_space<semaphore_mem>>
        %dma_start3A = tpu.memref_slice %arg2[%multiple_of3A] : memref<64xi32, #tpu.memory_space<hbm>> -> memref<16xi32, #tpu.memory_space<hbm>>
        %dma_start3A_306 = tpu.memref_slice %arg2[%multiple_of3A] : memref<64xi32, #tpu.memory_space<hbm>> -> memref<16xi32, #tpu.memory_space<hbm>>
        tpu.enqueue_dma source(%dma_start3A_306 : memref<16xi32, #tpu.memory_space<hbm>>) target(%arg10 : memref<16xi32, #tpu.memory_space<vmem>>) target_semaphore(%run_scoped3A : memref<!tpu.dma_semaphore, #tpu.memory_space<semaphore_mem>>)
        %dma_wait3A = tpu.memref_slice %arg2[%multiple_of3A] : memref<64xi32, #tpu.memory_space<hbm>> -> memref<16xi32, #tpu.memory_space<hbm>>
        %dma_wait3A_307 = tpu.memref_slice %arg2[%multiple_of3A] : memref<64xi32, #tpu.memory_space<hbm>> -> memref<16xi32, #tpu.memory_space<hbm>>
        tpu.wait_dma2 semaphore(%run_scoped3A : memref<!tpu.dma_semaphore, #tpu.memory_space<semaphore_mem>>) src(%dma_wait3A_307 : memref<16xi32, #tpu.memory_space<hbm>>) dst(%arg10 : memref<16xi32, #tpu.memory_space<vmem>>)
        tpu.yield
      }) : () -> ()
      %get3A = arith.constant 0 : index
      %get3A_51 = tpu.vector_load %arg10[%get3A] {strides = array<i32>} : memref<16xi32, #tpu.memory_space<vmem>>, vector<16xi32>,
      %get3A_52 = vector.shape_cast %get3A_51 : vector<16xi32> to vector<16xi32>
      %get3A_53 = arith.constant 0 : index
      %get3A_54 = tpu.vector_load %arg9[%get3A_53] {strides = array<i32>} : memref<256xf32, #tpu.memory_space<vmem>>, vector<16xf32>,
      %get3A_55 = vector.shape_cast %get3A_54 : vector<16xf32> to vector<16xf32>
      %broadcast_in_dim3A = arith.constant 0 : i32
      %broadcast_in_dim3A_56 = vector.broadcast %broadcast_in_dim3A : i32 to vector<16xi32>
      %get3A_57 = arith.constant 16 : index
      %get3A_58 = tpu.vector_load %arg9[%get3A_57] {strides = array<i32>} : memref<256xf32, #tpu.memory_space<vmem>>, vector<16xf32>,
      %get3A_59 = vector.shape_cast %get3A_58 : vector<16xf32> to vector<16xf32>
      %gt3A = arith.cmpf ogt, %get3A_59, %get3A_55 : vector<16xf32>
      %select_n3A_60 = arith.select %gt3A, %get3A_59, %get3A_55 : vector<16xi1>, vector<16xf32>
      %broadcast_in_dim3A_61 = arith.constant 1 : i32
      %broadcast_in_dim3A_62 = vector.broadcast %broadcast_in_dim3A_61 : i32 to vector<16xi32>
      %select_n3A_63 = arith.select %gt3A, %broadcast_in_dim3A_62, %broadcast_in_dim3A_56 : vector<16xi1>, vector<16xi32>
      %get3A_64 = arith.constant 32 : index
      %get3A_65 = tpu.vector_load %arg9[%get3A_64] {strides = array<i32>} : memref<256xf32, #tpu.memory_space<vmem>>, vector<16xf32>,
      %get3A_66 = vector.shape_cast %get3A_65 : vector<16xf32> to vector<16xf32>
      %gt3A_67 = arith.cmpf ogt, %get3A_66, %select_n3A_60 : vector<16xf32>
      %select_n3A_68 = arith.select %gt3A_67, %get3A_66, %select_n3A_60 : vector<16xi1>, vector<16xf32>
      %broadcast_in_dim3A_69 = arith.constant 2 : i32
      %broadcast_in_dim3A_70 = vector.broadcast %broadcast_in_dim3A_69 : i32 to vector<16xi32>
      %select_n3A_71 = arith.select %gt3A_67, %broadcast_in_dim3A_70, %select_n3A_63 : vector<16xi1>, vector<16xi32>
      %get3A_72 = arith.constant 48 : index
      %get3A_73 = tpu.vector_load %arg9[%get3A_72] {strides = array<i32>} : memref<256xf32, #tpu.memory_space<vmem>>, vector<16xf32>,
      %get3A_74 = vector.shape_cast %get3A_73 : vector<16xf32> to vector<16xf32>
      %gt3A_75 = arith.cmpf ogt, %get3A_74, %select_n3A_68 : vector<16xf32>
      %select_n3A_76 = arith.select %gt3A_75, %get3A_74, %select_n3A_68 : vector<16xi1>, vector<16xf32>
      %broadcast_in_dim3A_77 = arith.constant 3 : i32
      %broadcast_in_dim3A_78 = vector.broadcast %broadcast_in_dim3A_77 : i32 to vector<16xi32>
      %select_n3A_79 = arith.select %gt3A_75, %broadcast_in_dim3A_78, %select_n3A_71 : vector<16xi1>, vector<16xi32>
      %get3A_80 = arith.constant 64 : index
      %get3A_81 = tpu.vector_load %arg9[%get3A_80] {strides = array<i32>} : memref<256xf32, #tpu.memory_space<vmem>>, vector<16xf32>,
      %get3A_82 = vector.shape_cast %get3A_81 : vector<16xf32> to vector<16xf32>
      %gt3A_83 = arith.cmpf ogt, %get3A_82, %select_n3A_76 : vector<16xf32>
      %select_n3A_84 = arith.select %gt3A_83, %get3A_82, %select_n3A_76 : vector<16xi1>, vector<16xf32>
      %broadcast_in_dim3A_85 = arith.constant 4 : i32
      %broadcast_in_dim3A_86 = vector.broadcast %broadcast_in_dim3A_85 : i32 to vector<16xi32>
      %select_n3A_87 = arith.select %gt3A_83, %broadcast_in_dim3A_86, %select_n3A_79 : vector<16xi1>, vector<16xi32>
      %get3A_88 = arith.constant 80 : index
      %get3A_89 = tpu.vector_load %arg9[%get3A_88] {strides = array<i32>} : memref<256xf32, #tpu.memory_space<vmem>>, vector<16xf32>,
      %get3A_90 = vector.shape_cast %get3A_89 : vector<16xf32> to vector<16xf32>
      %gt3A_91 = arith.cmpf ogt, %get3A_90, %select_n3A_84 : vector<16xf32>
      %select_n3A_92 = arith.select %gt3A_91, %get3A_90, %select_n3A_84 : vector<16xi1>, vector<16xf32>
      %broadcast_in_dim3A_93 = arith.constant 5 : i32
      %broadcast_in_dim3A_94 = vector.broadcast %broadcast_in_dim3A_93 : i32 to vector<16xi32>
      %select_n3A_95 = arith.select %gt3A_91, %broadcast_in_dim3A_94, %select_n3A_87 : vector<16xi1>, vector<16xi32>
      %get3A_96 = arith.constant 96 : index
      %get3A_97 = tpu.vector_load %arg9[%get3A_96] {strides = array<i32>} : memref<256xf32, #tpu.memory_space<vmem>>, vector<16xf32>,
      %get3A_98 = vector.shape_cast %get3A_97 : vector<16xf32> to vector<16xf32>
      %gt3A_99 = arith.cmpf ogt, %get3A_98, %select_n3A_92 : vector<16xf32>
      %select_n3A_100 = arith.select %gt3A_99, %get3A_98, %select_n3A_92 : vector<16xi1>, vector<16xf32>
      %broadcast_in_dim3A_101 = arith.constant 6 : i32
      %broadcast_in_dim3A_102 = vector.broadcast %broadcast_in_dim3A_101 : i32 to vector<16xi32>
      %select_n3A_103 = arith.select %gt3A_99, %broadcast_in_dim3A_102, %select_n3A_95 : vector<16xi1>, vector<16xi32>
      %get3A_104 = arith.constant 112 : index
      %get3A_105 = tpu.vector_load %arg9[%get3A_104] {strides = array<i32>} : memref<256xf32, #tpu.memory_space<vmem>>, vector<16xf32>,
      %get3A_106 = vector.shape_cast %get3A_105 : vector<16xf32> to vector<16xf32>
      %gt3A_107 = arith.cmpf ogt, %get3A_106, %select_n3A_100 : vector<16xf32>
      %select_n3A_108 = arith.select %gt3A_107, %get3A_106, %select_n3A_100 : vector<16xi1>, vector<16xf32>
      %broadcast_in_dim3A_109 = arith.constant 7 : i32
      %broadcast_in_dim3A_110 = vector.broadcast %broadcast_in_dim3A_109 : i32 to vector<16xi32>
      %select_n3A_111 = arith.select %gt3A_107, %broadcast_in_dim3A_110, %select_n3A_103 : vector<16xi1>, vector<16xi32>
      %get3A_112 = arith.constant 128 : index
      %get3A_113 = tpu.vector_load %arg9[%get3A_112] {strides = array<i32>} : memref<256xf32, #tpu.memory_space<vmem>>, vector<16xf32>,
      %get3A_114 = vector.shape_cast %get3A_113 : vector<16xf32> to vector<16xf32>
      %gt3A_115 = arith.cmpf ogt, %get3A_114, %select_n3A_108 : vector<16xf32>
      %select_n3A_116 = arith.select %gt3A_115, %get3A_114, %select_n3A_108 : vector<16xi1>, vector<16xf32>
      %broadcast_in_dim3A_117 = arith.constant 8 : i32
      %broadcast_in_dim3A_118 = vector.broadcast %broadcast_in_dim3A_117 : i32 to vector<16xi32>
      %select_n3A_119 = arith.select %gt3A_115, %broadcast_in_dim3A_118, %select_n3A_111 : vector<16xi1>, vector<16xi32>
      %get3A_120 = arith.constant 144 : index
      %get3A_121 = tpu.vector_load %arg9[%get3A_120] {strides = array<i32>} : memref<256xf32, #tpu.memory_space<vmem>>, vector<16xf32>,
      %get3A_122 = vector.shape_cast %get3A_121 : vector<16xf32> to vector<16xf32>
      %gt3A_123 = arith.cmpf ogt, %get3A_122, %select_n3A_116 : vector<16xf32>
      %select_n3A_124 = arith.select %gt3A_123, %get3A_122, %select_n3A_116 : vector<16xi1>, vector<16xf32>
      %broadcast_in_dim3A_125 = arith.constant 9 : i32
      %broadcast_in_dim3A_126 = vector.broadcast %broadcast_in_dim3A_125 : i32 to vector<16xi32>
      %select_n3A_127 = arith.select %gt3A_123, %broadcast_in_dim3A_126, %select_n3A_119 : vector<16xi1>, vector<16xi32>
      %get3A_128 = arith.constant 160 : index
      %get3A_129 = tpu.vector_load %arg9[%get3A_128] {strides = array<i32>} : memref<256xf32, #tpu.memory_space<vmem>>, vector<16xf32>,
      %get3A_130 = vector.shape_cast %get3A_129 : vector<16xf32> to vector<16xf32>
      %gt3A_131 = arith.cmpf ogt, %get3A_130, %select_n3A_124 : vector<16xf32>
      %select_n3A_132 = arith.select %gt3A_131, %get3A_130, %select_n3A_124 : vector<16xi1>, vector<16xf32>
      %broadcast_in_dim3A_133 = arith.constant 10 : i32
      %broadcast_in_dim3A_134 = vector.broadcast %broadcast_in_dim3A_133 : i32 to vector<16xi32>
      %select_n3A_135 = arith.select %gt3A_131, %broadcast_in_dim3A_134, %select_n3A_127 : vector<16xi1>, vector<16xi32>
      %get3A_136 = arith.constant 176 : index
      %get3A_137 = tpu.vector_load %arg9[%get3A_136] {strides = array<i32>} : memref<256xf32, #tpu.memory_space<vmem>>, vector<16xf32>,
      %get3A_138 = vector.shape_cast %get3A_137 : vector<16xf32> to vector<16xf32>
      %gt3A_139 = arith.cmpf ogt, %get3A_138, %select_n3A_132 : vector<16xf32>
      %select_n3A_140 = arith.select %gt3A_139, %get3A_138, %select_n3A_132 : vector<16xi1>, vector<16xf32>
      %broadcast_in_dim3A_141 = arith.constant 11 : i32
      %broadcast_in_dim3A_142 = vector.broadcast %broadcast_in_dim3A_141 : i32 to vector<16xi32>
      %select_n3A_143 = arith.select %gt3A_139, %broadcast_in_dim3A_142, %select_n3A_135 : vector<16xi1>, vector<16xi32>
      %get3A_144 = arith.constant 192 : index
      %get3A_145 = tpu.vector_load %arg9[%get3A_144] {strides = array<i32>} : memref<256xf32, #tpu.memory_space<vmem>>, vector<16xf32>,
      %get3A_146 = vector.shape_cast %get3A_145 : vector<16xf32> to vector<16xf32>
      %gt3A_147 = arith.cmpf ogt, %get3A_146, %select_n3A_140 : vector<16xf32>
      %select_n3A_148 = arith.select %gt3A_147, %get3A_146, %select_n3A_140 : vector<16xi1>, vector<16xf32>
      %broadcast_in_dim3A_149 = arith.constant 12 : i32
      %broadcast_in_dim3A_150 = vector.broadcast %broadcast_in_dim3A_149 : i32 to vector<16xi32>
      %select_n3A_151 = arith.select %gt3A_147, %broadcast_in_dim3A_150, %select_n3A_143 : vector<16xi1>, vector<16xi32>
      %get3A_152 = arith.constant 208 : index
      %get3A_153 = tpu.vector_load %arg9[%get3A_152] {strides = array<i32>} : memref<256xf32, #tpu.memory_space<vmem>>, vector<16xf32>,
      %get3A_154 = vector.shape_cast %get3A_153 : vector<16xf32> to vector<16xf32>
      %gt3A_155 = arith.cmpf ogt, %get3A_154, %select_n3A_148 : vector<16xf32>
      %select_n3A_156 = arith.select %gt3A_155, %get3A_154, %select_n3A_148 : vector<16xi1>, vector<16xf32>
      %broadcast_in_dim3A_157 = arith.constant 13 : i32
      %broadcast_in_dim3A_158 = vector.broadcast %broadcast_in_dim3A_157 : i32 to vector<16xi32>
      %select_n3A_159 = arith.select %gt3A_155, %broadcast_in_dim3A_158, %select_n3A_151 : vector<16xi1>, vector<16xi32>
      %get3A_160 = arith.constant 224 : index
      %get3A_161 = tpu.vector_load %arg9[%get3A_160] {strides = array<i32>} : memref<256xf32, #tpu.memory_space<vmem>>, vector<16xf32>,
      %get3A_162 = vector.shape_cast %get3A_161 : vector<16xf32> to vector<16xf32>
      %gt3A_163 = arith.cmpf ogt, %get3A_162, %select_n3A_156 : vector<16xf32>
      %select_n3A_164 = arith.select %gt3A_163, %get3A_162, %select_n3A_156 : vector<16xi1>, vector<16xf32>
      %broadcast_in_dim3A_165 = arith.constant 14 : i32
      %broadcast_in_dim3A_166 = vector.broadcast %broadcast_in_dim3A_165 : i32 to vector<16xi32>
      %select_n3A_167 = arith.select %gt3A_163, %broadcast_in_dim3A_166, %select_n3A_159 : vector<16xi1>, vector<16xi32>
      %get3A_168 = arith.constant 240 : index
      %get3A_169 = tpu.vector_load %arg9[%get3A_168] {strides = array<i32>} : memref<256xf32, #tpu.memory_space<vmem>>, vector<16xf32>,
      %get3A_170 = vector.shape_cast %get3A_169 : vector<16xf32> to vector<16xf32>
      %gt3A_171 = arith.cmpf ogt, %get3A_170, %select_n3A_164 : vector<16xf32>
      %select_n3A_172 = arith.select %gt3A_171, %get3A_170, %select_n3A_164 : vector<16xi1>, vector<16xf32>
      %broadcast_in_dim3A_173 = arith.constant 15 : i32
      %broadcast_in_dim3A_174 = vector.broadcast %broadcast_in_dim3A_173 : i32 to vector<16xi32>
      %select_n3A_175 = arith.select %gt3A_171, %broadcast_in_dim3A_174, %select_n3A_167 : vector<16xi1>, vector<16xi32>
      %broadcast_in_dim3A_176 = arith.constant 0 : i32
      %broadcast_in_dim3A_177 = vector.broadcast %broadcast_in_dim3A_176 : i32 to vector<16xi32>
      %slice3A = vector.extract_strided_slice %select_n3A_175 {offsets = [0], sizes = [1], strides = [1]} : vector<16xi32> to vector<1xi32>
      %squeeze3A = vector.extract %slice3A[0] : i32 from vector<1xi32>
      %broadcast_in_dim3A_178 = vector.broadcast %squeeze3A : i32 to vector<16xi32>
      %broadcast_in_dim3A_179 = arith.constant 0 : i32
      %broadcast_in_dim3A_180 = vector.broadcast %broadcast_in_dim3A_179 : i32 to vector<16xi32>
      %eq3A_181 = arith.cmpi eq, %get3A_52, %broadcast_in_dim3A_180 : vector<16xi32>
      %select_n3A_182 = arith.select %eq3A_181, %broadcast_in_dim3A_178, %broadcast_in_dim3A_177 : vector<16xi1>, vector<16xi32>
      %slice3A_183 = vector.extract_strided_slice %select_n3A_175 {offsets = [1], sizes = [1], strides = [1]} : vector<16xi32> to vector<1xi32>
      %squeeze3A_184 = vector.extract %slice3A_183[0] : i32 from vector<1xi32>
      %broadcast_in_dim3A_185 = vector.broadcast %squeeze3A_184 : i32 to vector<16xi32>
      %broadcast_in_dim3A_186 = arith.constant 1 : i32
      %broadcast_in_dim3A_187 = vector.broadcast %broadcast_in_dim3A_186 : i32 to vector<16xi32>
      %eq3A_188 = arith.cmpi eq, %get3A_52, %broadcast_in_dim3A_187 : vector<16xi32>
      %select_n3A_189 = arith.select %eq3A_188, %broadcast_in_dim3A_185, %select_n3A_182 : vector<16xi1>, vector<16xi32>
      %slice3A_190 = vector.extract_strided_slice %select_n3A_175 {offsets = [2], sizes = [1], strides = [1]} : vector<16xi32> to vector<1xi32>
      %squeeze3A_191 = vector.extract %slice3A_190[0] : i32 from vector<1xi32>
      %broadcast_in_dim3A_192 = vector.broadcast %squeeze3A_191 : i32 to vector<16xi32>
      %broadcast_in_dim3A_193 = arith.constant 2 : i32
      %broadcast_in_dim3A_194 = vector.broadcast %broadcast_in_dim3A_193 : i32 to vector<16xi32>
      %eq3A_195 = arith.cmpi eq, %get3A_52, %broadcast_in_dim3A_194 : vector<16xi32>
      %select_n3A_196 = arith.select %eq3A_195, %broadcast_in_dim3A_192, %select_n3A_189 : vector<16xi1>, vector<16xi32>
      %slice3A_197 = vector.extract_strided_slice %select_n3A_175 {offsets = [3], sizes = [1], strides = [1]} : vector<16xi32> to vector<1xi32>
      %squeeze3A_198 = vector.extract %slice3A_197[0] : i32 from vector<1xi32>
      %broadcast_in_dim3A_199 = vector.broadcast %squeeze3A_198 : i32 to vector<16xi32>
      %broadcast_in_dim3A_200 = arith.constant 3 : i32
      %broadcast_in_dim3A_201 = vector.broadcast %broadcast_in_dim3A_200 : i32 to vector<16xi32>
      %eq3A_202 = arith.cmpi eq, %get3A_52, %broadcast_in_dim3A_201 : vector<16xi32>
      %select_n3A_203 = arith.select %eq3A_202, %broadcast_in_dim3A_199, %select_n3A_196 : vector<16xi1>, vector<16xi32>
      %slice3A_204 = vector.extract_strided_slice %select_n3A_175 {offsets = [4], sizes = [1], strides = [1]} : vector<16xi32> to vector<1xi32>
      %squeeze3A_205 = vector.extract %slice3A_204[0] : i32 from vector<1xi32>
      %broadcast_in_dim3A_206 = vector.broadcast %squeeze3A_205 : i32 to vector<16xi32>
      %broadcast_in_dim3A_207 = arith.constant 4 : i32
      %broadcast_in_dim3A_208 = vector.broadcast %broadcast_in_dim3A_207 : i32 to vector<16xi32>
      %eq3A_209 = arith.cmpi eq, %get3A_52, %broadcast_in_dim3A_208 : vector<16xi32>
      %select_n3A_210 = arith.select %eq3A_209, %broadcast_in_dim3A_206, %select_n3A_203 : vector<16xi1>, vector<16xi32>
      %slice3A_211 = vector.extract_strided_slice %select_n3A_175 {offsets = [5], sizes = [1], strides = [1]} : vector<16xi32> to vector<1xi32>
      %squeeze3A_212 = vector.extract %slice3A_211[0] : i32 from vector<1xi32>
      %broadcast_in_dim3A_213 = vector.broadcast %squeeze3A_212 : i32 to vector<16xi32>
      %broadcast_in_dim3A_214 = arith.constant 5 : i32
      %broadcast_in_dim3A_215 = vector.broadcast %broadcast_in_dim3A_214 : i32 to vector<16xi32>
      %eq3A_216 = arith.cmpi eq, %get3A_52, %broadcast_in_dim3A_215 : vector<16xi32>
      %select_n3A_217 = arith.select %eq3A_216, %broadcast_in_dim3A_213, %select_n3A_210 : vector<16xi1>, vector<16xi32>
      %slice3A_218 = vector.extract_strided_slice %select_n3A_175 {offsets = [6], sizes = [1], strides = [1]} : vector<16xi32> to vector<1xi32>
      %squeeze3A_219 = vector.extract %slice3A_218[0] : i32 from vector<1xi32>
      %broadcast_in_dim3A_220 = vector.broadcast %squeeze3A_219 : i32 to vector<16xi32>
      %broadcast_in_dim3A_221 = arith.constant 6 : i32
      %broadcast_in_dim3A_222 = vector.broadcast %broadcast_in_dim3A_221 : i32 to vector<16xi32>
      %eq3A_223 = arith.cmpi eq, %get3A_52, %broadcast_in_dim3A_222 : vector<16xi32>
      %select_n3A_224 = arith.select %eq3A_223, %broadcast_in_dim3A_220, %select_n3A_217 : vector<16xi1>, vector<16xi32>
      %slice3A_225 = vector.extract_strided_slice %select_n3A_175 {offsets = [7], sizes = [1], strides = [1]} : vector<16xi32> to vector<1xi32>
      %squeeze3A_226 = vector.extract %slice3A_225[0] : i32 from vector<1xi32>
      %broadcast_in_dim3A_227 = vector.broadcast %squeeze3A_226 : i32 to vector<16xi32>
      %broadcast_in_dim3A_228 = arith.constant 7 : i32
      %broadcast_in_dim3A_229 = vector.broadcast %broadcast_in_dim3A_228 : i32 to vector<16xi32>
      %eq3A_230 = arith.cmpi eq, %get3A_52, %broadcast_in_dim3A_229 : vector<16xi32>
      %select_n3A_231 = arith.select %eq3A_230, %broadcast_in_dim3A_227, %select_n3A_224 : vector<16xi1>, vector<16xi32>
      %slice3A_232 = vector.extract_strided_slice %select_n3A_175 {offsets = [8], sizes = [1], strides = [1]} : vector<16xi32> to vector<1xi32>
      %squeeze3A_233 = vector.extract %slice3A_232[0] : i32 from vector<1xi32>
      %broadcast_in_dim3A_234 = vector.broadcast %squeeze3A_233 : i32 to vector<16xi32>
      %broadcast_in_dim3A_235 = arith.constant 8 : i32
      %broadcast_in_dim3A_236 = vector.broadcast %broadcast_in_dim3A_235 : i32 to vector<16xi32>
      %eq3A_237 = arith.cmpi eq, %get3A_52, %broadcast_in_dim3A_236 : vector<16xi32>
      %select_n3A_238 = arith.select %eq3A_237, %broadcast_in_dim3A_234, %select_n3A_231 : vector<16xi1>, vector<16xi32>
      %slice3A_239 = vector.extract_strided_slice %select_n3A_175 {offsets = [9], sizes = [1], strides = [1]} : vector<16xi32> to vector<1xi32>
      %squeeze3A_240 = vector.extract %slice3A_239[0] : i32 from vector<1xi32>
      %broadcast_in_dim3A_241 = vector.broadcast %squeeze3A_240 : i32 to vector<16xi32>
      %broadcast_in_dim3A_242 = arith.constant 9 : i32
      %broadcast_in_dim3A_243 = vector.broadcast %broadcast_in_dim3A_242 : i32 to vector<16xi32>
      %eq3A_244 = arith.cmpi eq, %get3A_52, %broadcast_in_dim3A_243 : vector<16xi32>
      %select_n3A_245 = arith.select %eq3A_244, %broadcast_in_dim3A_241, %select_n3A_238 : vector<16xi1>, vector<16xi32>
      %slice3A_246 = vector.extract_strided_slice %select_n3A_175 {offsets = [10], sizes = [1], strides = [1]} : vector<16xi32> to vector<1xi32>
      %squeeze3A_247 = vector.extract %slice3A_246[0] : i32 from vector<1xi32>
      %broadcast_in_dim3A_248 = vector.broadcast %squeeze3A_247 : i32 to vector<16xi32>
      %broadcast_in_dim3A_249 = arith.constant 10 : i32
      %broadcast_in_dim3A_250 = vector.broadcast %broadcast_in_dim3A_249 : i32 to vector<16xi32>
      %eq3A_251 = arith.cmpi eq, %get3A_52, %broadcast_in_dim3A_250 : vector<16xi32>
      %select_n3A_252 = arith.select %eq3A_251, %broadcast_in_dim3A_248, %select_n3A_245 : vector<16xi1>, vector<16xi32>
      %slice3A_253 = vector.extract_strided_slice %select_n3A_175 {offsets = [11], sizes = [1], strides = [1]} : vector<16xi32> to vector<1xi32>
      %squeeze3A_254 = vector.extract %slice3A_253[0] : i32 from vector<1xi32>
      %broadcast_in_dim3A_255 = vector.broadcast %squeeze3A_254 : i32 to vector<16xi32>
      %broadcast_in_dim3A_256 = arith.constant 11 : i32
      %broadcast_in_dim3A_257 = vector.broadcast %broadcast_in_dim3A_256 : i32 to vector<16xi32>
      %eq3A_258 = arith.cmpi eq, %get3A_52, %broadcast_in_dim3A_257 : vector<16xi32>
      %select_n3A_259 = arith.select %eq3A_258, %broadcast_in_dim3A_255, %select_n3A_252 : vector<16xi1>, vector<16xi32>
      %slice3A_260 = vector.extract_strided_slice %select_n3A_175 {offsets = [12], sizes = [1], strides = [1]} : vector<16xi32> to vector<1xi32>
      %squeeze3A_261 = vector.extract %slice3A_260[0] : i32 from vector<1xi32>
      %broadcast_in_dim3A_262 = vector.broadcast %squeeze3A_261 : i32 to vector<16xi32>
      %broadcast_in_dim3A_263 = arith.constant 12 : i32
      %broadcast_in_dim3A_264 = vector.broadcast %broadcast_in_dim3A_263 : i32 to vector<16xi32>
      %eq3A_265 = arith.cmpi eq, %get3A_52, %broadcast_in_dim3A_264 : vector<16xi32>
      %select_n3A_266 = arith.select %eq3A_265, %broadcast_in_dim3A_262, %select_n3A_259 : vector<16xi1>, vector<16xi32>
      %slice3A_267 = vector.extract_strided_slice %select_n3A_175 {offsets = [13], sizes = [1], strides = [1]} : vector<16xi32> to vector<1xi32>
      %squeeze3A_268 = vector.extract %slice3A_267[0] : i32 from vector<1xi32>
      %broadcast_in_dim3A_269 = vector.broadcast %squeeze3A_268 : i32 to vector<16xi32>
      %broadcast_in_dim3A_270 = arith.constant 13 : i32
      %broadcast_in_dim3A_271 = vector.broadcast %broadcast_in_dim3A_270 : i32 to vector<16xi32>
      %eq3A_272 = arith.cmpi eq, %get3A_52, %broadcast_in_dim3A_271 : vector<16xi32>
      %select_n3A_273 = arith.select %eq3A_272, %broadcast_in_dim3A_269, %select_n3A_266 : vector<16xi1>, vector<16xi32>
      %slice3A_274 = vector.extract_strided_slice %select_n3A_175 {offsets = [14], sizes = [1], strides = [1]} : vector<16xi32> to vector<1xi32>
      %squeeze3A_275 = vector.extract %slice3A_274[0] : i32 from vector<1xi32>
      %broadcast_in_dim3A_276 = vector.broadcast %squeeze3A_275 : i32 to vector<16xi32>
      %broadcast_in_dim3A_277 = arith.constant 14 : i32
      %broadcast_in_dim3A_278 = vector.broadcast %broadcast_in_dim3A_277 : i32 to vector<16xi32>
      %eq3A_279 = arith.cmpi eq, %get3A_52, %broadcast_in_dim3A_278 : vector<16xi32>
      %select_n3A_280 = arith.select %eq3A_279, %broadcast_in_dim3A_276, %select_n3A_273 : vector<16xi1>, vector<16xi32>
      %slice3A_281 = vector.extract_strided_slice %select_n3A_175 {offsets = [15], sizes = [1], strides = [1]} : vector<16xi32> to vector<1xi32>
      %squeeze3A_282 = vector.extract %slice3A_281[0] : i32 from vector<1xi32>
      %broadcast_in_dim3A_283 = vector.broadcast %squeeze3A_282 : i32 to vector<16xi32>
      %broadcast_in_dim3A_284 = arith.constant 15 : i32
      %broadcast_in_dim3A_285 = vector.broadcast %broadcast_in_dim3A_284 : i32 to vector<16xi32>
      %eq3A_286 = arith.cmpi eq, %get3A_52, %broadcast_in_dim3A_285 : vector<16xi32>
      %select_n3A_287 = arith.select %eq3A_286, %broadcast_in_dim3A_283, %select_n3A_280 : vector<16xi1>, vector<16xi32>
      %swap3A = arith.constant 0 : index
      %swap3A_288 = tpu.vector_load %arg11[%swap3A] {strides = array<i32>} : memref<16xi32, #tpu.memory_space<vmem>>, vector<16xi32>,
      %swap3A_289 = vector.shape_cast %swap3A_288 : vector<16xi32> to vector<16xi32>
      %swap3A_290 = vector.shape_cast %select_n3A_287 : vector<16xi32> to vector<16xi32>
      tpu.vector_store %arg11[%swap3A], %swap3A_290 {strides = array<i32>} : memref<16xi32, #tpu.memory_space<vmem>>, vector<16xi32>,
      %eq3A_291 = arith.constant 0 : i32
      %eq3A_292 = arith.cmpi eq, %select_n3A, %eq3A_291 : i32
      %convert_element_type3A_293 = arith.extui %eq3A_292 : i1 to i32
      %cond3A_294 = arith.constant 0 : i32
      %cond3A_295 = arith.cmpi ne, %convert_element_type3A_293, %cond3A_294 : i32
      scf.if %cond3A_295 {
        "tpu.region"() ({
          %run_scoped3A = tpu.sem_alloc : memref<!tpu.dma_semaphore, #tpu.memory_space<semaphore_mem>>
          %dma_start3A = tpu.memref_slice %arg6[%multiple_of3A] : memref<64xi32, #tpu.memory_space<hbm>> -> memref<16xi32, #tpu.memory_space<hbm>>
          %dma_start3A_306 = tpu.memref_slice %arg6[%multiple_of3A] : memref<64xi32, #tpu.memory_space<hbm>> -> memref<16xi32, #tpu.memory_space<hbm>>
          tpu.enqueue_dma source(%arg11 : memref<16xi32, #tpu.memory_space<vmem>>) target(%dma_start3A_306 : memref<16xi32, #tpu.memory_space<hbm>>) target_semaphore(%run_scoped3A : memref<!tpu.dma_semaphore, #tpu.memory_space<semaphore_mem>>)
          %dma_wait3A = tpu.memref_slice %arg6[%multiple_of3A] : memref<64xi32, #tpu.memory_space<hbm>> -> memref<16xi32, #tpu.memory_space<hbm>>
          %dma_wait3A_307 = tpu.memref_slice %arg6[%multiple_of3A] : memref<64xi32, #tpu.memory_space<hbm>> -> memref<16xi32, #tpu.memory_space<hbm>>
          tpu.wait_dma2 semaphore(%run_scoped3A : memref<!tpu.dma_semaphore, #tpu.memory_space<semaphore_mem>>) src(%arg11 : memref<16xi32, #tpu.memory_space<vmem>>) dst(%dma_wait3A_307 : memref<16xi32, #tpu.memory_space<hbm>>)
          tpu.yield
        }) : () -> ()
      } else {
      }
      %eq3A_296 = arith.constant 1 : i32
      %eq3A_297 = arith.cmpi eq, %select_n3A, %eq3A_296 : i32
      %convert_element_type3A_298 = arith.extui %eq3A_297 : i1 to i32
      %cond3A_299 = arith.constant 0 : i32
      %cond3A_300 = arith.cmpi ne, %convert_element_type3A_298, %cond3A_299 : i32
      scf.if %cond3A_300 {
        "tpu.region"() ({
          %run_scoped3A = tpu.sem_alloc : memref<!tpu.dma_semaphore, #tpu.memory_space<semaphore_mem>>
          %dma_start3A = tpu.memref_slice %arg7[%multiple_of3A] : memref<64xi32, #tpu.memory_space<hbm>> -> memref<16xi32, #tpu.memory_space<hbm>>
          %dma_start3A_306 = tpu.memref_slice %arg7[%multiple_of3A] : memref<64xi32, #tpu.memory_space<hbm>> -> memref<16xi32, #tpu.memory_space<hbm>>
          tpu.enqueue_dma source(%arg11 : memref<16xi32, #tpu.memory_space<vmem>>) target(%dma_start3A_306 : memref<16xi32, #tpu.memory_space<hbm>>) target_semaphore(%run_scoped3A : memref<!tpu.dma_semaphore, #tpu.memory_space<semaphore_mem>>)
          %dma_wait3A = tpu.memref_slice %arg7[%multiple_of3A] : memref<64xi32, #tpu.memory_space<hbm>> -> memref<16xi32, #tpu.memory_space<hbm>>
          %dma_wait3A_307 = tpu.memref_slice %arg7[%multiple_of3A] : memref<64xi32, #tpu.memory_space<hbm>> -> memref<16xi32, #tpu.memory_space<hbm>>
          tpu.wait_dma2 semaphore(%run_scoped3A : memref<!tpu.dma_semaphore, #tpu.memory_space<semaphore_mem>>) src(%arg11 : memref<16xi32, #tpu.memory_space<vmem>>) dst(%dma_wait3A_307 : memref<16xi32, #tpu.memory_space<hbm>>)
          tpu.yield
        }) : () -> ()
      } else {
      }
      %eq3A_301 = arith.constant 2 : i32
      %eq3A_302 = arith.cmpi eq, %select_n3A, %eq3A_301 : i32
      %convert_element_type3A_303 = arith.extui %eq3A_302 : i1 to i32
      %cond3A_304 = arith.constant 0 : i32
      %cond3A_305 = arith.cmpi ne, %convert_element_type3A_303, %cond3A_304 : i32
      scf.if %cond3A_305 {
        "tpu.region"() ({
          %run_scoped3A = tpu.sem_alloc : memref<!tpu.dma_semaphore, #tpu.memory_space<semaphore_mem>>
          %dma_start3A = tpu.memref_slice %arg8[%multiple_of3A] : memref<64xi32, #tpu.memory_space<hbm>> -> memref<16xi32, #tpu.memory_space<hbm>>
          %dma_start3A_306 = tpu.memref_slice %arg8[%multiple_of3A] : memref<64xi32, #tpu.memory_space<hbm>> -> memref<16xi32, #tpu.memory_space<hbm>>
          tpu.enqueue_dma source(%arg11 : memref<16xi32, #tpu.memory_space<vmem>>) target(%dma_start3A_306 : memref<16xi32, #tpu.memory_space<hbm>>) target_semaphore(%run_scoped3A : memref<!tpu.dma_semaphore, #tpu.memory_space<semaphore_mem>>)
          %dma_wait3A = tpu.memref_slice %arg8[%multiple_of3A] : memref<64xi32, #tpu.memory_space<hbm>> -> memref<16xi32, #tpu.memory_space<hbm>>
          %dma_wait3A_307 = tpu.memref_slice %arg8[%multiple_of3A] : memref<64xi32, #tpu.memory_space<hbm>> -> memref<16xi32, #tpu.memory_space<hbm>>
          tpu.wait_dma2 semaphore(%run_scoped3A : memref<!tpu.dma_semaphore, #tpu.memory_space<semaphore_mem>>) src(%arg11 : memref<16xi32, #tpu.memory_space<vmem>>) dst(%dma_wait3A_307 : memref<16xi32, #tpu.memory_space<hbm>>)
          tpu.yield
        }) : () -> ()
      } else {
      }
    } else {
    }
    return
  }
}

module attributes {stable_mosaic.version = 14 : i64} {
  func.func @_trunk_body(%arg0: i32, %arg1: memref<4x5120x27xbf16, #tpu.memory_space<vmem>>, %arg2: memref<27x160xbf16, #tpu.memory_space<vmem>>, %arg3: memref<1x160xf32, #tpu.memory_space<vmem>>, %arg4: memref<1440x160xbf16, #tpu.memory_space<vmem>>, %arg5: memref<1x160xf32, #tpu.memory_space<vmem>>, %arg6: memref<1440x160xbf16, #tpu.memory_space<vmem>>, %arg7: memref<1x160xf32, #tpu.memory_space<vmem>>, %arg8: memref<1440x160xbf16, #tpu.memory_space<vmem>>, %arg9: memref<1x160xf32, #tpu.memory_space<vmem>>, %arg10: memref<1x160xf32, #tpu.memory_space<vmem>>, %arg11: memref<1x160xf32, #tpu.memory_space<vmem>>, %arg12: memref<4x160x16xf32, #tpu.memory_space<vmem>>) attributes {dimension_semantics = [#tpu.dimension_semantics<parallel>], iteration_bounds = array<i64: 16>, scalar_prefetch = 0 : i64, scratch_operands = 0 : i64, tpu.core_type = #tpu.core_type<tc>, window_params = [{transform_indices = @transform_0, window_bounds = array<i64: 4, 5120, 27>}, {pipeline_mode = #tpu.pipeline_mode<synchronous>, transform_indices = @transform_1, window_bounds = array<i64: 27, 160>}, {pipeline_mode = #tpu.pipeline_mode<synchronous>, transform_indices = @transform_2, window_bounds = array<i64: 1, 160>}, {pipeline_mode = #tpu.pipeline_mode<synchronous>, transform_indices = @transform_3, window_bounds = array<i64: 1440, 160>}, {pipeline_mode = #tpu.pipeline_mode<synchronous>, transform_indices = @transform_4, window_bounds = array<i64: 1, 160>}, {pipeline_mode = #tpu.pipeline_mode<synchronous>, transform_indices = @transform_5, window_bounds = array<i64: 1440, 160>}, {pipeline_mode = #tpu.pipeline_mode<synchronous>, transform_indices = @transform_6, window_bounds = array<i64: 1, 160>}, {pipeline_mode = #tpu.pipeline_mode<synchronous>, transform_indices = @transform_7, window_bounds = array<i64: 1440, 160>}, {pipeline_mode = #tpu.pipeline_mode<synchronous>, transform_indices = @transform_8, window_bounds = array<i64: 1, 160>}, {pipeline_mode = #tpu.pipeline_mode<synchronous>, transform_indices = @transform_9, window_bounds = array<i64: 1, 160>}, {pipeline_mode = #tpu.pipeline_mode<synchronous>, transform_indices = @transform_10, window_bounds = array<i64: 1, 160>}, {transform_indices = @transform_11, window_bounds = array<i64: 4, 160, 16>}]} {
    %get3A = arith.constant 0 : index
    %get3A_0 = arith.constant 0 : index
    %get3A_1 = arith.constant 0 : index
    %get3A_2 = vector.load %arg1[%get3A, %get3A_0, %get3A_1] : memref<4x5120x27xbf16, #tpu.memory_space<vmem>>, vector<1x5120x27xbf16>
    %get3A_3 = vector.shape_cast %get3A_2 : vector<1x5120x27xbf16> to vector<5120x27xbf16>
    %get3A_4 = arith.constant 0 : index
    %get3A_5 = arith.constant 0 : index
    %get3A_6 = vector.load %arg2[%get3A_4, %get3A_5] : memref<27x160xbf16, #tpu.memory_space<vmem>>, vector<27x160xbf16>
    %dot_general3A = arith.constant dense<0.000000e+00> : vector<5120x160xf32>
    %dot_general3A_7 = tpu.matmul %get3A_3, %get3A_6, %dot_general3A {dimension_numbers = #tpu.dot_dimension_numbers<[1], [0], [0], [1], [0, 0, 1, 1], [], []>, transpose_lhs_hint = false} : vector<5120x27xbf16>, vector<27x160xbf16>, vector<5120x160xf32> -> vector<5120x160xf32>
    %get3A_8 = arith.constant 0 : index
    %get3A_9 = arith.constant 0 : index
    %get3A_10 = vector.load %arg3[%get3A_8, %get3A_9] : memref<1x160xf32, #tpu.memory_space<vmem>>, vector<1x160xf32>
    %get3A_11 = vector.shape_cast %get3A_10 : vector<1x160xf32> to vector<160xf32>
    %reshape3A = vector.shape_cast %dot_general3A_7 : vector<5120x160xf32> to vector<32x2x80x160xf32>
    %slice3A = vector.extract_strided_slice %reshape3A {offsets = [0, 0, 0, 0], sizes = [32, 1, 80, 160], strides = [1, 1, 1, 1]} : vector<32x2x80x160xf32> to vector<32x1x80x160xf32>
    %squeeze3A = vector.shape_cast %slice3A : vector<32x1x80x160xf32> to vector<32x80x160xf32>
    %slice3A_12 = vector.extract_strided_slice %reshape3A {offsets = [0, 1, 0, 0], sizes = [32, 1, 80, 160], strides = [1, 1, 1, 1]} : vector<32x2x80x160xf32> to vector<32x1x80x160xf32>
    %squeeze3A_13 = vector.shape_cast %slice3A_12 : vector<32x1x80x160xf32> to vector<32x80x160xf32>
    %max3A = arith.maximumf %squeeze3A, %squeeze3A_13 : vector<32x80x160xf32>
    %slice3A_14 = vector.extract_strided_slice %max3A {offsets = [0, 8, 0], sizes = [32, 64, 160], strides = [1, 1, 1]} : vector<32x80x160xf32> to vector<32x64x160xf32>
    %reshape3A_15 = vector.shape_cast %slice3A_14 : vector<32x64x160xf32> to vector<32x32x2x160xf32>
    %slice3A_16 = vector.extract_strided_slice %reshape3A_15 {offsets = [0, 0, 0, 0], sizes = [32, 32, 1, 160], strides = [1, 1, 1, 1]} : vector<32x32x2x160xf32> to vector<32x32x1x160xf32>
    %squeeze3A_17 = vector.shape_cast %slice3A_16 : vector<32x32x1x160xf32> to vector<32x32x160xf32>
    %slice3A_18 = vector.extract_strided_slice %reshape3A_15 {offsets = [0, 0, 1, 0], sizes = [32, 32, 1, 160], strides = [1, 1, 1, 1]} : vector<32x32x2x160xf32> to vector<32x32x1x160xf32>
    %squeeze3A_19 = vector.shape_cast %slice3A_18 : vector<32x32x1x160xf32> to vector<32x32x160xf32>
    %max3A_20 = arith.maximumf %squeeze3A_17, %squeeze3A_19 : vector<32x32x160xf32>
    %broadcast_in_dim3A = vector.shape_cast %get3A_11 : vector<160xf32> to vector<1x1x160xf32>
    %add3A = vector.broadcast %broadcast_in_dim3A : vector<1x1x160xf32> to vector<32x32x160xf32>
    %add3A_21 = arith.addf %max3A_20, %add3A : vector<32x32x160xf32>
    %max3A_22 = arith.constant 0.000000e+00 : f32
    %max3A_23 = vector.broadcast %max3A_22 : f32 to vector<32x32x160xf32>
    %max3A_24 = arith.maximumf %add3A_21, %max3A_23 : vector<32x32x160xf32>
    %convert_element_type3A = arith.truncf %max3A_24 : vector<32x32x160xf32> to vector<32x32x160xbf16>
    %jit3A = arith.constant 0 : i32
    %convert_element_type3A_25 = arith.sitofp %jit3A : i32 to bf16
    %pad3A = vector.broadcast %convert_element_type3A_25 : bf16 to vector<1x32x160xbf16>
    %pad3A_26 = tpu.concatenate %pad3A, %convert_element_type3A in 0 : vector<1x32x160xbf16>, vector<32x32x160xbf16> -> vector<33x32x160xbf16>
    %pad3A_27 = vector.broadcast %convert_element_type3A_25 : bf16 to vector<2x32x160xbf16>
    %pad3A_28 = tpu.concatenate %pad3A_26, %pad3A_27 in 0 : vector<33x32x160xbf16>, vector<2x32x160xbf16> -> vector<35x32x160xbf16>
    %pad3A_29 = vector.broadcast %convert_element_type3A_25 : bf16 to vector<35x9x160xbf16>
    %pad3A_30 = tpu.concatenate %pad3A_29, %pad3A_28 in 1 : vector<35x9x160xbf16>, vector<35x32x160xbf16> -> vector<35x41x160xbf16>
    %pad3A_31 = vector.broadcast %convert_element_type3A_25 : bf16 to vector<35x7x160xbf16>
    %pad3A_32 = tpu.concatenate %pad3A_30, %pad3A_31 in 1 : vector<35x41x160xbf16>, vector<35x7x160xbf16> -> vector<35x48x160xbf16>
    %reshape3A_33 = vector.shape_cast %pad3A_32 : vector<35x48x160xbf16> to vector<1680x160xbf16>
    %get3A_34 = arith.constant 0 : index
    %get3A_35 = arith.constant 0 : index
    %get3A_36 = vector.load %arg4[%get3A_34, %get3A_35] : memref<1440x160xbf16, #tpu.memory_space<vmem>>, vector<1440x160xbf16>
    %get3A_37 = arith.constant 0 : index
    %get3A_38 = arith.constant 0 : index
    %get3A_39 = vector.load %arg5[%get3A_37, %get3A_38] : memref<1x160xf32, #tpu.memory_space<vmem>>, vector<1x160xf32>
    %get3A_40 = vector.shape_cast %get3A_39 : vector<1x160xf32> to vector<160xf32>
    %slice3A_41 = vector.extract_strided_slice %reshape3A_33 {offsets = [0, 0], sizes = [1536, 160], strides = [1, 1]} : vector<1680x160xbf16> to vector<1536x160xbf16>
    %slice3A_42 = vector.extract_strided_slice %reshape3A_33 {offsets = [1, 0], sizes = [1536, 160], strides = [1, 1]} : vector<1680x160xbf16> to vector<1536x160xbf16>
    %slice3A_43 = vector.extract_strided_slice %reshape3A_33 {offsets = [2, 0], sizes = [1536, 160], strides = [1, 1]} : vector<1680x160xbf16> to vector<1536x160xbf16>
    %slice3A_44 = vector.extract_strided_slice %reshape3A_33 {offsets = [48, 0], sizes = [1536, 160], strides = [1, 1]} : vector<1680x160xbf16> to vector<1536x160xbf16>
    %slice3A_45 = vector.extract_strided_slice %reshape3A_33 {offsets = [49, 0], sizes = [1536, 160], strides = [1, 1]} : vector<1680x160xbf16> to vector<1536x160xbf16>
    %slice3A_46 = vector.extract_strided_slice %reshape3A_33 {offsets = [50, 0], sizes = [1536, 160], strides = [1, 1]} : vector<1680x160xbf16> to vector<1536x160xbf16>
    %slice3A_47 = vector.extract_strided_slice %reshape3A_33 {offsets = [96, 0], sizes = [1536, 160], strides = [1, 1]} : vector<1680x160xbf16> to vector<1536x160xbf16>
    %slice3A_48 = vector.extract_strided_slice %reshape3A_33 {offsets = [97, 0], sizes = [1536, 160], strides = [1, 1]} : vector<1680x160xbf16> to vector<1536x160xbf16>
    %slice3A_49 = vector.extract_strided_slice %reshape3A_33 {offsets = [98, 0], sizes = [1536, 160], strides = [1, 1]} : vector<1680x160xbf16> to vector<1536x160xbf16>
    %concatenate3A = tpu.concatenate %slice3A_41, %slice3A_42, %slice3A_43, %slice3A_44, %slice3A_45, %slice3A_46, %slice3A_47, %slice3A_48, %slice3A_49 in 1 : vector<1536x160xbf16>, vector<1536x160xbf16>, vector<1536x160xbf16>, vector<1536x160xbf16>, vector<1536x160xbf16>, vector<1536x160xbf16>, vector<1536x160xbf16>, vector<1536x160xbf16>, vector<1536x160xbf16> -> vector<1536x1440xbf16>
    %dot_general3A_50 = arith.constant dense<0.000000e+00> : vector<1536x160xf32>
    %dot_general3A_51 = tpu.matmul %concatenate3A, %get3A_36, %dot_general3A_50 {dimension_numbers = #tpu.dot_dimension_numbers<[1], [0], [0], [1], [0, 0, 1, 1], [], []>, transpose_lhs_hint = false} : vector<1536x1440xbf16>, vector<1440x160xbf16>, vector<1536x160xf32> -> vector<1536x160xf32>
    %reshape3A_52 = vector.shape_cast %dot_general3A_51 : vector<1536x160xf32> to vector<16x2x48x160xf32>
    %slice3A_53 = vector.extract_strided_slice %reshape3A_52 {offsets = [0, 0, 0, 0], sizes = [16, 1, 48, 160], strides = [1, 1, 1, 1]} : vector<16x2x48x160xf32> to vector<16x1x48x160xf32>
    %squeeze3A_54 = vector.shape_cast %slice3A_53 : vector<16x1x48x160xf32> to vector<16x48x160xf32>
    %slice3A_55 = vector.extract_strided_slice %reshape3A_52 {offsets = [0, 1, 0, 0], sizes = [16, 1, 48, 160], strides = [1, 1, 1, 1]} : vector<16x2x48x160xf32> to vector<16x1x48x160xf32>
    %squeeze3A_56 = vector.shape_cast %slice3A_55 : vector<16x1x48x160xf32> to vector<16x48x160xf32>
    %max3A_57 = arith.maximumf %squeeze3A_54, %squeeze3A_56 : vector<16x48x160xf32>
    %slice3A_58 = vector.extract_strided_slice %max3A_57 {offsets = [0, 8, 0], sizes = [16, 32, 160], strides = [1, 1, 1]} : vector<16x48x160xf32> to vector<16x32x160xf32>
    %reshape3A_59 = vector.shape_cast %slice3A_58 : vector<16x32x160xf32> to vector<16x16x2x160xf32>
    %slice3A_60 = vector.extract_strided_slice %reshape3A_59 {offsets = [0, 0, 0, 0], sizes = [16, 16, 1, 160], strides = [1, 1, 1, 1]} : vector<16x16x2x160xf32> to vector<16x16x1x160xf32>
    %squeeze3A_61 = vector.shape_cast %slice3A_60 : vector<16x16x1x160xf32> to vector<16x16x160xf32>
    %slice3A_62 = vector.extract_strided_slice %reshape3A_59 {offsets = [0, 0, 1, 0], sizes = [16, 16, 1, 160], strides = [1, 1, 1, 1]} : vector<16x16x2x160xf32> to vector<16x16x1x160xf32>
    %squeeze3A_63 = vector.shape_cast %slice3A_62 : vector<16x16x1x160xf32> to vector<16x16x160xf32>
    %max3A_64 = arith.maximumf %squeeze3A_61, %squeeze3A_63 : vector<16x16x160xf32>
    %broadcast_in_dim3A_65 = vector.shape_cast %get3A_40 : vector<160xf32> to vector<1x1x160xf32>
    %add3A_66 = vector.broadcast %broadcast_in_dim3A_65 : vector<1x1x160xf32> to vector<16x16x160xf32>
    %add3A_67 = arith.addf %max3A_64, %add3A_66 : vector<16x16x160xf32>
    %max3A_68 = arith.constant 0.000000e+00 : f32
    %max3A_69 = vector.broadcast %max3A_68 : f32 to vector<16x16x160xf32>
    %max3A_70 = arith.maximumf %add3A_67, %max3A_69 : vector<16x16x160xf32>
    %convert_element_type3A_71 = arith.truncf %max3A_70 : vector<16x16x160xf32> to vector<16x16x160xbf16>
    %jit3A_72 = arith.constant 0 : i32
    %convert_element_type3A_73 = arith.sitofp %jit3A_72 : i32 to bf16
    %pad3A_74 = vector.broadcast %convert_element_type3A_73 : bf16 to vector<1x16x160xbf16>
    %pad3A_75 = tpu.concatenate %pad3A_74, %convert_element_type3A_71 in 0 : vector<1x16x160xbf16>, vector<16x16x160xbf16> -> vector<17x16x160xbf16>
    %pad3A_76 = vector.broadcast %convert_element_type3A_73 : bf16 to vector<2x16x160xbf16>
    %pad3A_77 = tpu.concatenate %pad3A_75, %pad3A_76 in 0 : vector<17x16x160xbf16>, vector<2x16x160xbf16> -> vector<19x16x160xbf16>
    %pad3A_78 = vector.broadcast %convert_element_type3A_73 : bf16 to vector<19x9x160xbf16>
    %pad3A_79 = tpu.concatenate %pad3A_78, %pad3A_77 in 1 : vector<19x9x160xbf16>, vector<19x16x160xbf16> -> vector<19x25x160xbf16>
    %pad3A_80 = vector.broadcast %convert_element_type3A_73 : bf16 to vector<19x7x160xbf16>
    %pad3A_81 = tpu.concatenate %pad3A_79, %pad3A_80 in 1 : vector<19x25x160xbf16>, vector<19x7x160xbf16> -> vector<19x32x160xbf16>
    %reshape3A_82 = vector.shape_cast %pad3A_81 : vector<19x32x160xbf16> to vector<608x160xbf16>
    %get3A_83 = arith.constant 0 : index
    %get3A_84 = arith.constant 0 : index
    %get3A_85 = vector.load %arg6[%get3A_83, %get3A_84] : memref<1440x160xbf16, #tpu.memory_space<vmem>>, vector<1440x160xbf16>
    %get3A_86 = arith.constant 0 : index
    %get3A_87 = arith.constant 0 : index
    %get3A_88 = vector.load %arg7[%get3A_86, %get3A_87] : memref<1x160xf32, #tpu.memory_space<vmem>>, vector<1x160xf32>
    %get3A_89 = vector.shape_cast %get3A_88 : vector<1x160xf32> to vector<160xf32>
    %slice3A_90 = vector.extract_strided_slice %reshape3A_82 {offsets = [0, 0], sizes = [512, 160], strides = [1, 1]} : vector<608x160xbf16> to vector<512x160xbf16>
    %slice3A_91 = vector.extract_strided_slice %reshape3A_82 {offsets = [1, 0], sizes = [512, 160], strides = [1, 1]} : vector<608x160xbf16> to vector<512x160xbf16>
    %slice3A_92 = vector.extract_strided_slice %reshape3A_82 {offsets = [2, 0], sizes = [512, 160], strides = [1, 1]} : vector<608x160xbf16> to vector<512x160xbf16>
    %slice3A_93 = vector.extract_strided_slice %reshape3A_82 {offsets = [32, 0], sizes = [512, 160], strides = [1, 1]} : vector<608x160xbf16> to vector<512x160xbf16>
    %slice3A_94 = vector.extract_strided_slice %reshape3A_82 {offsets = [33, 0], sizes = [512, 160], strides = [1, 1]} : vector<608x160xbf16> to vector<512x160xbf16>
    %slice3A_95 = vector.extract_strided_slice %reshape3A_82 {offsets = [34, 0], sizes = [512, 160], strides = [1, 1]} : vector<608x160xbf16> to vector<512x160xbf16>
    %slice3A_96 = vector.extract_strided_slice %reshape3A_82 {offsets = [64, 0], sizes = [512, 160], strides = [1, 1]} : vector<608x160xbf16> to vector<512x160xbf16>
    %slice3A_97 = vector.extract_strided_slice %reshape3A_82 {offsets = [65, 0], sizes = [512, 160], strides = [1, 1]} : vector<608x160xbf16> to vector<512x160xbf16>
    %slice3A_98 = vector.extract_strided_slice %reshape3A_82 {offsets = [66, 0], sizes = [512, 160], strides = [1, 1]} : vector<608x160xbf16> to vector<512x160xbf16>
    %concatenate3A_99 = tpu.concatenate %slice3A_90, %slice3A_91, %slice3A_92, %slice3A_93, %slice3A_94, %slice3A_95, %slice3A_96, %slice3A_97, %slice3A_98 in 1 : vector<512x160xbf16>, vector<512x160xbf16>, vector<512x160xbf16>, vector<512x160xbf16>, vector<512x160xbf16>, vector<512x160xbf16>, vector<512x160xbf16>, vector<512x160xbf16>, vector<512x160xbf16> -> vector<512x1440xbf16>
    %dot_general3A_100 = arith.constant dense<0.000000e+00> : vector<512x160xf32>
    %dot_general3A_101 = tpu.matmul %concatenate3A_99, %get3A_85, %dot_general3A_100 {dimension_numbers = #tpu.dot_dimension_numbers<[1], [0], [0], [1], [0, 0, 1, 1], [], []>, transpose_lhs_hint = false} : vector<512x1440xbf16>, vector<1440x160xbf16>, vector<512x160xf32> -> vector<512x160xf32>
    %reshape3A_102 = vector.shape_cast %dot_general3A_101 : vector<512x160xf32> to vector<8x2x32x160xf32>
    %slice3A_103 = vector.extract_strided_slice %reshape3A_102 {offsets = [0, 0, 0, 0], sizes = [8, 1, 32, 160], strides = [1, 1, 1, 1]} : vector<8x2x32x160xf32> to vector<8x1x32x160xf32>
    %squeeze3A_104 = vector.shape_cast %slice3A_103 : vector<8x1x32x160xf32> to vector<8x32x160xf32>
    %slice3A_105 = vector.extract_strided_slice %reshape3A_102 {offsets = [0, 1, 0, 0], sizes = [8, 1, 32, 160], strides = [1, 1, 1, 1]} : vector<8x2x32x160xf32> to vector<8x1x32x160xf32>
    %squeeze3A_106 = vector.shape_cast %slice3A_105 : vector<8x1x32x160xf32> to vector<8x32x160xf32>
    %max3A_107 = arith.maximumf %squeeze3A_104, %squeeze3A_106 : vector<8x32x160xf32>
    %slice3A_108 = vector.extract_strided_slice %max3A_107 {offsets = [0, 8, 0], sizes = [8, 16, 160], strides = [1, 1, 1]} : vector<8x32x160xf32> to vector<8x16x160xf32>
    %reshape3A_109 = vector.shape_cast %slice3A_108 : vector<8x16x160xf32> to vector<8x8x2x160xf32>
    %slice3A_110 = vector.extract_strided_slice %reshape3A_109 {offsets = [0, 0, 0, 0], sizes = [8, 8, 1, 160], strides = [1, 1, 1, 1]} : vector<8x8x2x160xf32> to vector<8x8x1x160xf32>
    %squeeze3A_111 = vector.shape_cast %slice3A_110 : vector<8x8x1x160xf32> to vector<8x8x160xf32>
    %slice3A_112 = vector.extract_strided_slice %reshape3A_109 {offsets = [0, 0, 1, 0], sizes = [8, 8, 1, 160], strides = [1, 1, 1, 1]} : vector<8x8x2x160xf32> to vector<8x8x1x160xf32>
    %squeeze3A_113 = vector.shape_cast %slice3A_112 : vector<8x8x1x160xf32> to vector<8x8x160xf32>
    %max3A_114 = arith.maximumf %squeeze3A_111, %squeeze3A_113 : vector<8x8x160xf32>
    %broadcast_in_dim3A_115 = vector.shape_cast %get3A_89 : vector<160xf32> to vector<1x1x160xf32>
    %add3A_116 = vector.broadcast %broadcast_in_dim3A_115 : vector<1x1x160xf32> to vector<8x8x160xf32>
    %add3A_117 = arith.addf %max3A_114, %add3A_116 : vector<8x8x160xf32>
    %max3A_118 = arith.constant 0.000000e+00 : f32
    %max3A_119 = vector.broadcast %max3A_118 : f32 to vector<8x8x160xf32>
    %max3A_120 = arith.maximumf %add3A_117, %max3A_119 : vector<8x8x160xf32>
    %convert_element_type3A_121 = arith.truncf %max3A_120 : vector<8x8x160xf32> to vector<8x8x160xbf16>
    %jit3A_122 = arith.constant 0 : i32
    %convert_element_type3A_123 = arith.sitofp %jit3A_122 : i32 to bf16
    %pad3A_124 = vector.broadcast %convert_element_type3A_123 : bf16 to vector<1x8x160xbf16>
    %pad3A_125 = tpu.concatenate %pad3A_124, %convert_element_type3A_121 in 0 : vector<1x8x160xbf16>, vector<8x8x160xbf16> -> vector<9x8x160xbf16>
    %pad3A_126 = vector.broadcast %convert_element_type3A_123 : bf16 to vector<2x8x160xbf16>
    %pad3A_127 = tpu.concatenate %pad3A_125, %pad3A_126 in 0 : vector<9x8x160xbf16>, vector<2x8x160xbf16> -> vector<11x8x160xbf16>
    %pad3A_128 = vector.broadcast %convert_element_type3A_123 : bf16 to vector<11x9x160xbf16>
    %pad3A_129 = tpu.concatenate %pad3A_128, %pad3A_127 in 1 : vector<11x9x160xbf16>, vector<11x8x160xbf16> -> vector<11x17x160xbf16>
    %pad3A_130 = vector.broadcast %convert_element_type3A_123 : bf16 to vector<11x7x160xbf16>
    %pad3A_131 = tpu.concatenate %pad3A_129, %pad3A_130 in 1 : vector<11x17x160xbf16>, vector<11x7x160xbf16> -> vector<11x24x160xbf16>
    %reshape3A_132 = vector.shape_cast %pad3A_131 : vector<11x24x160xbf16> to vector<264x160xbf16>
    %get3A_133 = arith.constant 0 : index
    %get3A_134 = arith.constant 0 : index
    %get3A_135 = vector.load %arg8[%get3A_133, %get3A_134] : memref<1440x160xbf16, #tpu.memory_space<vmem>>, vector<1440x160xbf16>
    %get3A_136 = arith.constant 0 : index
    %get3A_137 = arith.constant 0 : index
    %get3A_138 = vector.load %arg9[%get3A_136, %get3A_137] : memref<1x160xf32, #tpu.memory_space<vmem>>, vector<1x160xf32>
    %get3A_139 = vector.shape_cast %get3A_138 : vector<1x160xf32> to vector<160xf32>
    %slice3A_140 = vector.extract_strided_slice %reshape3A_132 {offsets = [0, 0], sizes = [192, 160], strides = [1, 1]} : vector<264x160xbf16> to vector<192x160xbf16>
    %slice3A_141 = vector.extract_strided_slice %reshape3A_132 {offsets = [1, 0], sizes = [192, 160], strides = [1, 1]} : vector<264x160xbf16> to vector<192x160xbf16>
    %slice3A_142 = vector.extract_strided_slice %reshape3A_132 {offsets = [2, 0], sizes = [192, 160], strides = [1, 1]} : vector<264x160xbf16> to vector<192x160xbf16>
    %slice3A_143 = vector.extract_strided_slice %reshape3A_132 {offsets = [24, 0], sizes = [192, 160], strides = [1, 1]} : vector<264x160xbf16> to vector<192x160xbf16>
    %slice3A_144 = vector.extract_strided_slice %reshape3A_132 {offsets = [25, 0], sizes = [192, 160], strides = [1, 1]} : vector<264x160xbf16> to vector<192x160xbf16>
    %slice3A_145 = vector.extract_strided_slice %reshape3A_132 {offsets = [26, 0], sizes = [192, 160], strides = [1, 1]} : vector<264x160xbf16> to vector<192x160xbf16>
    %slice3A_146 = vector.extract_strided_slice %reshape3A_132 {offsets = [48, 0], sizes = [192, 160], strides = [1, 1]} : vector<264x160xbf16> to vector<192x160xbf16>
    %slice3A_147 = vector.extract_strided_slice %reshape3A_132 {offsets = [49, 0], sizes = [192, 160], strides = [1, 1]} : vector<264x160xbf16> to vector<192x160xbf16>
    %slice3A_148 = vector.extract_strided_slice %reshape3A_132 {offsets = [50, 0], sizes = [192, 160], strides = [1, 1]} : vector<264x160xbf16> to vector<192x160xbf16>
    %concatenate3A_149 = tpu.concatenate %slice3A_140, %slice3A_141, %slice3A_142, %slice3A_143, %slice3A_144, %slice3A_145, %slice3A_146, %slice3A_147, %slice3A_148 in 1 : vector<192x160xbf16>, vector<192x160xbf16>, vector<192x160xbf16>, vector<192x160xbf16>, vector<192x160xbf16>, vector<192x160xbf16>, vector<192x160xbf16>, vector<192x160xbf16>, vector<192x160xbf16> -> vector<192x1440xbf16>
    %dot_general3A_150 = arith.constant dense<0.000000e+00> : vector<192x160xf32>
    %dot_general3A_151 = tpu.matmul %concatenate3A_149, %get3A_135, %dot_general3A_150 {dimension_numbers = #tpu.dot_dimension_numbers<[1], [0], [0], [1], [0, 0, 1, 1], [], []>, transpose_lhs_hint = false} : vector<192x1440xbf16>, vector<1440x160xbf16>, vector<192x160xf32> -> vector<192x160xf32>
    %reshape3A_152 = vector.shape_cast %dot_general3A_151 : vector<192x160xf32> to vector<4x2x24x160xf32>
    %slice3A_153 = vector.extract_strided_slice %reshape3A_152 {offsets = [0, 0, 0, 0], sizes = [4, 1, 24, 160], strides = [1, 1, 1, 1]} : vector<4x2x24x160xf32> to vector<4x1x24x160xf32>
    %squeeze3A_154 = vector.shape_cast %slice3A_153 : vector<4x1x24x160xf32> to vector<4x24x160xf32>
    %slice3A_155 = vector.extract_strided_slice %reshape3A_152 {offsets = [0, 1, 0, 0], sizes = [4, 1, 24, 160], strides = [1, 1, 1, 1]} : vector<4x2x24x160xf32> to vector<4x1x24x160xf32>
    %squeeze3A_156 = vector.shape_cast %slice3A_155 : vector<4x1x24x160xf32> to vector<4x24x160xf32>
    %max3A_157 = arith.maximumf %squeeze3A_154, %squeeze3A_156 : vector<4x24x160xf32>
    %slice3A_158 = vector.extract_strided_slice %max3A_157 {offsets = [0, 8, 0], sizes = [4, 8, 160], strides = [1, 1, 1]} : vector<4x24x160xf32> to vector<4x8x160xf32>
    %reshape3A_159 = vector.shape_cast %slice3A_158 : vector<4x8x160xf32> to vector<4x4x2x160xf32>
    %slice3A_160 = vector.extract_strided_slice %reshape3A_159 {offsets = [0, 0, 0, 0], sizes = [4, 4, 1, 160], strides = [1, 1, 1, 1]} : vector<4x4x2x160xf32> to vector<4x4x1x160xf32>
    %squeeze3A_161 = vector.shape_cast %slice3A_160 : vector<4x4x1x160xf32> to vector<4x4x160xf32>
    %slice3A_162 = vector.extract_strided_slice %reshape3A_159 {offsets = [0, 0, 1, 0], sizes = [4, 4, 1, 160], strides = [1, 1, 1, 1]} : vector<4x4x2x160xf32> to vector<4x4x1x160xf32>
    %squeeze3A_163 = vector.shape_cast %slice3A_162 : vector<4x4x1x160xf32> to vector<4x4x160xf32>
    %max3A_164 = arith.maximumf %squeeze3A_161, %squeeze3A_163 : vector<4x4x160xf32>
    %broadcast_in_dim3A_165 = vector.shape_cast %get3A_139 : vector<160xf32> to vector<1x1x160xf32>
    %add3A_166 = vector.broadcast %broadcast_in_dim3A_165 : vector<1x1x160xf32> to vector<4x4x160xf32>
    %add3A_167 = arith.addf %max3A_164, %add3A_166 : vector<4x4x160xf32>
    %max3A_168 = arith.constant 0.000000e+00 : f32
    %max3A_169 = vector.broadcast %max3A_168 : f32 to vector<4x4x160xf32>
    %max3A_170 = arith.maximumf %add3A_167, %max3A_169 : vector<4x4x160xf32>
    %convert_element_type3A_171 = arith.truncf %max3A_170 : vector<4x4x160xf32> to vector<4x4x160xbf16>
    %convert_element_type3A_172 = arith.extf %convert_element_type3A_171 : vector<4x4x160xbf16> to vector<4x4x160xf32>
    %get3A_173 = arith.constant 0 : index
    %get3A_174 = arith.constant 0 : index
    %get3A_175 = vector.load %arg10[%get3A_173, %get3A_174] : memref<1x160xf32, #tpu.memory_space<vmem>>, vector<1x160xf32>
    %get3A_176 = vector.shape_cast %get3A_175 : vector<1x160xf32> to vector<160xf32>
    %broadcast_in_dim3A_177 = vector.shape_cast %get3A_176 : vector<160xf32> to vector<1x1x160xf32>
    %mul3A = vector.broadcast %broadcast_in_dim3A_177 : vector<1x1x160xf32> to vector<4x4x160xf32>
    %mul3A_178 = arith.mulf %convert_element_type3A_172, %mul3A : vector<4x4x160xf32>
    %get3A_179 = arith.constant 0 : index
    %get3A_180 = arith.constant 0 : index
    %get3A_181 = vector.load %arg11[%get3A_179, %get3A_180] : memref<1x160xf32, #tpu.memory_space<vmem>>, vector<1x160xf32>
    %get3A_182 = vector.shape_cast %get3A_181 : vector<1x160xf32> to vector<160xf32>
    %broadcast_in_dim3A_183 = vector.shape_cast %get3A_182 : vector<160xf32> to vector<1x1x160xf32>
    %add3A_184 = vector.broadcast %broadcast_in_dim3A_183 : vector<1x1x160xf32> to vector<4x4x160xf32>
    %add3A_185 = arith.addf %mul3A_178, %add3A_184 : vector<4x4x160xf32>
    %reshape3A_186 = vector.shape_cast %add3A_185 : vector<4x4x160xf32> to vector<16x160xf32>
    %transpose3A = tpu.transpose %reshape3A_186, [1, 0] : vector<16x160xf32> -> vector<160x16xf32>
    %swap3A = arith.constant 0 : index
    %swap3A_187 = arith.constant 0 : index
    %swap3A_188 = arith.constant 0 : index
    %swap3A_189 = vector.load %arg12[%swap3A, %swap3A_187, %swap3A_188] : memref<4x160x16xf32, #tpu.memory_space<vmem>>, vector<1x160x16xf32>
    %swap3A_190 = vector.shape_cast %swap3A_189 : vector<1x160x16xf32> to vector<160x16xf32>
    %swap3A_191 = vector.shape_cast %transpose3A : vector<160x16xf32> to vector<1x160x16xf32>
    tpu.vector_store %arg12[%swap3A, %swap3A_187, %swap3A_188], %swap3A_191 {strides = array<i32>} : memref<4x160x16xf32, #tpu.memory_space<vmem>>, vector<1x160x16xf32>,
    %get3A_192 = arith.constant 1 : index
    %get3A_193 = arith.constant 0 : index
    %get3A_194 = arith.constant 0 : index
    %get3A_195 = vector.load %arg1[%get3A_192, %get3A_193, %get3A_194] : memref<4x5120x27xbf16, #tpu.memory_space<vmem>>, vector<1x5120x27xbf16>
    %get3A_196 = vector.shape_cast %get3A_195 : vector<1x5120x27xbf16> to vector<5120x27xbf16>
    %get3A_197 = arith.constant 0 : index
    %get3A_198 = arith.constant 0 : index
    %get3A_199 = vector.load %arg2[%get3A_197, %get3A_198] : memref<27x160xbf16, #tpu.memory_space<vmem>>, vector<27x160xbf16>
    %dot_general3A_200 = arith.constant dense<0.000000e+00> : vector<5120x160xf32>
    %dot_general3A_201 = tpu.matmul %get3A_196, %get3A_199, %dot_general3A_200 {dimension_numbers = #tpu.dot_dimension_numbers<[1], [0], [0], [1], [0, 0, 1, 1], [], []>, transpose_lhs_hint = false} : vector<5120x27xbf16>, vector<27x160xbf16>, vector<5120x160xf32> -> vector<5120x160xf32>
    %get3A_202 = arith.constant 0 : index
    %get3A_203 = arith.constant 0 : index
    %get3A_204 = vector.load %arg3[%get3A_202, %get3A_203] : memref<1x160xf32, #tpu.memory_space<vmem>>, vector<1x160xf32>
    %get3A_205 = vector.shape_cast %get3A_204 : vector<1x160xf32> to vector<160xf32>
    %reshape3A_206 = vector.shape_cast %dot_general3A_201 : vector<5120x160xf32> to vector<32x2x80x160xf32>
    %slice3A_207 = vector.extract_strided_slice %reshape3A_206 {offsets = [0, 0, 0, 0], sizes = [32, 1, 80, 160], strides = [1, 1, 1, 1]} : vector<32x2x80x160xf32> to vector<32x1x80x160xf32>
    %squeeze3A_208 = vector.shape_cast %slice3A_207 : vector<32x1x80x160xf32> to vector<32x80x160xf32>
    %slice3A_209 = vector.extract_strided_slice %reshape3A_206 {offsets = [0, 1, 0, 0], sizes = [32, 1, 80, 160], strides = [1, 1, 1, 1]} : vector<32x2x80x160xf32> to vector<32x1x80x160xf32>
    %squeeze3A_210 = vector.shape_cast %slice3A_209 : vector<32x1x80x160xf32> to vector<32x80x160xf32>
    %max3A_211 = arith.maximumf %squeeze3A_208, %squeeze3A_210 : vector<32x80x160xf32>
    %slice3A_212 = vector.extract_strided_slice %max3A_211 {offsets = [0, 8, 0], sizes = [32, 64, 160], strides = [1, 1, 1]} : vector<32x80x160xf32> to vector<32x64x160xf32>
    %reshape3A_213 = vector.shape_cast %slice3A_212 : vector<32x64x160xf32> to vector<32x32x2x160xf32>
    %slice3A_214 = vector.extract_strided_slice %reshape3A_213 {offsets = [0, 0, 0, 0], sizes = [32, 32, 1, 160], strides = [1, 1, 1, 1]} : vector<32x32x2x160xf32> to vector<32x32x1x160xf32>
    %squeeze3A_215 = vector.shape_cast %slice3A_214 : vector<32x32x1x160xf32> to vector<32x32x160xf32>
    %slice3A_216 = vector.extract_strided_slice %reshape3A_213 {offsets = [0, 0, 1, 0], sizes = [32, 32, 1, 160], strides = [1, 1, 1, 1]} : vector<32x32x2x160xf32> to vector<32x32x1x160xf32>
    %squeeze3A_217 = vector.shape_cast %slice3A_216 : vector<32x32x1x160xf32> to vector<32x32x160xf32>
    %max3A_218 = arith.maximumf %squeeze3A_215, %squeeze3A_217 : vector<32x32x160xf32>
    %broadcast_in_dim3A_219 = vector.shape_cast %get3A_205 : vector<160xf32> to vector<1x1x160xf32>
    %add3A_220 = vector.broadcast %broadcast_in_dim3A_219 : vector<1x1x160xf32> to vector<32x32x160xf32>
    %add3A_221 = arith.addf %max3A_218, %add3A_220 : vector<32x32x160xf32>
    %max3A_222 = arith.constant 0.000000e+00 : f32
    %max3A_223 = vector.broadcast %max3A_222 : f32 to vector<32x32x160xf32>
    %max3A_224 = arith.maximumf %add3A_221, %max3A_223 : vector<32x32x160xf32>
    %convert_element_type3A_225 = arith.truncf %max3A_224 : vector<32x32x160xf32> to vector<32x32x160xbf16>
    %jit3A_226 = arith.constant 0 : i32
    %convert_element_type3A_227 = arith.sitofp %jit3A_226 : i32 to bf16
    %pad3A_228 = vector.broadcast %convert_element_type3A_227 : bf16 to vector<1x32x160xbf16>
    %pad3A_229 = tpu.concatenate %pad3A_228, %convert_element_type3A_225 in 0 : vector<1x32x160xbf16>, vector<32x32x160xbf16> -> vector<33x32x160xbf16>
    %pad3A_230 = vector.broadcast %convert_element_type3A_227 : bf16 to vector<2x32x160xbf16>
    %pad3A_231 = tpu.concatenate %pad3A_229, %pad3A_230 in 0 : vector<33x32x160xbf16>, vector<2x32x160xbf16> -> vector<35x32x160xbf16>
    %pad3A_232 = vector.broadcast %convert_element_type3A_227 : bf16 to vector<35x9x160xbf16>
    %pad3A_233 = tpu.concatenate %pad3A_232, %pad3A_231 in 1 : vector<35x9x160xbf16>, vector<35x32x160xbf16> -> vector<35x41x160xbf16>
    %pad3A_234 = vector.broadcast %convert_element_type3A_227 : bf16 to vector<35x7x160xbf16>
    %pad3A_235 = tpu.concatenate %pad3A_233, %pad3A_234 in 1 : vector<35x41x160xbf16>, vector<35x7x160xbf16> -> vector<35x48x160xbf16>
    %reshape3A_236 = vector.shape_cast %pad3A_235 : vector<35x48x160xbf16> to vector<1680x160xbf16>
    %get3A_237 = arith.constant 0 : index
    %get3A_238 = arith.constant 0 : index
    %get3A_239 = vector.load %arg4[%get3A_237, %get3A_238] : memref<1440x160xbf16, #tpu.memory_space<vmem>>, vector<1440x160xbf16>
    %get3A_240 = arith.constant 0 : index
    %get3A_241 = arith.constant 0 : index
    %get3A_242 = vector.load %arg5[%get3A_240, %get3A_241] : memref<1x160xf32, #tpu.memory_space<vmem>>, vector<1x160xf32>
    %get3A_243 = vector.shape_cast %get3A_242 : vector<1x160xf32> to vector<160xf32>
    %slice3A_244 = vector.extract_strided_slice %reshape3A_236 {offsets = [0, 0], sizes = [1536, 160], strides = [1, 1]} : vector<1680x160xbf16> to vector<1536x160xbf16>
    %slice3A_245 = vector.extract_strided_slice %reshape3A_236 {offsets = [1, 0], sizes = [1536, 160], strides = [1, 1]} : vector<1680x160xbf16> to vector<1536x160xbf16>
    %slice3A_246 = vector.extract_strided_slice %reshape3A_236 {offsets = [2, 0], sizes = [1536, 160], strides = [1, 1]} : vector<1680x160xbf16> to vector<1536x160xbf16>
    %slice3A_247 = vector.extract_strided_slice %reshape3A_236 {offsets = [48, 0], sizes = [1536, 160], strides = [1, 1]} : vector<1680x160xbf16> to vector<1536x160xbf16>
    %slice3A_248 = vector.extract_strided_slice %reshape3A_236 {offsets = [49, 0], sizes = [1536, 160], strides = [1, 1]} : vector<1680x160xbf16> to vector<1536x160xbf16>
    %slice3A_249 = vector.extract_strided_slice %reshape3A_236 {offsets = [50, 0], sizes = [1536, 160], strides = [1, 1]} : vector<1680x160xbf16> to vector<1536x160xbf16>
    %slice3A_250 = vector.extract_strided_slice %reshape3A_236 {offsets = [96, 0], sizes = [1536, 160], strides = [1, 1]} : vector<1680x160xbf16> to vector<1536x160xbf16>
    %slice3A_251 = vector.extract_strided_slice %reshape3A_236 {offsets = [97, 0], sizes = [1536, 160], strides = [1, 1]} : vector<1680x160xbf16> to vector<1536x160xbf16>
    %slice3A_252 = vector.extract_strided_slice %reshape3A_236 {offsets = [98, 0], sizes = [1536, 160], strides = [1, 1]} : vector<1680x160xbf16> to vector<1536x160xbf16>
    %concatenate3A_253 = tpu.concatenate %slice3A_244, %slice3A_245, %slice3A_246, %slice3A_247, %slice3A_248, %slice3A_249, %slice3A_250, %slice3A_251, %slice3A_252 in 1 : vector<1536x160xbf16>, vector<1536x160xbf16>, vector<1536x160xbf16>, vector<1536x160xbf16>, vector<1536x160xbf16>, vector<1536x160xbf16>, vector<1536x160xbf16>, vector<1536x160xbf16>, vector<1536x160xbf16> -> vector<1536x1440xbf16>
    %dot_general3A_254 = arith.constant dense<0.000000e+00> : vector<1536x160xf32>
    %dot_general3A_255 = tpu.matmul %concatenate3A_253, %get3A_239, %dot_general3A_254 {dimension_numbers = #tpu.dot_dimension_numbers<[1], [0], [0], [1], [0, 0, 1, 1], [], []>, transpose_lhs_hint = false} : vector<1536x1440xbf16>, vector<1440x160xbf16>, vector<1536x160xf32> -> vector<1536x160xf32>
    %reshape3A_256 = vector.shape_cast %dot_general3A_255 : vector<1536x160xf32> to vector<16x2x48x160xf32>
    %slice3A_257 = vector.extract_strided_slice %reshape3A_256 {offsets = [0, 0, 0, 0], sizes = [16, 1, 48, 160], strides = [1, 1, 1, 1]} : vector<16x2x48x160xf32> to vector<16x1x48x160xf32>
    %squeeze3A_258 = vector.shape_cast %slice3A_257 : vector<16x1x48x160xf32> to vector<16x48x160xf32>
    %slice3A_259 = vector.extract_strided_slice %reshape3A_256 {offsets = [0, 1, 0, 0], sizes = [16, 1, 48, 160], strides = [1, 1, 1, 1]} : vector<16x2x48x160xf32> to vector<16x1x48x160xf32>
    %squeeze3A_260 = vector.shape_cast %slice3A_259 : vector<16x1x48x160xf32> to vector<16x48x160xf32>
    %max3A_261 = arith.maximumf %squeeze3A_258, %squeeze3A_260 : vector<16x48x160xf32>
    %slice3A_262 = vector.extract_strided_slice %max3A_261 {offsets = [0, 8, 0], sizes = [16, 32, 160], strides = [1, 1, 1]} : vector<16x48x160xf32> to vector<16x32x160xf32>
    %reshape3A_263 = vector.shape_cast %slice3A_262 : vector<16x32x160xf32> to vector<16x16x2x160xf32>
    %slice3A_264 = vector.extract_strided_slice %reshape3A_263 {offsets = [0, 0, 0, 0], sizes = [16, 16, 1, 160], strides = [1, 1, 1, 1]} : vector<16x16x2x160xf32> to vector<16x16x1x160xf32>
    %squeeze3A_265 = vector.shape_cast %slice3A_264 : vector<16x16x1x160xf32> to vector<16x16x160xf32>
    %slice3A_266 = vector.extract_strided_slice %reshape3A_263 {offsets = [0, 0, 1, 0], sizes = [16, 16, 1, 160], strides = [1, 1, 1, 1]} : vector<16x16x2x160xf32> to vector<16x16x1x160xf32>
    %squeeze3A_267 = vector.shape_cast %slice3A_266 : vector<16x16x1x160xf32> to vector<16x16x160xf32>
    %max3A_268 = arith.maximumf %squeeze3A_265, %squeeze3A_267 : vector<16x16x160xf32>
    %broadcast_in_dim3A_269 = vector.shape_cast %get3A_243 : vector<160xf32> to vector<1x1x160xf32>
    %add3A_270 = vector.broadcast %broadcast_in_dim3A_269 : vector<1x1x160xf32> to vector<16x16x160xf32>
    %add3A_271 = arith.addf %max3A_268, %add3A_270 : vector<16x16x160xf32>
    %max3A_272 = arith.constant 0.000000e+00 : f32
    %max3A_273 = vector.broadcast %max3A_272 : f32 to vector<16x16x160xf32>
    %max3A_274 = arith.maximumf %add3A_271, %max3A_273 : vector<16x16x160xf32>
    %convert_element_type3A_275 = arith.truncf %max3A_274 : vector<16x16x160xf32> to vector<16x16x160xbf16>
    %jit3A_276 = arith.constant 0 : i32
    %convert_element_type3A_277 = arith.sitofp %jit3A_276 : i32 to bf16
    %pad3A_278 = vector.broadcast %convert_element_type3A_277 : bf16 to vector<1x16x160xbf16>
    %pad3A_279 = tpu.concatenate %pad3A_278, %convert_element_type3A_275 in 0 : vector<1x16x160xbf16>, vector<16x16x160xbf16> -> vector<17x16x160xbf16>
    %pad3A_280 = vector.broadcast %convert_element_type3A_277 : bf16 to vector<2x16x160xbf16>
    %pad3A_281 = tpu.concatenate %pad3A_279, %pad3A_280 in 0 : vector<17x16x160xbf16>, vector<2x16x160xbf16> -> vector<19x16x160xbf16>
    %pad3A_282 = vector.broadcast %convert_element_type3A_277 : bf16 to vector<19x9x160xbf16>
    %pad3A_283 = tpu.concatenate %pad3A_282, %pad3A_281 in 1 : vector<19x9x160xbf16>, vector<19x16x160xbf16> -> vector<19x25x160xbf16>
    %pad3A_284 = vector.broadcast %convert_element_type3A_277 : bf16 to vector<19x7x160xbf16>
    %pad3A_285 = tpu.concatenate %pad3A_283, %pad3A_284 in 1 : vector<19x25x160xbf16>, vector<19x7x160xbf16> -> vector<19x32x160xbf16>
    %reshape3A_286 = vector.shape_cast %pad3A_285 : vector<19x32x160xbf16> to vector<608x160xbf16>
    %get3A_287 = arith.constant 0 : index
    %get3A_288 = arith.constant 0 : index
    %get3A_289 = vector.load %arg6[%get3A_287, %get3A_288] : memref<1440x160xbf16, #tpu.memory_space<vmem>>, vector<1440x160xbf16>
    %get3A_290 = arith.constant 0 : index
    %get3A_291 = arith.constant 0 : index
    %get3A_292 = vector.load %arg7[%get3A_290, %get3A_291] : memref<1x160xf32, #tpu.memory_space<vmem>>, vector<1x160xf32>
    %get3A_293 = vector.shape_cast %get3A_292 : vector<1x160xf32> to vector<160xf32>
    %slice3A_294 = vector.extract_strided_slice %reshape3A_286 {offsets = [0, 0], sizes = [512, 160], strides = [1, 1]} : vector<608x160xbf16> to vector<512x160xbf16>
    %slice3A_295 = vector.extract_strided_slice %reshape3A_286 {offsets = [1, 0], sizes = [512, 160], strides = [1, 1]} : vector<608x160xbf16> to vector<512x160xbf16>
    %slice3A_296 = vector.extract_strided_slice %reshape3A_286 {offsets = [2, 0], sizes = [512, 160], strides = [1, 1]} : vector<608x160xbf16> to vector<512x160xbf16>
    %slice3A_297 = vector.extract_strided_slice %reshape3A_286 {offsets = [32, 0], sizes = [512, 160], strides = [1, 1]} : vector<608x160xbf16> to vector<512x160xbf16>
    %slice3A_298 = vector.extract_strided_slice %reshape3A_286 {offsets = [33, 0], sizes = [512, 160], strides = [1, 1]} : vector<608x160xbf16> to vector<512x160xbf16>
    %slice3A_299 = vector.extract_strided_slice %reshape3A_286 {offsets = [34, 0], sizes = [512, 160], strides = [1, 1]} : vector<608x160xbf16> to vector<512x160xbf16>
    %slice3A_300 = vector.extract_strided_slice %reshape3A_286 {offsets = [64, 0], sizes = [512, 160], strides = [1, 1]} : vector<608x160xbf16> to vector<512x160xbf16>
    %slice3A_301 = vector.extract_strided_slice %reshape3A_286 {offsets = [65, 0], sizes = [512, 160], strides = [1, 1]} : vector<608x160xbf16> to vector<512x160xbf16>
    %slice3A_302 = vector.extract_strided_slice %reshape3A_286 {offsets = [66, 0], sizes = [512, 160], strides = [1, 1]} : vector<608x160xbf16> to vector<512x160xbf16>
    %concatenate3A_303 = tpu.concatenate %slice3A_294, %slice3A_295, %slice3A_296, %slice3A_297, %slice3A_298, %slice3A_299, %slice3A_300, %slice3A_301, %slice3A_302 in 1 : vector<512x160xbf16>, vector<512x160xbf16>, vector<512x160xbf16>, vector<512x160xbf16>, vector<512x160xbf16>, vector<512x160xbf16>, vector<512x160xbf16>, vector<512x160xbf16>, vector<512x160xbf16> -> vector<512x1440xbf16>
    %dot_general3A_304 = arith.constant dense<0.000000e+00> : vector<512x160xf32>
    %dot_general3A_305 = tpu.matmul %concatenate3A_303, %get3A_289, %dot_general3A_304 {dimension_numbers = #tpu.dot_dimension_numbers<[1], [0], [0], [1], [0, 0, 1, 1], [], []>, transpose_lhs_hint = false} : vector<512x1440xbf16>, vector<1440x160xbf16>, vector<512x160xf32> -> vector<512x160xf32>
    %reshape3A_306 = vector.shape_cast %dot_general3A_305 : vector<512x160xf32> to vector<8x2x32x160xf32>
    %slice3A_307 = vector.extract_strided_slice %reshape3A_306 {offsets = [0, 0, 0, 0], sizes = [8, 1, 32, 160], strides = [1, 1, 1, 1]} : vector<8x2x32x160xf32> to vector<8x1x32x160xf32>
    %squeeze3A_308 = vector.shape_cast %slice3A_307 : vector<8x1x32x160xf32> to vector<8x32x160xf32>
    %slice3A_309 = vector.extract_strided_slice %reshape3A_306 {offsets = [0, 1, 0, 0], sizes = [8, 1, 32, 160], strides = [1, 1, 1, 1]} : vector<8x2x32x160xf32> to vector<8x1x32x160xf32>
    %squeeze3A_310 = vector.shape_cast %slice3A_309 : vector<8x1x32x160xf32> to vector<8x32x160xf32>
    %max3A_311 = arith.maximumf %squeeze3A_308, %squeeze3A_310 : vector<8x32x160xf32>
    %slice3A_312 = vector.extract_strided_slice %max3A_311 {offsets = [0, 8, 0], sizes = [8, 16, 160], strides = [1, 1, 1]} : vector<8x32x160xf32> to vector<8x16x160xf32>
    %reshape3A_313 = vector.shape_cast %slice3A_312 : vector<8x16x160xf32> to vector<8x8x2x160xf32>
    %slice3A_314 = vector.extract_strided_slice %reshape3A_313 {offsets = [0, 0, 0, 0], sizes = [8, 8, 1, 160], strides = [1, 1, 1, 1]} : vector<8x8x2x160xf32> to vector<8x8x1x160xf32>
    %squeeze3A_315 = vector.shape_cast %slice3A_314 : vector<8x8x1x160xf32> to vector<8x8x160xf32>
    %slice3A_316 = vector.extract_strided_slice %reshape3A_313 {offsets = [0, 0, 1, 0], sizes = [8, 8, 1, 160], strides = [1, 1, 1, 1]} : vector<8x8x2x160xf32> to vector<8x8x1x160xf32>
    %squeeze3A_317 = vector.shape_cast %slice3A_316 : vector<8x8x1x160xf32> to vector<8x8x160xf32>
    %max3A_318 = arith.maximumf %squeeze3A_315, %squeeze3A_317 : vector<8x8x160xf32>
    %broadcast_in_dim3A_319 = vector.shape_cast %get3A_293 : vector<160xf32> to vector<1x1x160xf32>
    %add3A_320 = vector.broadcast %broadcast_in_dim3A_319 : vector<1x1x160xf32> to vector<8x8x160xf32>
    %add3A_321 = arith.addf %max3A_318, %add3A_320 : vector<8x8x160xf32>
    %max3A_322 = arith.constant 0.000000e+00 : f32
    %max3A_323 = vector.broadcast %max3A_322 : f32 to vector<8x8x160xf32>
    %max3A_324 = arith.maximumf %add3A_321, %max3A_323 : vector<8x8x160xf32>
    %convert_element_type3A_325 = arith.truncf %max3A_324 : vector<8x8x160xf32> to vector<8x8x160xbf16>
    %jit3A_326 = arith.constant 0 : i32
    %convert_element_type3A_327 = arith.sitofp %jit3A_326 : i32 to bf16
    %pad3A_328 = vector.broadcast %convert_element_type3A_327 : bf16 to vector<1x8x160xbf16>
    %pad3A_329 = tpu.concatenate %pad3A_328, %convert_element_type3A_325 in 0 : vector<1x8x160xbf16>, vector<8x8x160xbf16> -> vector<9x8x160xbf16>
    %pad3A_330 = vector.broadcast %convert_element_type3A_327 : bf16 to vector<2x8x160xbf16>
    %pad3A_331 = tpu.concatenate %pad3A_329, %pad3A_330 in 0 : vector<9x8x160xbf16>, vector<2x8x160xbf16> -> vector<11x8x160xbf16>
    %pad3A_332 = vector.broadcast %convert_element_type3A_327 : bf16 to vector<11x9x160xbf16>
    %pad3A_333 = tpu.concatenate %pad3A_332, %pad3A_331 in 1 : vector<11x9x160xbf16>, vector<11x8x160xbf16> -> vector<11x17x160xbf16>
    %pad3A_334 = vector.broadcast %convert_element_type3A_327 : bf16 to vector<11x7x160xbf16>
    %pad3A_335 = tpu.concatenate %pad3A_333, %pad3A_334 in 1 : vector<11x17x160xbf16>, vector<11x7x160xbf16> -> vector<11x24x160xbf16>
    %reshape3A_336 = vector.shape_cast %pad3A_335 : vector<11x24x160xbf16> to vector<264x160xbf16>
    %get3A_337 = arith.constant 0 : index
    %get3A_338 = arith.constant 0 : index
    %get3A_339 = vector.load %arg8[%get3A_337, %get3A_338] : memref<1440x160xbf16, #tpu.memory_space<vmem>>, vector<1440x160xbf16>
    %get3A_340 = arith.constant 0 : index
    %get3A_341 = arith.constant 0 : index
    %get3A_342 = vector.load %arg9[%get3A_340, %get3A_341] : memref<1x160xf32, #tpu.memory_space<vmem>>, vector<1x160xf32>
    %get3A_343 = vector.shape_cast %get3A_342 : vector<1x160xf32> to vector<160xf32>
    %slice3A_344 = vector.extract_strided_slice %reshape3A_336 {offsets = [0, 0], sizes = [192, 160], strides = [1, 1]} : vector<264x160xbf16> to vector<192x160xbf16>
    %slice3A_345 = vector.extract_strided_slice %reshape3A_336 {offsets = [1, 0], sizes = [192, 160], strides = [1, 1]} : vector<264x160xbf16> to vector<192x160xbf16>
    %slice3A_346 = vector.extract_strided_slice %reshape3A_336 {offsets = [2, 0], sizes = [192, 160], strides = [1, 1]} : vector<264x160xbf16> to vector<192x160xbf16>
    %slice3A_347 = vector.extract_strided_slice %reshape3A_336 {offsets = [24, 0], sizes = [192, 160], strides = [1, 1]} : vector<264x160xbf16> to vector<192x160xbf16>
    %slice3A_348 = vector.extract_strided_slice %reshape3A_336 {offsets = [25, 0], sizes = [192, 160], strides = [1, 1]} : vector<264x160xbf16> to vector<192x160xbf16>
    %slice3A_349 = vector.extract_strided_slice %reshape3A_336 {offsets = [26, 0], sizes = [192, 160], strides = [1, 1]} : vector<264x160xbf16> to vector<192x160xbf16>
    %slice3A_350 = vector.extract_strided_slice %reshape3A_336 {offsets = [48, 0], sizes = [192, 160], strides = [1, 1]} : vector<264x160xbf16> to vector<192x160xbf16>
    %slice3A_351 = vector.extract_strided_slice %reshape3A_336 {offsets = [49, 0], sizes = [192, 160], strides = [1, 1]} : vector<264x160xbf16> to vector<192x160xbf16>
    %slice3A_352 = vector.extract_strided_slice %reshape3A_336 {offsets = [50, 0], sizes = [192, 160], strides = [1, 1]} : vector<264x160xbf16> to vector<192x160xbf16>
    %concatenate3A_353 = tpu.concatenate %slice3A_344, %slice3A_345, %slice3A_346, %slice3A_347, %slice3A_348, %slice3A_349, %slice3A_350, %slice3A_351, %slice3A_352 in 1 : vector<192x160xbf16>, vector<192x160xbf16>, vector<192x160xbf16>, vector<192x160xbf16>, vector<192x160xbf16>, vector<192x160xbf16>, vector<192x160xbf16>, vector<192x160xbf16>, vector<192x160xbf16> -> vector<192x1440xbf16>
    %dot_general3A_354 = arith.constant dense<0.000000e+00> : vector<192x160xf32>
    %dot_general3A_355 = tpu.matmul %concatenate3A_353, %get3A_339, %dot_general3A_354 {dimension_numbers = #tpu.dot_dimension_numbers<[1], [0], [0], [1], [0, 0, 1, 1], [], []>, transpose_lhs_hint = false} : vector<192x1440xbf16>, vector<1440x160xbf16>, vector<192x160xf32> -> vector<192x160xf32>
    %reshape3A_356 = vector.shape_cast %dot_general3A_355 : vector<192x160xf32> to vector<4x2x24x160xf32>
    %slice3A_357 = vector.extract_strided_slice %reshape3A_356 {offsets = [0, 0, 0, 0], sizes = [4, 1, 24, 160], strides = [1, 1, 1, 1]} : vector<4x2x24x160xf32> to vector<4x1x24x160xf32>
    %squeeze3A_358 = vector.shape_cast %slice3A_357 : vector<4x1x24x160xf32> to vector<4x24x160xf32>
    %slice3A_359 = vector.extract_strided_slice %reshape3A_356 {offsets = [0, 1, 0, 0], sizes = [4, 1, 24, 160], strides = [1, 1, 1, 1]} : vector<4x2x24x160xf32> to vector<4x1x24x160xf32>
    %squeeze3A_360 = vector.shape_cast %slice3A_359 : vector<4x1x24x160xf32> to vector<4x24x160xf32>
    %max3A_361 = arith.maximumf %squeeze3A_358, %squeeze3A_360 : vector<4x24x160xf32>
    %slice3A_362 = vector.extract_strided_slice %max3A_361 {offsets = [0, 8, 0], sizes = [4, 8, 160], strides = [1, 1, 1]} : vector<4x24x160xf32> to vector<4x8x160xf32>
    %reshape3A_363 = vector.shape_cast %slice3A_362 : vector<4x8x160xf32> to vector<4x4x2x160xf32>
    %slice3A_364 = vector.extract_strided_slice %reshape3A_363 {offsets = [0, 0, 0, 0], sizes = [4, 4, 1, 160], strides = [1, 1, 1, 1]} : vector<4x4x2x160xf32> to vector<4x4x1x160xf32>
    %squeeze3A_365 = vector.shape_cast %slice3A_364 : vector<4x4x1x160xf32> to vector<4x4x160xf32>
    %slice3A_366 = vector.extract_strided_slice %reshape3A_363 {offsets = [0, 0, 1, 0], sizes = [4, 4, 1, 160], strides = [1, 1, 1, 1]} : vector<4x4x2x160xf32> to vector<4x4x1x160xf32>
    %squeeze3A_367 = vector.shape_cast %slice3A_366 : vector<4x4x1x160xf32> to vector<4x4x160xf32>
    %max3A_368 = arith.maximumf %squeeze3A_365, %squeeze3A_367 : vector<4x4x160xf32>
    %broadcast_in_dim3A_369 = vector.shape_cast %get3A_343 : vector<160xf32> to vector<1x1x160xf32>
    %add3A_370 = vector.broadcast %broadcast_in_dim3A_369 : vector<1x1x160xf32> to vector<4x4x160xf32>
    %add3A_371 = arith.addf %max3A_368, %add3A_370 : vector<4x4x160xf32>
    %max3A_372 = arith.constant 0.000000e+00 : f32
    %max3A_373 = vector.broadcast %max3A_372 : f32 to vector<4x4x160xf32>
    %max3A_374 = arith.maximumf %add3A_371, %max3A_373 : vector<4x4x160xf32>
    %convert_element_type3A_375 = arith.truncf %max3A_374 : vector<4x4x160xf32> to vector<4x4x160xbf16>
    %convert_element_type3A_376 = arith.extf %convert_element_type3A_375 : vector<4x4x160xbf16> to vector<4x4x160xf32>
    %get3A_377 = arith.constant 0 : index
    %get3A_378 = arith.constant 0 : index
    %get3A_379 = vector.load %arg10[%get3A_377, %get3A_378] : memref<1x160xf32, #tpu.memory_space<vmem>>, vector<1x160xf32>
    %get3A_380 = vector.shape_cast %get3A_379 : vector<1x160xf32> to vector<160xf32>
    %broadcast_in_dim3A_381 = vector.shape_cast %get3A_380 : vector<160xf32> to vector<1x1x160xf32>
    %mul3A_382 = vector.broadcast %broadcast_in_dim3A_381 : vector<1x1x160xf32> to vector<4x4x160xf32>
    %mul3A_383 = arith.mulf %convert_element_type3A_376, %mul3A_382 : vector<4x4x160xf32>
    %get3A_384 = arith.constant 0 : index
    %get3A_385 = arith.constant 0 : index
    %get3A_386 = vector.load %arg11[%get3A_384, %get3A_385] : memref<1x160xf32, #tpu.memory_space<vmem>>, vector<1x160xf32>
    %get3A_387 = vector.shape_cast %get3A_386 : vector<1x160xf32> to vector<160xf32>
    %broadcast_in_dim3A_388 = vector.shape_cast %get3A_387 : vector<160xf32> to vector<1x1x160xf32>
    %add3A_389 = vector.broadcast %broadcast_in_dim3A_388 : vector<1x1x160xf32> to vector<4x4x160xf32>
    %add3A_390 = arith.addf %mul3A_383, %add3A_389 : vector<4x4x160xf32>
    %reshape3A_391 = vector.shape_cast %add3A_390 : vector<4x4x160xf32> to vector<16x160xf32>
    %transpose3A_392 = tpu.transpose %reshape3A_391, [1, 0] : vector<16x160xf32> -> vector<160x16xf32>
    %swap3A_393 = arith.constant 1 : index
    %swap3A_394 = arith.constant 0 : index
    %swap3A_395 = arith.constant 0 : index
    %swap3A_396 = vector.load %arg12[%swap3A_393, %swap3A_394, %swap3A_395] : memref<4x160x16xf32, #tpu.memory_space<vmem>>, vector<1x160x16xf32>
    %swap3A_397 = vector.shape_cast %swap3A_396 : vector<1x160x16xf32> to vector<160x16xf32>
    %swap3A_398 = vector.shape_cast %transpose3A_392 : vector<160x16xf32> to vector<1x160x16xf32>
    tpu.vector_store %arg12[%swap3A_393, %swap3A_394, %swap3A_395], %swap3A_398 {strides = array<i32>} : memref<4x160x16xf32, #tpu.memory_space<vmem>>, vector<1x160x16xf32>,
    %get3A_399 = arith.constant 2 : index
    %get3A_400 = arith.constant 0 : index
    %get3A_401 = arith.constant 0 : index
    %get3A_402 = vector.load %arg1[%get3A_399, %get3A_400, %get3A_401] : memref<4x5120x27xbf16, #tpu.memory_space<vmem>>, vector<1x5120x27xbf16>
    %get3A_403 = vector.shape_cast %get3A_402 : vector<1x5120x27xbf16> to vector<5120x27xbf16>
    %get3A_404 = arith.constant 0 : index
    %get3A_405 = arith.constant 0 : index
    %get3A_406 = vector.load %arg2[%get3A_404, %get3A_405] : memref<27x160xbf16, #tpu.memory_space<vmem>>, vector<27x160xbf16>
    %dot_general3A_407 = arith.constant dense<0.000000e+00> : vector<5120x160xf32>
    %dot_general3A_408 = tpu.matmul %get3A_403, %get3A_406, %dot_general3A_407 {dimension_numbers = #tpu.dot_dimension_numbers<[1], [0], [0], [1], [0, 0, 1, 1], [], []>, transpose_lhs_hint = false} : vector<5120x27xbf16>, vector<27x160xbf16>, vector<5120x160xf32> -> vector<5120x160xf32>
    %get3A_409 = arith.constant 0 : index
    %get3A_410 = arith.constant 0 : index
    %get3A_411 = vector.load %arg3[%get3A_409, %get3A_410] : memref<1x160xf32, #tpu.memory_space<vmem>>, vector<1x160xf32>
    %get3A_412 = vector.shape_cast %get3A_411 : vector<1x160xf32> to vector<160xf32>
    %reshape3A_413 = vector.shape_cast %dot_general3A_408 : vector<5120x160xf32> to vector<32x2x80x160xf32>
    %slice3A_414 = vector.extract_strided_slice %reshape3A_413 {offsets = [0, 0, 0, 0], sizes = [32, 1, 80, 160], strides = [1, 1, 1, 1]} : vector<32x2x80x160xf32> to vector<32x1x80x160xf32>
    %squeeze3A_415 = vector.shape_cast %slice3A_414 : vector<32x1x80x160xf32> to vector<32x80x160xf32>
    %slice3A_416 = vector.extract_strided_slice %reshape3A_413 {offsets = [0, 1, 0, 0], sizes = [32, 1, 80, 160], strides = [1, 1, 1, 1]} : vector<32x2x80x160xf32> to vector<32x1x80x160xf32>
    %squeeze3A_417 = vector.shape_cast %slice3A_416 : vector<32x1x80x160xf32> to vector<32x80x160xf32>
    %max3A_418 = arith.maximumf %squeeze3A_415, %squeeze3A_417 : vector<32x80x160xf32>
    %slice3A_419 = vector.extract_strided_slice %max3A_418 {offsets = [0, 8, 0], sizes = [32, 64, 160], strides = [1, 1, 1]} : vector<32x80x160xf32> to vector<32x64x160xf32>
    %reshape3A_420 = vector.shape_cast %slice3A_419 : vector<32x64x160xf32> to vector<32x32x2x160xf32>
    %slice3A_421 = vector.extract_strided_slice %reshape3A_420 {offsets = [0, 0, 0, 0], sizes = [32, 32, 1, 160], strides = [1, 1, 1, 1]} : vector<32x32x2x160xf32> to vector<32x32x1x160xf32>
    %squeeze3A_422 = vector.shape_cast %slice3A_421 : vector<32x32x1x160xf32> to vector<32x32x160xf32>
    %slice3A_423 = vector.extract_strided_slice %reshape3A_420 {offsets = [0, 0, 1, 0], sizes = [32, 32, 1, 160], strides = [1, 1, 1, 1]} : vector<32x32x2x160xf32> to vector<32x32x1x160xf32>
    %squeeze3A_424 = vector.shape_cast %slice3A_423 : vector<32x32x1x160xf32> to vector<32x32x160xf32>
    %max3A_425 = arith.maximumf %squeeze3A_422, %squeeze3A_424 : vector<32x32x160xf32>
    %broadcast_in_dim3A_426 = vector.shape_cast %get3A_412 : vector<160xf32> to vector<1x1x160xf32>
    %add3A_427 = vector.broadcast %broadcast_in_dim3A_426 : vector<1x1x160xf32> to vector<32x32x160xf32>
    %add3A_428 = arith.addf %max3A_425, %add3A_427 : vector<32x32x160xf32>
    %max3A_429 = arith.constant 0.000000e+00 : f32
    %max3A_430 = vector.broadcast %max3A_429 : f32 to vector<32x32x160xf32>
    %max3A_431 = arith.maximumf %add3A_428, %max3A_430 : vector<32x32x160xf32>
    %convert_element_type3A_432 = arith.truncf %max3A_431 : vector<32x32x160xf32> to vector<32x32x160xbf16>
    %jit3A_433 = arith.constant 0 : i32
    %convert_element_type3A_434 = arith.sitofp %jit3A_433 : i32 to bf16
    %pad3A_435 = vector.broadcast %convert_element_type3A_434 : bf16 to vector<1x32x160xbf16>
    %pad3A_436 = tpu.concatenate %pad3A_435, %convert_element_type3A_432 in 0 : vector<1x32x160xbf16>, vector<32x32x160xbf16> -> vector<33x32x160xbf16>
    %pad3A_437 = vector.broadcast %convert_element_type3A_434 : bf16 to vector<2x32x160xbf16>
    %pad3A_438 = tpu.concatenate %pad3A_436, %pad3A_437 in 0 : vector<33x32x160xbf16>, vector<2x32x160xbf16> -> vector<35x32x160xbf16>
    %pad3A_439 = vector.broadcast %convert_element_type3A_434 : bf16 to vector<35x9x160xbf16>
    %pad3A_440 = tpu.concatenate %pad3A_439, %pad3A_438 in 1 : vector<35x9x160xbf16>, vector<35x32x160xbf16> -> vector<35x41x160xbf16>
    %pad3A_441 = vector.broadcast %convert_element_type3A_434 : bf16 to vector<35x7x160xbf16>
    %pad3A_442 = tpu.concatenate %pad3A_440, %pad3A_441 in 1 : vector<35x41x160xbf16>, vector<35x7x160xbf16> -> vector<35x48x160xbf16>
    %reshape3A_443 = vector.shape_cast %pad3A_442 : vector<35x48x160xbf16> to vector<1680x160xbf16>
    %get3A_444 = arith.constant 0 : index
    %get3A_445 = arith.constant 0 : index
    %get3A_446 = vector.load %arg4[%get3A_444, %get3A_445] : memref<1440x160xbf16, #tpu.memory_space<vmem>>, vector<1440x160xbf16>
    %get3A_447 = arith.constant 0 : index
    %get3A_448 = arith.constant 0 : index
    %get3A_449 = vector.load %arg5[%get3A_447, %get3A_448] : memref<1x160xf32, #tpu.memory_space<vmem>>, vector<1x160xf32>
    %get3A_450 = vector.shape_cast %get3A_449 : vector<1x160xf32> to vector<160xf32>
    %slice3A_451 = vector.extract_strided_slice %reshape3A_443 {offsets = [0, 0], sizes = [1536, 160], strides = [1, 1]} : vector<1680x160xbf16> to vector<1536x160xbf16>
    %slice3A_452 = vector.extract_strided_slice %reshape3A_443 {offsets = [1, 0], sizes = [1536, 160], strides = [1, 1]} : vector<1680x160xbf16> to vector<1536x160xbf16>
    %slice3A_453 = vector.extract_strided_slice %reshape3A_443 {offsets = [2, 0], sizes = [1536, 160], strides = [1, 1]} : vector<1680x160xbf16> to vector<1536x160xbf16>
    %slice3A_454 = vector.extract_strided_slice %reshape3A_443 {offsets = [48, 0], sizes = [1536, 160], strides = [1, 1]} : vector<1680x160xbf16> to vector<1536x160xbf16>
    %slice3A_455 = vector.extract_strided_slice %reshape3A_443 {offsets = [49, 0], sizes = [1536, 160], strides = [1, 1]} : vector<1680x160xbf16> to vector<1536x160xbf16>
    %slice3A_456 = vector.extract_strided_slice %reshape3A_443 {offsets = [50, 0], sizes = [1536, 160], strides = [1, 1]} : vector<1680x160xbf16> to vector<1536x160xbf16>
    %slice3A_457 = vector.extract_strided_slice %reshape3A_443 {offsets = [96, 0], sizes = [1536, 160], strides = [1, 1]} : vector<1680x160xbf16> to vector<1536x160xbf16>
    %slice3A_458 = vector.extract_strided_slice %reshape3A_443 {offsets = [97, 0], sizes = [1536, 160], strides = [1, 1]} : vector<1680x160xbf16> to vector<1536x160xbf16>
    %slice3A_459 = vector.extract_strided_slice %reshape3A_443 {offsets = [98, 0], sizes = [1536, 160], strides = [1, 1]} : vector<1680x160xbf16> to vector<1536x160xbf16>
    %concatenate3A_460 = tpu.concatenate %slice3A_451, %slice3A_452, %slice3A_453, %slice3A_454, %slice3A_455, %slice3A_456, %slice3A_457, %slice3A_458, %slice3A_459 in 1 : vector<1536x160xbf16>, vector<1536x160xbf16>, vector<1536x160xbf16>, vector<1536x160xbf16>, vector<1536x160xbf16>, vector<1536x160xbf16>, vector<1536x160xbf16>, vector<1536x160xbf16>, vector<1536x160xbf16> -> vector<1536x1440xbf16>
    %dot_general3A_461 = arith.constant dense<0.000000e+00> : vector<1536x160xf32>
    %dot_general3A_462 = tpu.matmul %concatenate3A_460, %get3A_446, %dot_general3A_461 {dimension_numbers = #tpu.dot_dimension_numbers<[1], [0], [0], [1], [0, 0, 1, 1], [], []>, transpose_lhs_hint = false} : vector<1536x1440xbf16>, vector<1440x160xbf16>, vector<1536x160xf32> -> vector<1536x160xf32>
    %reshape3A_463 = vector.shape_cast %dot_general3A_462 : vector<1536x160xf32> to vector<16x2x48x160xf32>
    %slice3A_464 = vector.extract_strided_slice %reshape3A_463 {offsets = [0, 0, 0, 0], sizes = [16, 1, 48, 160], strides = [1, 1, 1, 1]} : vector<16x2x48x160xf32> to vector<16x1x48x160xf32>
    %squeeze3A_465 = vector.shape_cast %slice3A_464 : vector<16x1x48x160xf32> to vector<16x48x160xf32>
    %slice3A_466 = vector.extract_strided_slice %reshape3A_463 {offsets = [0, 1, 0, 0], sizes = [16, 1, 48, 160], strides = [1, 1, 1, 1]} : vector<16x2x48x160xf32> to vector<16x1x48x160xf32>
    %squeeze3A_467 = vector.shape_cast %slice3A_466 : vector<16x1x48x160xf32> to vector<16x48x160xf32>
    %max3A_468 = arith.maximumf %squeeze3A_465, %squeeze3A_467 : vector<16x48x160xf32>
    %slice3A_469 = vector.extract_strided_slice %max3A_468 {offsets = [0, 8, 0], sizes = [16, 32, 160], strides = [1, 1, 1]} : vector<16x48x160xf32> to vector<16x32x160xf32>
    %reshape3A_470 = vector.shape_cast %slice3A_469 : vector<16x32x160xf32> to vector<16x16x2x160xf32>
    %slice3A_471 = vector.extract_strided_slice %reshape3A_470 {offsets = [0, 0, 0, 0], sizes = [16, 16, 1, 160], strides = [1, 1, 1, 1]} : vector<16x16x2x160xf32> to vector<16x16x1x160xf32>
    %squeeze3A_472 = vector.shape_cast %slice3A_471 : vector<16x16x1x160xf32> to vector<16x16x160xf32>
    %slice3A_473 = vector.extract_strided_slice %reshape3A_470 {offsets = [0, 0, 1, 0], sizes = [16, 16, 1, 160], strides = [1, 1, 1, 1]} : vector<16x16x2x160xf32> to vector<16x16x1x160xf32>
    %squeeze3A_474 = vector.shape_cast %slice3A_473 : vector<16x16x1x160xf32> to vector<16x16x160xf32>
    %max3A_475 = arith.maximumf %squeeze3A_472, %squeeze3A_474 : vector<16x16x160xf32>
    %broadcast_in_dim3A_476 = vector.shape_cast %get3A_450 : vector<160xf32> to vector<1x1x160xf32>
    %add3A_477 = vector.broadcast %broadcast_in_dim3A_476 : vector<1x1x160xf32> to vector<16x16x160xf32>
    %add3A_478 = arith.addf %max3A_475, %add3A_477 : vector<16x16x160xf32>
    %max3A_479 = arith.constant 0.000000e+00 : f32
    %max3A_480 = vector.broadcast %max3A_479 : f32 to vector<16x16x160xf32>
    %max3A_481 = arith.maximumf %add3A_478, %max3A_480 : vector<16x16x160xf32>
    %convert_element_type3A_482 = arith.truncf %max3A_481 : vector<16x16x160xf32> to vector<16x16x160xbf16>
    %jit3A_483 = arith.constant 0 : i32
    %convert_element_type3A_484 = arith.sitofp %jit3A_483 : i32 to bf16
    %pad3A_485 = vector.broadcast %convert_element_type3A_484 : bf16 to vector<1x16x160xbf16>
    %pad3A_486 = tpu.concatenate %pad3A_485, %convert_element_type3A_482 in 0 : vector<1x16x160xbf16>, vector<16x16x160xbf16> -> vector<17x16x160xbf16>
    %pad3A_487 = vector.broadcast %convert_element_type3A_484 : bf16 to vector<2x16x160xbf16>
    %pad3A_488 = tpu.concatenate %pad3A_486, %pad3A_487 in 0 : vector<17x16x160xbf16>, vector<2x16x160xbf16> -> vector<19x16x160xbf16>
    %pad3A_489 = vector.broadcast %convert_element_type3A_484 : bf16 to vector<19x9x160xbf16>
    %pad3A_490 = tpu.concatenate %pad3A_489, %pad3A_488 in 1 : vector<19x9x160xbf16>, vector<19x16x160xbf16> -> vector<19x25x160xbf16>
    %pad3A_491 = vector.broadcast %convert_element_type3A_484 : bf16 to vector<19x7x160xbf16>
    %pad3A_492 = tpu.concatenate %pad3A_490, %pad3A_491 in 1 : vector<19x25x160xbf16>, vector<19x7x160xbf16> -> vector<19x32x160xbf16>
    %reshape3A_493 = vector.shape_cast %pad3A_492 : vector<19x32x160xbf16> to vector<608x160xbf16>
    %get3A_494 = arith.constant 0 : index
    %get3A_495 = arith.constant 0 : index
    %get3A_496 = vector.load %arg6[%get3A_494, %get3A_495] : memref<1440x160xbf16, #tpu.memory_space<vmem>>, vector<1440x160xbf16>
    %get3A_497 = arith.constant 0 : index
    %get3A_498 = arith.constant 0 : index
    %get3A_499 = vector.load %arg7[%get3A_497, %get3A_498] : memref<1x160xf32, #tpu.memory_space<vmem>>, vector<1x160xf32>
    %get3A_500 = vector.shape_cast %get3A_499 : vector<1x160xf32> to vector<160xf32>
    %slice3A_501 = vector.extract_strided_slice %reshape3A_493 {offsets = [0, 0], sizes = [512, 160], strides = [1, 1]} : vector<608x160xbf16> to vector<512x160xbf16>
    %slice3A_502 = vector.extract_strided_slice %reshape3A_493 {offsets = [1, 0], sizes = [512, 160], strides = [1, 1]} : vector<608x160xbf16> to vector<512x160xbf16>
    %slice3A_503 = vector.extract_strided_slice %reshape3A_493 {offsets = [2, 0], sizes = [512, 160], strides = [1, 1]} : vector<608x160xbf16> to vector<512x160xbf16>
    %slice3A_504 = vector.extract_strided_slice %reshape3A_493 {offsets = [32, 0], sizes = [512, 160], strides = [1, 1]} : vector<608x160xbf16> to vector<512x160xbf16>
    %slice3A_505 = vector.extract_strided_slice %reshape3A_493 {offsets = [33, 0], sizes = [512, 160], strides = [1, 1]} : vector<608x160xbf16> to vector<512x160xbf16>
    %slice3A_506 = vector.extract_strided_slice %reshape3A_493 {offsets = [34, 0], sizes = [512, 160], strides = [1, 1]} : vector<608x160xbf16> to vector<512x160xbf16>
    %slice3A_507 = vector.extract_strided_slice %reshape3A_493 {offsets = [64, 0], sizes = [512, 160], strides = [1, 1]} : vector<608x160xbf16> to vector<512x160xbf16>
    %slice3A_508 = vector.extract_strided_slice %reshape3A_493 {offsets = [65, 0], sizes = [512, 160], strides = [1, 1]} : vector<608x160xbf16> to vector<512x160xbf16>
    %slice3A_509 = vector.extract_strided_slice %reshape3A_493 {offsets = [66, 0], sizes = [512, 160], strides = [1, 1]} : vector<608x160xbf16> to vector<512x160xbf16>
    %concatenate3A_510 = tpu.concatenate %slice3A_501, %slice3A_502, %slice3A_503, %slice3A_504, %slice3A_505, %slice3A_506, %slice3A_507, %slice3A_508, %slice3A_509 in 1 : vector<512x160xbf16>, vector<512x160xbf16>, vector<512x160xbf16>, vector<512x160xbf16>, vector<512x160xbf16>, vector<512x160xbf16>, vector<512x160xbf16>, vector<512x160xbf16>, vector<512x160xbf16> -> vector<512x1440xbf16>
    %dot_general3A_511 = arith.constant dense<0.000000e+00> : vector<512x160xf32>
    %dot_general3A_512 = tpu.matmul %concatenate3A_510, %get3A_496, %dot_general3A_511 {dimension_numbers = #tpu.dot_dimension_numbers<[1], [0], [0], [1], [0, 0, 1, 1], [], []>, transpose_lhs_hint = false} : vector<512x1440xbf16>, vector<1440x160xbf16>, vector<512x160xf32> -> vector<512x160xf32>
    %reshape3A_513 = vector.shape_cast %dot_general3A_512 : vector<512x160xf32> to vector<8x2x32x160xf32>
    %slice3A_514 = vector.extract_strided_slice %reshape3A_513 {offsets = [0, 0, 0, 0], sizes = [8, 1, 32, 160], strides = [1, 1, 1, 1]} : vector<8x2x32x160xf32> to vector<8x1x32x160xf32>
    %squeeze3A_515 = vector.shape_cast %slice3A_514 : vector<8x1x32x160xf32> to vector<8x32x160xf32>
    %slice3A_516 = vector.extract_strided_slice %reshape3A_513 {offsets = [0, 1, 0, 0], sizes = [8, 1, 32, 160], strides = [1, 1, 1, 1]} : vector<8x2x32x160xf32> to vector<8x1x32x160xf32>
    %squeeze3A_517 = vector.shape_cast %slice3A_516 : vector<8x1x32x160xf32> to vector<8x32x160xf32>
    %max3A_518 = arith.maximumf %squeeze3A_515, %squeeze3A_517 : vector<8x32x160xf32>
    %slice3A_519 = vector.extract_strided_slice %max3A_518 {offsets = [0, 8, 0], sizes = [8, 16, 160], strides = [1, 1, 1]} : vector<8x32x160xf32> to vector<8x16x160xf32>
    %reshape3A_520 = vector.shape_cast %slice3A_519 : vector<8x16x160xf32> to vector<8x8x2x160xf32>
    %slice3A_521 = vector.extract_strided_slice %reshape3A_520 {offsets = [0, 0, 0, 0], sizes = [8, 8, 1, 160], strides = [1, 1, 1, 1]} : vector<8x8x2x160xf32> to vector<8x8x1x160xf32>
    %squeeze3A_522 = vector.shape_cast %slice3A_521 : vector<8x8x1x160xf32> to vector<8x8x160xf32>
    %slice3A_523 = vector.extract_strided_slice %reshape3A_520 {offsets = [0, 0, 1, 0], sizes = [8, 8, 1, 160], strides = [1, 1, 1, 1]} : vector<8x8x2x160xf32> to vector<8x8x1x160xf32>
    %squeeze3A_524 = vector.shape_cast %slice3A_523 : vector<8x8x1x160xf32> to vector<8x8x160xf32>
    %max3A_525 = arith.maximumf %squeeze3A_522, %squeeze3A_524 : vector<8x8x160xf32>
    %broadcast_in_dim3A_526 = vector.shape_cast %get3A_500 : vector<160xf32> to vector<1x1x160xf32>
    %add3A_527 = vector.broadcast %broadcast_in_dim3A_526 : vector<1x1x160xf32> to vector<8x8x160xf32>
    %add3A_528 = arith.addf %max3A_525, %add3A_527 : vector<8x8x160xf32>
    %max3A_529 = arith.constant 0.000000e+00 : f32
    %max3A_530 = vector.broadcast %max3A_529 : f32 to vector<8x8x160xf32>
    %max3A_531 = arith.maximumf %add3A_528, %max3A_530 : vector<8x8x160xf32>
    %convert_element_type3A_532 = arith.truncf %max3A_531 : vector<8x8x160xf32> to vector<8x8x160xbf16>
    %jit3A_533 = arith.constant 0 : i32
    %convert_element_type3A_534 = arith.sitofp %jit3A_533 : i32 to bf16
    %pad3A_535 = vector.broadcast %convert_element_type3A_534 : bf16 to vector<1x8x160xbf16>
    %pad3A_536 = tpu.concatenate %pad3A_535, %convert_element_type3A_532 in 0 : vector<1x8x160xbf16>, vector<8x8x160xbf16> -> vector<9x8x160xbf16>
    %pad3A_537 = vector.broadcast %convert_element_type3A_534 : bf16 to vector<2x8x160xbf16>
    %pad3A_538 = tpu.concatenate %pad3A_536, %pad3A_537 in 0 : vector<9x8x160xbf16>, vector<2x8x160xbf16> -> vector<11x8x160xbf16>
    %pad3A_539 = vector.broadcast %convert_element_type3A_534 : bf16 to vector<11x9x160xbf16>
    %pad3A_540 = tpu.concatenate %pad3A_539, %pad3A_538 in 1 : vector<11x9x160xbf16>, vector<11x8x160xbf16> -> vector<11x17x160xbf16>
    %pad3A_541 = vector.broadcast %convert_element_type3A_534 : bf16 to vector<11x7x160xbf16>
    %pad3A_542 = tpu.concatenate %pad3A_540, %pad3A_541 in 1 : vector<11x17x160xbf16>, vector<11x7x160xbf16> -> vector<11x24x160xbf16>
    %reshape3A_543 = vector.shape_cast %pad3A_542 : vector<11x24x160xbf16> to vector<264x160xbf16>
    %get3A_544 = arith.constant 0 : index
    %get3A_545 = arith.constant 0 : index
    %get3A_546 = vector.load %arg8[%get3A_544, %get3A_545] : memref<1440x160xbf16, #tpu.memory_space<vmem>>, vector<1440x160xbf16>
    %get3A_547 = arith.constant 0 : index
    %get3A_548 = arith.constant 0 : index
    %get3A_549 = vector.load %arg9[%get3A_547, %get3A_548] : memref<1x160xf32, #tpu.memory_space<vmem>>, vector<1x160xf32>
    %get3A_550 = vector.shape_cast %get3A_549 : vector<1x160xf32> to vector<160xf32>
    %slice3A_551 = vector.extract_strided_slice %reshape3A_543 {offsets = [0, 0], sizes = [192, 160], strides = [1, 1]} : vector<264x160xbf16> to vector<192x160xbf16>
    %slice3A_552 = vector.extract_strided_slice %reshape3A_543 {offsets = [1, 0], sizes = [192, 160], strides = [1, 1]} : vector<264x160xbf16> to vector<192x160xbf16>
    %slice3A_553 = vector.extract_strided_slice %reshape3A_543 {offsets = [2, 0], sizes = [192, 160], strides = [1, 1]} : vector<264x160xbf16> to vector<192x160xbf16>
    %slice3A_554 = vector.extract_strided_slice %reshape3A_543 {offsets = [24, 0], sizes = [192, 160], strides = [1, 1]} : vector<264x160xbf16> to vector<192x160xbf16>
    %slice3A_555 = vector.extract_strided_slice %reshape3A_543 {offsets = [25, 0], sizes = [192, 160], strides = [1, 1]} : vector<264x160xbf16> to vector<192x160xbf16>
    %slice3A_556 = vector.extract_strided_slice %reshape3A_543 {offsets = [26, 0], sizes = [192, 160], strides = [1, 1]} : vector<264x160xbf16> to vector<192x160xbf16>
    %slice3A_557 = vector.extract_strided_slice %reshape3A_543 {offsets = [48, 0], sizes = [192, 160], strides = [1, 1]} : vector<264x160xbf16> to vector<192x160xbf16>
    %slice3A_558 = vector.extract_strided_slice %reshape3A_543 {offsets = [49, 0], sizes = [192, 160], strides = [1, 1]} : vector<264x160xbf16> to vector<192x160xbf16>
    %slice3A_559 = vector.extract_strided_slice %reshape3A_543 {offsets = [50, 0], sizes = [192, 160], strides = [1, 1]} : vector<264x160xbf16> to vector<192x160xbf16>
    %concatenate3A_560 = tpu.concatenate %slice3A_551, %slice3A_552, %slice3A_553, %slice3A_554, %slice3A_555, %slice3A_556, %slice3A_557, %slice3A_558, %slice3A_559 in 1 : vector<192x160xbf16>, vector<192x160xbf16>, vector<192x160xbf16>, vector<192x160xbf16>, vector<192x160xbf16>, vector<192x160xbf16>, vector<192x160xbf16>, vector<192x160xbf16>, vector<192x160xbf16> -> vector<192x1440xbf16>
    %dot_general3A_561 = arith.constant dense<0.000000e+00> : vector<192x160xf32>
    %dot_general3A_562 = tpu.matmul %concatenate3A_560, %get3A_546, %dot_general3A_561 {dimension_numbers = #tpu.dot_dimension_numbers<[1], [0], [0], [1], [0, 0, 1, 1], [], []>, transpose_lhs_hint = false} : vector<192x1440xbf16>, vector<1440x160xbf16>, vector<192x160xf32> -> vector<192x160xf32>
    %reshape3A_563 = vector.shape_cast %dot_general3A_562 : vector<192x160xf32> to vector<4x2x24x160xf32>
    %slice3A_564 = vector.extract_strided_slice %reshape3A_563 {offsets = [0, 0, 0, 0], sizes = [4, 1, 24, 160], strides = [1, 1, 1, 1]} : vector<4x2x24x160xf32> to vector<4x1x24x160xf32>
    %squeeze3A_565 = vector.shape_cast %slice3A_564 : vector<4x1x24x160xf32> to vector<4x24x160xf32>
    %slice3A_566 = vector.extract_strided_slice %reshape3A_563 {offsets = [0, 1, 0, 0], sizes = [4, 1, 24, 160], strides = [1, 1, 1, 1]} : vector<4x2x24x160xf32> to vector<4x1x24x160xf32>
    %squeeze3A_567 = vector.shape_cast %slice3A_566 : vector<4x1x24x160xf32> to vector<4x24x160xf32>
    %max3A_568 = arith.maximumf %squeeze3A_565, %squeeze3A_567 : vector<4x24x160xf32>
    %slice3A_569 = vector.extract_strided_slice %max3A_568 {offsets = [0, 8, 0], sizes = [4, 8, 160], strides = [1, 1, 1]} : vector<4x24x160xf32> to vector<4x8x160xf32>
    %reshape3A_570 = vector.shape_cast %slice3A_569 : vector<4x8x160xf32> to vector<4x4x2x160xf32>
    %slice3A_571 = vector.extract_strided_slice %reshape3A_570 {offsets = [0, 0, 0, 0], sizes = [4, 4, 1, 160], strides = [1, 1, 1, 1]} : vector<4x4x2x160xf32> to vector<4x4x1x160xf32>
    %squeeze3A_572 = vector.shape_cast %slice3A_571 : vector<4x4x1x160xf32> to vector<4x4x160xf32>
    %slice3A_573 = vector.extract_strided_slice %reshape3A_570 {offsets = [0, 0, 1, 0], sizes = [4, 4, 1, 160], strides = [1, 1, 1, 1]} : vector<4x4x2x160xf32> to vector<4x4x1x160xf32>
    %squeeze3A_574 = vector.shape_cast %slice3A_573 : vector<4x4x1x160xf32> to vector<4x4x160xf32>
    %max3A_575 = arith.maximumf %squeeze3A_572, %squeeze3A_574 : vector<4x4x160xf32>
    %broadcast_in_dim3A_576 = vector.shape_cast %get3A_550 : vector<160xf32> to vector<1x1x160xf32>
    %add3A_577 = vector.broadcast %broadcast_in_dim3A_576 : vector<1x1x160xf32> to vector<4x4x160xf32>
    %add3A_578 = arith.addf %max3A_575, %add3A_577 : vector<4x4x160xf32>
    %max3A_579 = arith.constant 0.000000e+00 : f32
    %max3A_580 = vector.broadcast %max3A_579 : f32 to vector<4x4x160xf32>
    %max3A_581 = arith.maximumf %add3A_578, %max3A_580 : vector<4x4x160xf32>
    %convert_element_type3A_582 = arith.truncf %max3A_581 : vector<4x4x160xf32> to vector<4x4x160xbf16>
    %convert_element_type3A_583 = arith.extf %convert_element_type3A_582 : vector<4x4x160xbf16> to vector<4x4x160xf32>
    %get3A_584 = arith.constant 0 : index
    %get3A_585 = arith.constant 0 : index
    %get3A_586 = vector.load %arg10[%get3A_584, %get3A_585] : memref<1x160xf32, #tpu.memory_space<vmem>>, vector<1x160xf32>
    %get3A_587 = vector.shape_cast %get3A_586 : vector<1x160xf32> to vector<160xf32>
    %broadcast_in_dim3A_588 = vector.shape_cast %get3A_587 : vector<160xf32> to vector<1x1x160xf32>
    %mul3A_589 = vector.broadcast %broadcast_in_dim3A_588 : vector<1x1x160xf32> to vector<4x4x160xf32>
    %mul3A_590 = arith.mulf %convert_element_type3A_583, %mul3A_589 : vector<4x4x160xf32>
    %get3A_591 = arith.constant 0 : index
    %get3A_592 = arith.constant 0 : index
    %get3A_593 = vector.load %arg11[%get3A_591, %get3A_592] : memref<1x160xf32, #tpu.memory_space<vmem>>, vector<1x160xf32>
    %get3A_594 = vector.shape_cast %get3A_593 : vector<1x160xf32> to vector<160xf32>
    %broadcast_in_dim3A_595 = vector.shape_cast %get3A_594 : vector<160xf32> to vector<1x1x160xf32>
    %add3A_596 = vector.broadcast %broadcast_in_dim3A_595 : vector<1x1x160xf32> to vector<4x4x160xf32>
    %add3A_597 = arith.addf %mul3A_590, %add3A_596 : vector<4x4x160xf32>
    %reshape3A_598 = vector.shape_cast %add3A_597 : vector<4x4x160xf32> to vector<16x160xf32>
    %transpose3A_599 = tpu.transpose %reshape3A_598, [1, 0] : vector<16x160xf32> -> vector<160x16xf32>
    %swap3A_600 = arith.constant 2 : index
    %swap3A_601 = arith.constant 0 : index
    %swap3A_602 = arith.constant 0 : index
    %swap3A_603 = vector.load %arg12[%swap3A_600, %swap3A_601, %swap3A_602] : memref<4x160x16xf32, #tpu.memory_space<vmem>>, vector<1x160x16xf32>
    %swap3A_604 = vector.shape_cast %swap3A_603 : vector<1x160x16xf32> to vector<160x16xf32>
    %swap3A_605 = vector.shape_cast %transpose3A_599 : vector<160x16xf32> to vector<1x160x16xf32>
    tpu.vector_store %arg12[%swap3A_600, %swap3A_601, %swap3A_602], %swap3A_605 {strides = array<i32>} : memref<4x160x16xf32, #tpu.memory_space<vmem>>, vector<1x160x16xf32>,
    %get3A_606 = arith.constant 3 : index
    %get3A_607 = arith.constant 0 : index
    %get3A_608 = arith.constant 0 : index
    %get3A_609 = vector.load %arg1[%get3A_606, %get3A_607, %get3A_608] : memref<4x5120x27xbf16, #tpu.memory_space<vmem>>, vector<1x5120x27xbf16>
    %get3A_610 = vector.shape_cast %get3A_609 : vector<1x5120x27xbf16> to vector<5120x27xbf16>
    %get3A_611 = arith.constant 0 : index
    %get3A_612 = arith.constant 0 : index
    %get3A_613 = vector.load %arg2[%get3A_611, %get3A_612] : memref<27x160xbf16, #tpu.memory_space<vmem>>, vector<27x160xbf16>
    %dot_general3A_614 = arith.constant dense<0.000000e+00> : vector<5120x160xf32>
    %dot_general3A_615 = tpu.matmul %get3A_610, %get3A_613, %dot_general3A_614 {dimension_numbers = #tpu.dot_dimension_numbers<[1], [0], [0], [1], [0, 0, 1, 1], [], []>, transpose_lhs_hint = false} : vector<5120x27xbf16>, vector<27x160xbf16>, vector<5120x160xf32> -> vector<5120x160xf32>
    %get3A_616 = arith.constant 0 : index
    %get3A_617 = arith.constant 0 : index
    %get3A_618 = vector.load %arg3[%get3A_616, %get3A_617] : memref<1x160xf32, #tpu.memory_space<vmem>>, vector<1x160xf32>
    %get3A_619 = vector.shape_cast %get3A_618 : vector<1x160xf32> to vector<160xf32>
    %reshape3A_620 = vector.shape_cast %dot_general3A_615 : vector<5120x160xf32> to vector<32x2x80x160xf32>
    %slice3A_621 = vector.extract_strided_slice %reshape3A_620 {offsets = [0, 0, 0, 0], sizes = [32, 1, 80, 160], strides = [1, 1, 1, 1]} : vector<32x2x80x160xf32> to vector<32x1x80x160xf32>
    %squeeze3A_622 = vector.shape_cast %slice3A_621 : vector<32x1x80x160xf32> to vector<32x80x160xf32>
    %slice3A_623 = vector.extract_strided_slice %reshape3A_620 {offsets = [0, 1, 0, 0], sizes = [32, 1, 80, 160], strides = [1, 1, 1, 1]} : vector<32x2x80x160xf32> to vector<32x1x80x160xf32>
    %squeeze3A_624 = vector.shape_cast %slice3A_623 : vector<32x1x80x160xf32> to vector<32x80x160xf32>
    %max3A_625 = arith.maximumf %squeeze3A_622, %squeeze3A_624 : vector<32x80x160xf32>
    %slice3A_626 = vector.extract_strided_slice %max3A_625 {offsets = [0, 8, 0], sizes = [32, 64, 160], strides = [1, 1, 1]} : vector<32x80x160xf32> to vector<32x64x160xf32>
    %reshape3A_627 = vector.shape_cast %slice3A_626 : vector<32x64x160xf32> to vector<32x32x2x160xf32>
    %slice3A_628 = vector.extract_strided_slice %reshape3A_627 {offsets = [0, 0, 0, 0], sizes = [32, 32, 1, 160], strides = [1, 1, 1, 1]} : vector<32x32x2x160xf32> to vector<32x32x1x160xf32>
    %squeeze3A_629 = vector.shape_cast %slice3A_628 : vector<32x32x1x160xf32> to vector<32x32x160xf32>
    %slice3A_630 = vector.extract_strided_slice %reshape3A_627 {offsets = [0, 0, 1, 0], sizes = [32, 32, 1, 160], strides = [1, 1, 1, 1]} : vector<32x32x2x160xf32> to vector<32x32x1x160xf32>
    %squeeze3A_631 = vector.shape_cast %slice3A_630 : vector<32x32x1x160xf32> to vector<32x32x160xf32>
    %max3A_632 = arith.maximumf %squeeze3A_629, %squeeze3A_631 : vector<32x32x160xf32>
    %broadcast_in_dim3A_633 = vector.shape_cast %get3A_619 : vector<160xf32> to vector<1x1x160xf32>
    %add3A_634 = vector.broadcast %broadcast_in_dim3A_633 : vector<1x1x160xf32> to vector<32x32x160xf32>
    %add3A_635 = arith.addf %max3A_632, %add3A_634 : vector<32x32x160xf32>
    %max3A_636 = arith.constant 0.000000e+00 : f32
    %max3A_637 = vector.broadcast %max3A_636 : f32 to vector<32x32x160xf32>
    %max3A_638 = arith.maximumf %add3A_635, %max3A_637 : vector<32x32x160xf32>
    %convert_element_type3A_639 = arith.truncf %max3A_638 : vector<32x32x160xf32> to vector<32x32x160xbf16>
    %jit3A_640 = arith.constant 0 : i32
    %convert_element_type3A_641 = arith.sitofp %jit3A_640 : i32 to bf16
    %pad3A_642 = vector.broadcast %convert_element_type3A_641 : bf16 to vector<1x32x160xbf16>
    %pad3A_643 = tpu.concatenate %pad3A_642, %convert_element_type3A_639 in 0 : vector<1x32x160xbf16>, vector<32x32x160xbf16> -> vector<33x32x160xbf16>
    %pad3A_644 = vector.broadcast %convert_element_type3A_641 : bf16 to vector<2x32x160xbf16>
    %pad3A_645 = tpu.concatenate %pad3A_643, %pad3A_644 in 0 : vector<33x32x160xbf16>, vector<2x32x160xbf16> -> vector<35x32x160xbf16>
    %pad3A_646 = vector.broadcast %convert_element_type3A_641 : bf16 to vector<35x9x160xbf16>
    %pad3A_647 = tpu.concatenate %pad3A_646, %pad3A_645 in 1 : vector<35x9x160xbf16>, vector<35x32x160xbf16> -> vector<35x41x160xbf16>
    %pad3A_648 = vector.broadcast %convert_element_type3A_641 : bf16 to vector<35x7x160xbf16>
    %pad3A_649 = tpu.concatenate %pad3A_647, %pad3A_648 in 1 : vector<35x41x160xbf16>, vector<35x7x160xbf16> -> vector<35x48x160xbf16>
    %reshape3A_650 = vector.shape_cast %pad3A_649 : vector<35x48x160xbf16> to vector<1680x160xbf16>
    %get3A_651 = arith.constant 0 : index
    %get3A_652 = arith.constant 0 : index
    %get3A_653 = vector.load %arg4[%get3A_651, %get3A_652] : memref<1440x160xbf16, #tpu.memory_space<vmem>>, vector<1440x160xbf16>
    %get3A_654 = arith.constant 0 : index
    %get3A_655 = arith.constant 0 : index
    %get3A_656 = vector.load %arg5[%get3A_654, %get3A_655] : memref<1x160xf32, #tpu.memory_space<vmem>>, vector<1x160xf32>
    %get3A_657 = vector.shape_cast %get3A_656 : vector<1x160xf32> to vector<160xf32>
    %slice3A_658 = vector.extract_strided_slice %reshape3A_650 {offsets = [0, 0], sizes = [1536, 160], strides = [1, 1]} : vector<1680x160xbf16> to vector<1536x160xbf16>
    %slice3A_659 = vector.extract_strided_slice %reshape3A_650 {offsets = [1, 0], sizes = [1536, 160], strides = [1, 1]} : vector<1680x160xbf16> to vector<1536x160xbf16>
    %slice3A_660 = vector.extract_strided_slice %reshape3A_650 {offsets = [2, 0], sizes = [1536, 160], strides = [1, 1]} : vector<1680x160xbf16> to vector<1536x160xbf16>
    %slice3A_661 = vector.extract_strided_slice %reshape3A_650 {offsets = [48, 0], sizes = [1536, 160], strides = [1, 1]} : vector<1680x160xbf16> to vector<1536x160xbf16>
    %slice3A_662 = vector.extract_strided_slice %reshape3A_650 {offsets = [49, 0], sizes = [1536, 160], strides = [1, 1]} : vector<1680x160xbf16> to vector<1536x160xbf16>
    %slice3A_663 = vector.extract_strided_slice %reshape3A_650 {offsets = [50, 0], sizes = [1536, 160], strides = [1, 1]} : vector<1680x160xbf16> to vector<1536x160xbf16>
    %slice3A_664 = vector.extract_strided_slice %reshape3A_650 {offsets = [96, 0], sizes = [1536, 160], strides = [1, 1]} : vector<1680x160xbf16> to vector<1536x160xbf16>
    %slice3A_665 = vector.extract_strided_slice %reshape3A_650 {offsets = [97, 0], sizes = [1536, 160], strides = [1, 1]} : vector<1680x160xbf16> to vector<1536x160xbf16>
    %slice3A_666 = vector.extract_strided_slice %reshape3A_650 {offsets = [98, 0], sizes = [1536, 160], strides = [1, 1]} : vector<1680x160xbf16> to vector<1536x160xbf16>
    %concatenate3A_667 = tpu.concatenate %slice3A_658, %slice3A_659, %slice3A_660, %slice3A_661, %slice3A_662, %slice3A_663, %slice3A_664, %slice3A_665, %slice3A_666 in 1 : vector<1536x160xbf16>, vector<1536x160xbf16>, vector<1536x160xbf16>, vector<1536x160xbf16>, vector<1536x160xbf16>, vector<1536x160xbf16>, vector<1536x160xbf16>, vector<1536x160xbf16>, vector<1536x160xbf16> -> vector<1536x1440xbf16>
    %dot_general3A_668 = arith.constant dense<0.000000e+00> : vector<1536x160xf32>
    %dot_general3A_669 = tpu.matmul %concatenate3A_667, %get3A_653, %dot_general3A_668 {dimension_numbers = #tpu.dot_dimension_numbers<[1], [0], [0], [1], [0, 0, 1, 1], [], []>, transpose_lhs_hint = false} : vector<1536x1440xbf16>, vector<1440x160xbf16>, vector<1536x160xf32> -> vector<1536x160xf32>
    %reshape3A_670 = vector.shape_cast %dot_general3A_669 : vector<1536x160xf32> to vector<16x2x48x160xf32>
    %slice3A_671 = vector.extract_strided_slice %reshape3A_670 {offsets = [0, 0, 0, 0], sizes = [16, 1, 48, 160], strides = [1, 1, 1, 1]} : vector<16x2x48x160xf32> to vector<16x1x48x160xf32>
    %squeeze3A_672 = vector.shape_cast %slice3A_671 : vector<16x1x48x160xf32> to vector<16x48x160xf32>
    %slice3A_673 = vector.extract_strided_slice %reshape3A_670 {offsets = [0, 1, 0, 0], sizes = [16, 1, 48, 160], strides = [1, 1, 1, 1]} : vector<16x2x48x160xf32> to vector<16x1x48x160xf32>
    %squeeze3A_674 = vector.shape_cast %slice3A_673 : vector<16x1x48x160xf32> to vector<16x48x160xf32>
    %max3A_675 = arith.maximumf %squeeze3A_672, %squeeze3A_674 : vector<16x48x160xf32>
    %slice3A_676 = vector.extract_strided_slice %max3A_675 {offsets = [0, 8, 0], sizes = [16, 32, 160], strides = [1, 1, 1]} : vector<16x48x160xf32> to vector<16x32x160xf32>
    %reshape3A_677 = vector.shape_cast %slice3A_676 : vector<16x32x160xf32> to vector<16x16x2x160xf32>
    %slice3A_678 = vector.extract_strided_slice %reshape3A_677 {offsets = [0, 0, 0, 0], sizes = [16, 16, 1, 160], strides = [1, 1, 1, 1]} : vector<16x16x2x160xf32> to vector<16x16x1x160xf32>
    %squeeze3A_679 = vector.shape_cast %slice3A_678 : vector<16x16x1x160xf32> to vector<16x16x160xf32>
    %slice3A_680 = vector.extract_strided_slice %reshape3A_677 {offsets = [0, 0, 1, 0], sizes = [16, 16, 1, 160], strides = [1, 1, 1, 1]} : vector<16x16x2x160xf32> to vector<16x16x1x160xf32>
    %squeeze3A_681 = vector.shape_cast %slice3A_680 : vector<16x16x1x160xf32> to vector<16x16x160xf32>
    %max3A_682 = arith.maximumf %squeeze3A_679, %squeeze3A_681 : vector<16x16x160xf32>
    %broadcast_in_dim3A_683 = vector.shape_cast %get3A_657 : vector<160xf32> to vector<1x1x160xf32>
    %add3A_684 = vector.broadcast %broadcast_in_dim3A_683 : vector<1x1x160xf32> to vector<16x16x160xf32>
    %add3A_685 = arith.addf %max3A_682, %add3A_684 : vector<16x16x160xf32>
    %max3A_686 = arith.constant 0.000000e+00 : f32
    %max3A_687 = vector.broadcast %max3A_686 : f32 to vector<16x16x160xf32>
    %max3A_688 = arith.maximumf %add3A_685, %max3A_687 : vector<16x16x160xf32>
    %convert_element_type3A_689 = arith.truncf %max3A_688 : vector<16x16x160xf32> to vector<16x16x160xbf16>
    %jit3A_690 = arith.constant 0 : i32
    %convert_element_type3A_691 = arith.sitofp %jit3A_690 : i32 to bf16
    %pad3A_692 = vector.broadcast %convert_element_type3A_691 : bf16 to vector<1x16x160xbf16>
    %pad3A_693 = tpu.concatenate %pad3A_692, %convert_element_type3A_689 in 0 : vector<1x16x160xbf16>, vector<16x16x160xbf16> -> vector<17x16x160xbf16>
    %pad3A_694 = vector.broadcast %convert_element_type3A_691 : bf16 to vector<2x16x160xbf16>
    %pad3A_695 = tpu.concatenate %pad3A_693, %pad3A_694 in 0 : vector<17x16x160xbf16>, vector<2x16x160xbf16> -> vector<19x16x160xbf16>
    %pad3A_696 = vector.broadcast %convert_element_type3A_691 : bf16 to vector<19x9x160xbf16>
    %pad3A_697 = tpu.concatenate %pad3A_696, %pad3A_695 in 1 : vector<19x9x160xbf16>, vector<19x16x160xbf16> -> vector<19x25x160xbf16>
    %pad3A_698 = vector.broadcast %convert_element_type3A_691 : bf16 to vector<19x7x160xbf16>
    %pad3A_699 = tpu.concatenate %pad3A_697, %pad3A_698 in 1 : vector<19x25x160xbf16>, vector<19x7x160xbf16> -> vector<19x32x160xbf16>
    %reshape3A_700 = vector.shape_cast %pad3A_699 : vector<19x32x160xbf16> to vector<608x160xbf16>
    %get3A_701 = arith.constant 0 : index
    %get3A_702 = arith.constant 0 : index
    %get3A_703 = vector.load %arg6[%get3A_701, %get3A_702] : memref<1440x160xbf16, #tpu.memory_space<vmem>>, vector<1440x160xbf16>
    %get3A_704 = arith.constant 0 : index
    %get3A_705 = arith.constant 0 : index
    %get3A_706 = vector.load %arg7[%get3A_704, %get3A_705] : memref<1x160xf32, #tpu.memory_space<vmem>>, vector<1x160xf32>
    %get3A_707 = vector.shape_cast %get3A_706 : vector<1x160xf32> to vector<160xf32>
    %slice3A_708 = vector.extract_strided_slice %reshape3A_700 {offsets = [0, 0], sizes = [512, 160], strides = [1, 1]} : vector<608x160xbf16> to vector<512x160xbf16>
    %slice3A_709 = vector.extract_strided_slice %reshape3A_700 {offsets = [1, 0], sizes = [512, 160], strides = [1, 1]} : vector<608x160xbf16> to vector<512x160xbf16>
    %slice3A_710 = vector.extract_strided_slice %reshape3A_700 {offsets = [2, 0], sizes = [512, 160], strides = [1, 1]} : vector<608x160xbf16> to vector<512x160xbf16>
    %slice3A_711 = vector.extract_strided_slice %reshape3A_700 {offsets = [32, 0], sizes = [512, 160], strides = [1, 1]} : vector<608x160xbf16> to vector<512x160xbf16>
    %slice3A_712 = vector.extract_strided_slice %reshape3A_700 {offsets = [33, 0], sizes = [512, 160], strides = [1, 1]} : vector<608x160xbf16> to vector<512x160xbf16>
    %slice3A_713 = vector.extract_strided_slice %reshape3A_700 {offsets = [34, 0], sizes = [512, 160], strides = [1, 1]} : vector<608x160xbf16> to vector<512x160xbf16>
    %slice3A_714 = vector.extract_strided_slice %reshape3A_700 {offsets = [64, 0], sizes = [512, 160], strides = [1, 1]} : vector<608x160xbf16> to vector<512x160xbf16>
    %slice3A_715 = vector.extract_strided_slice %reshape3A_700 {offsets = [65, 0], sizes = [512, 160], strides = [1, 1]} : vector<608x160xbf16> to vector<512x160xbf16>
    %slice3A_716 = vector.extract_strided_slice %reshape3A_700 {offsets = [66, 0], sizes = [512, 160], strides = [1, 1]} : vector<608x160xbf16> to vector<512x160xbf16>
    %concatenate3A_717 = tpu.concatenate %slice3A_708, %slice3A_709, %slice3A_710, %slice3A_711, %slice3A_712, %slice3A_713, %slice3A_714, %slice3A_715, %slice3A_716 in 1 : vector<512x160xbf16>, vector<512x160xbf16>, vector<512x160xbf16>, vector<512x160xbf16>, vector<512x160xbf16>, vector<512x160xbf16>, vector<512x160xbf16>, vector<512x160xbf16>, vector<512x160xbf16> -> vector<512x1440xbf16>
    %dot_general3A_718 = arith.constant dense<0.000000e+00> : vector<512x160xf32>
    %dot_general3A_719 = tpu.matmul %concatenate3A_717, %get3A_703, %dot_general3A_718 {dimension_numbers = #tpu.dot_dimension_numbers<[1], [0], [0], [1], [0, 0, 1, 1], [], []>, transpose_lhs_hint = false} : vector<512x1440xbf16>, vector<1440x160xbf16>, vector<512x160xf32> -> vector<512x160xf32>
    %reshape3A_720 = vector.shape_cast %dot_general3A_719 : vector<512x160xf32> to vector<8x2x32x160xf32>
    %slice3A_721 = vector.extract_strided_slice %reshape3A_720 {offsets = [0, 0, 0, 0], sizes = [8, 1, 32, 160], strides = [1, 1, 1, 1]} : vector<8x2x32x160xf32> to vector<8x1x32x160xf32>
    %squeeze3A_722 = vector.shape_cast %slice3A_721 : vector<8x1x32x160xf32> to vector<8x32x160xf32>
    %slice3A_723 = vector.extract_strided_slice %reshape3A_720 {offsets = [0, 1, 0, 0], sizes = [8, 1, 32, 160], strides = [1, 1, 1, 1]} : vector<8x2x32x160xf32> to vector<8x1x32x160xf32>
    %squeeze3A_724 = vector.shape_cast %slice3A_723 : vector<8x1x32x160xf32> to vector<8x32x160xf32>
    %max3A_725 = arith.maximumf %squeeze3A_722, %squeeze3A_724 : vector<8x32x160xf32>
    %slice3A_726 = vector.extract_strided_slice %max3A_725 {offsets = [0, 8, 0], sizes = [8, 16, 160], strides = [1, 1, 1]} : vector<8x32x160xf32> to vector<8x16x160xf32>
    %reshape3A_727 = vector.shape_cast %slice3A_726 : vector<8x16x160xf32> to vector<8x8x2x160xf32>
    %slice3A_728 = vector.extract_strided_slice %reshape3A_727 {offsets = [0, 0, 0, 0], sizes = [8, 8, 1, 160], strides = [1, 1, 1, 1]} : vector<8x8x2x160xf32> to vector<8x8x1x160xf32>
    %squeeze3A_729 = vector.shape_cast %slice3A_728 : vector<8x8x1x160xf32> to vector<8x8x160xf32>
    %slice3A_730 = vector.extract_strided_slice %reshape3A_727 {offsets = [0, 0, 1, 0], sizes = [8, 8, 1, 160], strides = [1, 1, 1, 1]} : vector<8x8x2x160xf32> to vector<8x8x1x160xf32>
    %squeeze3A_731 = vector.shape_cast %slice3A_730 : vector<8x8x1x160xf32> to vector<8x8x160xf32>
    %max3A_732 = arith.maximumf %squeeze3A_729, %squeeze3A_731 : vector<8x8x160xf32>
    %broadcast_in_dim3A_733 = vector.shape_cast %get3A_707 : vector<160xf32> to vector<1x1x160xf32>
    %add3A_734 = vector.broadcast %broadcast_in_dim3A_733 : vector<1x1x160xf32> to vector<8x8x160xf32>
    %add3A_735 = arith.addf %max3A_732, %add3A_734 : vector<8x8x160xf32>
    %max3A_736 = arith.constant 0.000000e+00 : f32
    %max3A_737 = vector.broadcast %max3A_736 : f32 to vector<8x8x160xf32>
    %max3A_738 = arith.maximumf %add3A_735, %max3A_737 : vector<8x8x160xf32>
    %convert_element_type3A_739 = arith.truncf %max3A_738 : vector<8x8x160xf32> to vector<8x8x160xbf16>
    %jit3A_740 = arith.constant 0 : i32
    %convert_element_type3A_741 = arith.sitofp %jit3A_740 : i32 to bf16
    %pad3A_742 = vector.broadcast %convert_element_type3A_741 : bf16 to vector<1x8x160xbf16>
    %pad3A_743 = tpu.concatenate %pad3A_742, %convert_element_type3A_739 in 0 : vector<1x8x160xbf16>, vector<8x8x160xbf16> -> vector<9x8x160xbf16>
    %pad3A_744 = vector.broadcast %convert_element_type3A_741 : bf16 to vector<2x8x160xbf16>
    %pad3A_745 = tpu.concatenate %pad3A_743, %pad3A_744 in 0 : vector<9x8x160xbf16>, vector<2x8x160xbf16> -> vector<11x8x160xbf16>
    %pad3A_746 = vector.broadcast %convert_element_type3A_741 : bf16 to vector<11x9x160xbf16>
    %pad3A_747 = tpu.concatenate %pad3A_746, %pad3A_745 in 1 : vector<11x9x160xbf16>, vector<11x8x160xbf16> -> vector<11x17x160xbf16>
    %pad3A_748 = vector.broadcast %convert_element_type3A_741 : bf16 to vector<11x7x160xbf16>
    %pad3A_749 = tpu.concatenate %pad3A_747, %pad3A_748 in 1 : vector<11x17x160xbf16>, vector<11x7x160xbf16> -> vector<11x24x160xbf16>
    %reshape3A_750 = vector.shape_cast %pad3A_749 : vector<11x24x160xbf16> to vector<264x160xbf16>
    %get3A_751 = arith.constant 0 : index
    %get3A_752 = arith.constant 0 : index
    %get3A_753 = vector.load %arg8[%get3A_751, %get3A_752] : memref<1440x160xbf16, #tpu.memory_space<vmem>>, vector<1440x160xbf16>
    %get3A_754 = arith.constant 0 : index
    %get3A_755 = arith.constant 0 : index
    %get3A_756 = vector.load %arg9[%get3A_754, %get3A_755] : memref<1x160xf32, #tpu.memory_space<vmem>>, vector<1x160xf32>
    %get3A_757 = vector.shape_cast %get3A_756 : vector<1x160xf32> to vector<160xf32>
    %slice3A_758 = vector.extract_strided_slice %reshape3A_750 {offsets = [0, 0], sizes = [192, 160], strides = [1, 1]} : vector<264x160xbf16> to vector<192x160xbf16>
    %slice3A_759 = vector.extract_strided_slice %reshape3A_750 {offsets = [1, 0], sizes = [192, 160], strides = [1, 1]} : vector<264x160xbf16> to vector<192x160xbf16>
    %slice3A_760 = vector.extract_strided_slice %reshape3A_750 {offsets = [2, 0], sizes = [192, 160], strides = [1, 1]} : vector<264x160xbf16> to vector<192x160xbf16>
    %slice3A_761 = vector.extract_strided_slice %reshape3A_750 {offsets = [24, 0], sizes = [192, 160], strides = [1, 1]} : vector<264x160xbf16> to vector<192x160xbf16>
    %slice3A_762 = vector.extract_strided_slice %reshape3A_750 {offsets = [25, 0], sizes = [192, 160], strides = [1, 1]} : vector<264x160xbf16> to vector<192x160xbf16>
    %slice3A_763 = vector.extract_strided_slice %reshape3A_750 {offsets = [26, 0], sizes = [192, 160], strides = [1, 1]} : vector<264x160xbf16> to vector<192x160xbf16>
    %slice3A_764 = vector.extract_strided_slice %reshape3A_750 {offsets = [48, 0], sizes = [192, 160], strides = [1, 1]} : vector<264x160xbf16> to vector<192x160xbf16>
    %slice3A_765 = vector.extract_strided_slice %reshape3A_750 {offsets = [49, 0], sizes = [192, 160], strides = [1, 1]} : vector<264x160xbf16> to vector<192x160xbf16>
    %slice3A_766 = vector.extract_strided_slice %reshape3A_750 {offsets = [50, 0], sizes = [192, 160], strides = [1, 1]} : vector<264x160xbf16> to vector<192x160xbf16>
    %concatenate3A_767 = tpu.concatenate %slice3A_758, %slice3A_759, %slice3A_760, %slice3A_761, %slice3A_762, %slice3A_763, %slice3A_764, %slice3A_765, %slice3A_766 in 1 : vector<192x160xbf16>, vector<192x160xbf16>, vector<192x160xbf16>, vector<192x160xbf16>, vector<192x160xbf16>, vector<192x160xbf16>, vector<192x160xbf16>, vector<192x160xbf16>, vector<192x160xbf16> -> vector<192x1440xbf16>
    %dot_general3A_768 = arith.constant dense<0.000000e+00> : vector<192x160xf32>
    %dot_general3A_769 = tpu.matmul %concatenate3A_767, %get3A_753, %dot_general3A_768 {dimension_numbers = #tpu.dot_dimension_numbers<[1], [0], [0], [1], [0, 0, 1, 1], [], []>, transpose_lhs_hint = false} : vector<192x1440xbf16>, vector<1440x160xbf16>, vector<192x160xf32> -> vector<192x160xf32>
    %reshape3A_770 = vector.shape_cast %dot_general3A_769 : vector<192x160xf32> to vector<4x2x24x160xf32>
    %slice3A_771 = vector.extract_strided_slice %reshape3A_770 {offsets = [0, 0, 0, 0], sizes = [4, 1, 24, 160], strides = [1, 1, 1, 1]} : vector<4x2x24x160xf32> to vector<4x1x24x160xf32>
    %squeeze3A_772 = vector.shape_cast %slice3A_771 : vector<4x1x24x160xf32> to vector<4x24x160xf32>
    %slice3A_773 = vector.extract_strided_slice %reshape3A_770 {offsets = [0, 1, 0, 0], sizes = [4, 1, 24, 160], strides = [1, 1, 1, 1]} : vector<4x2x24x160xf32> to vector<4x1x24x160xf32>
    %squeeze3A_774 = vector.shape_cast %slice3A_773 : vector<4x1x24x160xf32> to vector<4x24x160xf32>
    %max3A_775 = arith.maximumf %squeeze3A_772, %squeeze3A_774 : vector<4x24x160xf32>
    %slice3A_776 = vector.extract_strided_slice %max3A_775 {offsets = [0, 8, 0], sizes = [4, 8, 160], strides = [1, 1, 1]} : vector<4x24x160xf32> to vector<4x8x160xf32>
    %reshape3A_777 = vector.shape_cast %slice3A_776 : vector<4x8x160xf32> to vector<4x4x2x160xf32>
    %slice3A_778 = vector.extract_strided_slice %reshape3A_777 {offsets = [0, 0, 0, 0], sizes = [4, 4, 1, 160], strides = [1, 1, 1, 1]} : vector<4x4x2x160xf32> to vector<4x4x1x160xf32>
    %squeeze3A_779 = vector.shape_cast %slice3A_778 : vector<4x4x1x160xf32> to vector<4x4x160xf32>
    %slice3A_780 = vector.extract_strided_slice %reshape3A_777 {offsets = [0, 0, 1, 0], sizes = [4, 4, 1, 160], strides = [1, 1, 1, 1]} : vector<4x4x2x160xf32> to vector<4x4x1x160xf32>
    %squeeze3A_781 = vector.shape_cast %slice3A_780 : vector<4x4x1x160xf32> to vector<4x4x160xf32>
    %max3A_782 = arith.maximumf %squeeze3A_779, %squeeze3A_781 : vector<4x4x160xf32>
    %broadcast_in_dim3A_783 = vector.shape_cast %get3A_757 : vector<160xf32> to vector<1x1x160xf32>
    %add3A_784 = vector.broadcast %broadcast_in_dim3A_783 : vector<1x1x160xf32> to vector<4x4x160xf32>
    %add3A_785 = arith.addf %max3A_782, %add3A_784 : vector<4x4x160xf32>
    %max3A_786 = arith.constant 0.000000e+00 : f32
    %max3A_787 = vector.broadcast %max3A_786 : f32 to vector<4x4x160xf32>
    %max3A_788 = arith.maximumf %add3A_785, %max3A_787 : vector<4x4x160xf32>
    %convert_element_type3A_789 = arith.truncf %max3A_788 : vector<4x4x160xf32> to vector<4x4x160xbf16>
    %convert_element_type3A_790 = arith.extf %convert_element_type3A_789 : vector<4x4x160xbf16> to vector<4x4x160xf32>
    %get3A_791 = arith.constant 0 : index
    %get3A_792 = arith.constant 0 : index
    %get3A_793 = vector.load %arg10[%get3A_791, %get3A_792] : memref<1x160xf32, #tpu.memory_space<vmem>>, vector<1x160xf32>
    %get3A_794 = vector.shape_cast %get3A_793 : vector<1x160xf32> to vector<160xf32>
    %broadcast_in_dim3A_795 = vector.shape_cast %get3A_794 : vector<160xf32> to vector<1x1x160xf32>
    %mul3A_796 = vector.broadcast %broadcast_in_dim3A_795 : vector<1x1x160xf32> to vector<4x4x160xf32>
    %mul3A_797 = arith.mulf %convert_element_type3A_790, %mul3A_796 : vector<4x4x160xf32>
    %get3A_798 = arith.constant 0 : index
    %get3A_799 = arith.constant 0 : index
    %get3A_800 = vector.load %arg11[%get3A_798, %get3A_799] : memref<1x160xf32, #tpu.memory_space<vmem>>, vector<1x160xf32>
    %get3A_801 = vector.shape_cast %get3A_800 : vector<1x160xf32> to vector<160xf32>
    %broadcast_in_dim3A_802 = vector.shape_cast %get3A_801 : vector<160xf32> to vector<1x1x160xf32>
    %add3A_803 = vector.broadcast %broadcast_in_dim3A_802 : vector<1x1x160xf32> to vector<4x4x160xf32>
    %add3A_804 = arith.addf %mul3A_797, %add3A_803 : vector<4x4x160xf32>
    %reshape3A_805 = vector.shape_cast %add3A_804 : vector<4x4x160xf32> to vector<16x160xf32>
    %transpose3A_806 = tpu.transpose %reshape3A_805, [1, 0] : vector<16x160xf32> -> vector<160x16xf32>
    %swap3A_807 = arith.constant 3 : index
    %swap3A_808 = arith.constant 0 : index
    %swap3A_809 = arith.constant 0 : index
    %swap3A_810 = vector.load %arg12[%swap3A_807, %swap3A_808, %swap3A_809] : memref<4x160x16xf32, #tpu.memory_space<vmem>>, vector<1x160x16xf32>
    %swap3A_811 = vector.shape_cast %swap3A_810 : vector<1x160x16xf32> to vector<160x16xf32>
    %swap3A_812 = vector.shape_cast %transpose3A_806 : vector<160x16xf32> to vector<1x160x16xf32>
    tpu.vector_store %arg12[%swap3A_807, %swap3A_808, %swap3A_809], %swap3A_812 {strides = array<i32>} : memref<4x160x16xf32, #tpu.memory_space<vmem>>, vector<1x160x16xf32>,
    return
  }
  func.func @transform_0(%arg0: i32) -> (i32, i32, i32) {
    %c0_i32 = arith.constant 0 : i32
    %c0_i32_0 = arith.constant 0 : i32
    %c0_i32_1 = arith.constant 0 : i32
    return %arg0, %c0_i32, %c0_i32_0 : i32, i32, i32
  }
  func.func @transform_1(%arg0: i32) -> (i32, i32) {
    %c0_i32 = arith.constant 0 : i32
    %c0_i32_0 = arith.constant 0 : i32
    %c0_i32_1 = arith.constant 0 : i32
    return %c0_i32, %c0_i32_0 : i32, i32
  }
  func.func @transform_2(%arg0: i32) -> (i32, i32) {
    %c0_i32 = arith.constant 0 : i32
    %c0_i32_0 = arith.constant 0 : i32
    %c0_i32_1 = arith.constant 0 : i32
    return %c0_i32, %c0_i32_0 : i32, i32
  }
  func.func @transform_3(%arg0: i32) -> (i32, i32) {
    %c0_i32 = arith.constant 0 : i32
    %c0_i32_0 = arith.constant 0 : i32
    %c0_i32_1 = arith.constant 0 : i32
    return %c0_i32, %c0_i32_0 : i32, i32
  }
  func.func @transform_4(%arg0: i32) -> (i32, i32) {
    %c0_i32 = arith.constant 0 : i32
    %c0_i32_0 = arith.constant 0 : i32
    %c0_i32_1 = arith.constant 0 : i32
    return %c0_i32, %c0_i32_0 : i32, i32
  }
  func.func @transform_5(%arg0: i32) -> (i32, i32) {
    %c0_i32 = arith.constant 0 : i32
    %c0_i32_0 = arith.constant 0 : i32
    %c0_i32_1 = arith.constant 0 : i32
    return %c0_i32, %c0_i32_0 : i32, i32
  }
  func.func @transform_6(%arg0: i32) -> (i32, i32) {
    %c0_i32 = arith.constant 0 : i32
    %c0_i32_0 = arith.constant 0 : i32
    %c0_i32_1 = arith.constant 0 : i32
    return %c0_i32, %c0_i32_0 : i32, i32
  }
  func.func @transform_7(%arg0: i32) -> (i32, i32) {
    %c0_i32 = arith.constant 0 : i32
    %c0_i32_0 = arith.constant 0 : i32
    %c0_i32_1 = arith.constant 0 : i32
    return %c0_i32, %c0_i32_0 : i32, i32
  }
  func.func @transform_8(%arg0: i32) -> (i32, i32) {
    %c0_i32 = arith.constant 0 : i32
    %c0_i32_0 = arith.constant 0 : i32
    %c0_i32_1 = arith.constant 0 : i32
    return %c0_i32, %c0_i32_0 : i32, i32
  }
  func.func @transform_9(%arg0: i32) -> (i32, i32) {
    %c0_i32 = arith.constant 0 : i32
    %c0_i32_0 = arith.constant 0 : i32
    %c0_i32_1 = arith.constant 0 : i32
    return %c0_i32, %c0_i32_0 : i32, i32
  }
  func.func @transform_10(%arg0: i32) -> (i32, i32) {
    %c0_i32 = arith.constant 0 : i32
    %c0_i32_0 = arith.constant 0 : i32
    %c0_i32_1 = arith.constant 0 : i32
    return %c0_i32, %c0_i32_0 : i32, i32
  }
  func.func @transform_11(%arg0: i32) -> (i32, i32, i32) {
    %c0_i32 = arith.constant 0 : i32
    %c0_i32_0 = arith.constant 0 : i32
    %c0_i32_1 = arith.constant 0 : i32
    return %arg0, %c0_i32, %c0_i32_0 : i32, i32, i32
  }
}

module attributes {stable_mosaic.version = 14 : i64} {
  func.func @_fc1_body(%arg0: memref<64x1xi32, #tpu.memory_space<vmem>>, %arg1: memref<64x2560xf32, #tpu.memory_space<vmem>>, %arg2: memref<16x2560x320xbf16, #tpu.memory_space<vmem>>, %arg3: memref<16x1x320xf32, #tpu.memory_space<vmem>>, %arg4: memref<64x320xf32, #tpu.memory_space<vmem>>) attributes {dimension_semantics = [], scalar_prefetch = 0 : i64, scratch_operands = 0 : i64, tpu.core_type = #tpu.core_type<tc>} {
    %get3A = arith.constant 0 : index
    %get3A_0 = arith.constant 0 : index
    %get3A_1 = vector.load %arg1[%get3A, %get3A_0] : memref<64x2560xf32, #tpu.memory_space<vmem>>, vector<64x2560xf32>
    %convert_element_type3A = arith.truncf %get3A_1 : vector<64x2560xf32> to vector<64x2560xbf16>
    %broadcast_in_dim3A = arith.constant 0.000000e+00 : f32
    %broadcast_in_dim3A_2 = vector.broadcast %broadcast_in_dim3A : f32 to vector<64x320xf32>
    %get3A_3 = arith.constant 0 : index
    %get3A_4 = arith.constant 0 : index
    %get3A_5 = arith.constant 0 : index
    %get3A_6 = vector.load %arg2[%get3A_3, %get3A_4, %get3A_5] : memref<16x2560x320xbf16, #tpu.memory_space<vmem>>, vector<1x2560x320xbf16>
    %get3A_7 = vector.shape_cast %get3A_6 : vector<1x2560x320xbf16> to vector<2560x320xbf16>
    %dot_general3A = arith.constant dense<0.000000e+00> : vector<64x320xf32>
    %dot_general3A_8 = tpu.matmul %convert_element_type3A, %get3A_7, %dot_general3A {dimension_numbers = #tpu.dot_dimension_numbers<[1], [0], [0], [1], [0, 0, 1, 1], [], []>, transpose_lhs_hint = false} : vector<64x2560xbf16>, vector<2560x320xbf16>, vector<64x320xf32> -> vector<64x320xf32>
    %get3A_9 = arith.constant 0 : index
    %get3A_10 = arith.constant 0 : index
    %get3A_11 = arith.constant 0 : index
    %get3A_12 = vector.load %arg3[%get3A_9, %get3A_10, %get3A_11] : memref<16x1x320xf32, #tpu.memory_space<vmem>>, vector<1x1x320xf32>
    %get3A_13 = vector.shape_cast %get3A_12 : vector<1x1x320xf32> to vector<1x320xf32>
    %add3A = vector.broadcast %get3A_13 : vector<1x320xf32> to vector<64x320xf32>
    %add3A_14 = arith.addf %dot_general3A_8, %add3A : vector<64x320xf32>
    %max3A = arith.constant 0.000000e+00 : f32
    %max3A_15 = vector.broadcast %max3A : f32 to vector<64x320xf32>
    %max3A_16 = arith.maximumf %add3A_14, %max3A_15 : vector<64x320xf32>
    %get3A_17 = arith.constant 0 : index
    %get3A_18 = arith.constant 0 : index
    %get3A_19 = vector.load %arg0[%get3A_17, %get3A_18] : memref<64x1xi32, #tpu.memory_space<vmem>>, vector<64x1xi32>
    %eq3A = arith.constant 0 : i32
    %eq3A_20 = vector.broadcast %eq3A : i32 to vector<64x1xi32>
    %eq3A_21 = arith.cmpi eq, %get3A_19, %eq3A_20 : vector<64x1xi32>
    %jit3A = arith.constant 0.000000e+00 : f32
    %broadcast_in_dim3A_22 = vector.shape_cast %eq3A_21 : vector<64x1xi1> to vector<64x1xi1>
    %broadcast_in_dim3A_23 = vector.broadcast %broadcast_in_dim3A_22 : vector<64x1xi1> to vector<64x320xi1>
    %broadcast_in_dim3A_24 = vector.broadcast %jit3A : f32 to vector<64x320xf32>
    %select_n3A = arith.select %broadcast_in_dim3A_23, %max3A_16, %broadcast_in_dim3A_24 : vector<64x320xi1>, vector<64x320xf32>
    %add3A_25 = arith.addf %broadcast_in_dim3A_2, %select_n3A : vector<64x320xf32>
    %get3A_26 = arith.constant 1 : index
    %get3A_27 = arith.constant 0 : index
    %get3A_28 = arith.constant 0 : index
    %get3A_29 = vector.load %arg2[%get3A_26, %get3A_27, %get3A_28] : memref<16x2560x320xbf16, #tpu.memory_space<vmem>>, vector<1x2560x320xbf16>
    %get3A_30 = vector.shape_cast %get3A_29 : vector<1x2560x320xbf16> to vector<2560x320xbf16>
    %dot_general3A_31 = arith.constant dense<0.000000e+00> : vector<64x320xf32>
    %dot_general3A_32 = tpu.matmul %convert_element_type3A, %get3A_30, %dot_general3A_31 {dimension_numbers = #tpu.dot_dimension_numbers<[1], [0], [0], [1], [0, 0, 1, 1], [], []>, transpose_lhs_hint = false} : vector<64x2560xbf16>, vector<2560x320xbf16>, vector<64x320xf32> -> vector<64x320xf32>
    %get3A_33 = arith.constant 1 : index
    %get3A_34 = arith.constant 0 : index
    %get3A_35 = arith.constant 0 : index
    %get3A_36 = vector.load %arg3[%get3A_33, %get3A_34, %get3A_35] : memref<16x1x320xf32, #tpu.memory_space<vmem>>, vector<1x1x320xf32>
    %get3A_37 = vector.shape_cast %get3A_36 : vector<1x1x320xf32> to vector<1x320xf32>
    %add3A_38 = vector.broadcast %get3A_37 : vector<1x320xf32> to vector<64x320xf32>
    %add3A_39 = arith.addf %dot_general3A_32, %add3A_38 : vector<64x320xf32>
    %max3A_40 = arith.constant 0.000000e+00 : f32
    %max3A_41 = vector.broadcast %max3A_40 : f32 to vector<64x320xf32>
    %max3A_42 = arith.maximumf %add3A_39, %max3A_41 : vector<64x320xf32>
    %get3A_43 = arith.constant 0 : index
    %get3A_44 = arith.constant 0 : index
    %get3A_45 = vector.load %arg0[%get3A_43, %get3A_44] : memref<64x1xi32, #tpu.memory_space<vmem>>, vector<64x1xi32>
    %eq3A_46 = arith.constant 1 : i32
    %eq3A_47 = vector.broadcast %eq3A_46 : i32 to vector<64x1xi32>
    %eq3A_48 = arith.cmpi eq, %get3A_45, %eq3A_47 : vector<64x1xi32>
    %jit3A_49 = arith.constant 0.000000e+00 : f32
    %broadcast_in_dim3A_50 = vector.shape_cast %eq3A_48 : vector<64x1xi1> to vector<64x1xi1>
    %broadcast_in_dim3A_51 = vector.broadcast %broadcast_in_dim3A_50 : vector<64x1xi1> to vector<64x320xi1>
    %broadcast_in_dim3A_52 = vector.broadcast %jit3A_49 : f32 to vector<64x320xf32>
    %select_n3A_53 = arith.select %broadcast_in_dim3A_51, %max3A_42, %broadcast_in_dim3A_52 : vector<64x320xi1>, vector<64x320xf32>
    %add3A_54 = arith.addf %add3A_25, %select_n3A_53 : vector<64x320xf32>
    %get3A_55 = arith.constant 2 : index
    %get3A_56 = arith.constant 0 : index
    %get3A_57 = arith.constant 0 : index
    %get3A_58 = vector.load %arg2[%get3A_55, %get3A_56, %get3A_57] : memref<16x2560x320xbf16, #tpu.memory_space<vmem>>, vector<1x2560x320xbf16>
    %get3A_59 = vector.shape_cast %get3A_58 : vector<1x2560x320xbf16> to vector<2560x320xbf16>
    %dot_general3A_60 = arith.constant dense<0.000000e+00> : vector<64x320xf32>
    %dot_general3A_61 = tpu.matmul %convert_element_type3A, %get3A_59, %dot_general3A_60 {dimension_numbers = #tpu.dot_dimension_numbers<[1], [0], [0], [1], [0, 0, 1, 1], [], []>, transpose_lhs_hint = false} : vector<64x2560xbf16>, vector<2560x320xbf16>, vector<64x320xf32> -> vector<64x320xf32>
    %get3A_62 = arith.constant 2 : index
    %get3A_63 = arith.constant 0 : index
    %get3A_64 = arith.constant 0 : index
    %get3A_65 = vector.load %arg3[%get3A_62, %get3A_63, %get3A_64] : memref<16x1x320xf32, #tpu.memory_space<vmem>>, vector<1x1x320xf32>
    %get3A_66 = vector.shape_cast %get3A_65 : vector<1x1x320xf32> to vector<1x320xf32>
    %add3A_67 = vector.broadcast %get3A_66 : vector<1x320xf32> to vector<64x320xf32>
    %add3A_68 = arith.addf %dot_general3A_61, %add3A_67 : vector<64x320xf32>
    %max3A_69 = arith.constant 0.000000e+00 : f32
    %max3A_70 = vector.broadcast %max3A_69 : f32 to vector<64x320xf32>
    %max3A_71 = arith.maximumf %add3A_68, %max3A_70 : vector<64x320xf32>
    %get3A_72 = arith.constant 0 : index
    %get3A_73 = arith.constant 0 : index
    %get3A_74 = vector.load %arg0[%get3A_72, %get3A_73] : memref<64x1xi32, #tpu.memory_space<vmem>>, vector<64x1xi32>
    %eq3A_75 = arith.constant 2 : i32
    %eq3A_76 = vector.broadcast %eq3A_75 : i32 to vector<64x1xi32>
    %eq3A_77 = arith.cmpi eq, %get3A_74, %eq3A_76 : vector<64x1xi32>
    %jit3A_78 = arith.constant 0.000000e+00 : f32
    %broadcast_in_dim3A_79 = vector.shape_cast %eq3A_77 : vector<64x1xi1> to vector<64x1xi1>
    %broadcast_in_dim3A_80 = vector.broadcast %broadcast_in_dim3A_79 : vector<64x1xi1> to vector<64x320xi1>
    %broadcast_in_dim3A_81 = vector.broadcast %jit3A_78 : f32 to vector<64x320xf32>
    %select_n3A_82 = arith.select %broadcast_in_dim3A_80, %max3A_71, %broadcast_in_dim3A_81 : vector<64x320xi1>, vector<64x320xf32>
    %add3A_83 = arith.addf %add3A_54, %select_n3A_82 : vector<64x320xf32>
    %get3A_84 = arith.constant 3 : index
    %get3A_85 = arith.constant 0 : index
    %get3A_86 = arith.constant 0 : index
    %get3A_87 = vector.load %arg2[%get3A_84, %get3A_85, %get3A_86] : memref<16x2560x320xbf16, #tpu.memory_space<vmem>>, vector<1x2560x320xbf16>
    %get3A_88 = vector.shape_cast %get3A_87 : vector<1x2560x320xbf16> to vector<2560x320xbf16>
    %dot_general3A_89 = arith.constant dense<0.000000e+00> : vector<64x320xf32>
    %dot_general3A_90 = tpu.matmul %convert_element_type3A, %get3A_88, %dot_general3A_89 {dimension_numbers = #tpu.dot_dimension_numbers<[1], [0], [0], [1], [0, 0, 1, 1], [], []>, transpose_lhs_hint = false} : vector<64x2560xbf16>, vector<2560x320xbf16>, vector<64x320xf32> -> vector<64x320xf32>
    %get3A_91 = arith.constant 3 : index
    %get3A_92 = arith.constant 0 : index
    %get3A_93 = arith.constant 0 : index
    %get3A_94 = vector.load %arg3[%get3A_91, %get3A_92, %get3A_93] : memref<16x1x320xf32, #tpu.memory_space<vmem>>, vector<1x1x320xf32>
    %get3A_95 = vector.shape_cast %get3A_94 : vector<1x1x320xf32> to vector<1x320xf32>
    %add3A_96 = vector.broadcast %get3A_95 : vector<1x320xf32> to vector<64x320xf32>
    %add3A_97 = arith.addf %dot_general3A_90, %add3A_96 : vector<64x320xf32>
    %max3A_98 = arith.constant 0.000000e+00 : f32
    %max3A_99 = vector.broadcast %max3A_98 : f32 to vector<64x320xf32>
    %max3A_100 = arith.maximumf %add3A_97, %max3A_99 : vector<64x320xf32>
    %get3A_101 = arith.constant 0 : index
    %get3A_102 = arith.constant 0 : index
    %get3A_103 = vector.load %arg0[%get3A_101, %get3A_102] : memref<64x1xi32, #tpu.memory_space<vmem>>, vector<64x1xi32>
    %eq3A_104 = arith.constant 3 : i32
    %eq3A_105 = vector.broadcast %eq3A_104 : i32 to vector<64x1xi32>
    %eq3A_106 = arith.cmpi eq, %get3A_103, %eq3A_105 : vector<64x1xi32>
    %jit3A_107 = arith.constant 0.000000e+00 : f32
    %broadcast_in_dim3A_108 = vector.shape_cast %eq3A_106 : vector<64x1xi1> to vector<64x1xi1>
    %broadcast_in_dim3A_109 = vector.broadcast %broadcast_in_dim3A_108 : vector<64x1xi1> to vector<64x320xi1>
    %broadcast_in_dim3A_110 = vector.broadcast %jit3A_107 : f32 to vector<64x320xf32>
    %select_n3A_111 = arith.select %broadcast_in_dim3A_109, %max3A_100, %broadcast_in_dim3A_110 : vector<64x320xi1>, vector<64x320xf32>
    %add3A_112 = arith.addf %add3A_83, %select_n3A_111 : vector<64x320xf32>
    %get3A_113 = arith.constant 4 : index
    %get3A_114 = arith.constant 0 : index
    %get3A_115 = arith.constant 0 : index
    %get3A_116 = vector.load %arg2[%get3A_113, %get3A_114, %get3A_115] : memref<16x2560x320xbf16, #tpu.memory_space<vmem>>, vector<1x2560x320xbf16>
    %get3A_117 = vector.shape_cast %get3A_116 : vector<1x2560x320xbf16> to vector<2560x320xbf16>
    %dot_general3A_118 = arith.constant dense<0.000000e+00> : vector<64x320xf32>
    %dot_general3A_119 = tpu.matmul %convert_element_type3A, %get3A_117, %dot_general3A_118 {dimension_numbers = #tpu.dot_dimension_numbers<[1], [0], [0], [1], [0, 0, 1, 1], [], []>, transpose_lhs_hint = false} : vector<64x2560xbf16>, vector<2560x320xbf16>, vector<64x320xf32> -> vector<64x320xf32>
    %get3A_120 = arith.constant 4 : index
    %get3A_121 = arith.constant 0 : index
    %get3A_122 = arith.constant 0 : index
    %get3A_123 = vector.load %arg3[%get3A_120, %get3A_121, %get3A_122] : memref<16x1x320xf32, #tpu.memory_space<vmem>>, vector<1x1x320xf32>
    %get3A_124 = vector.shape_cast %get3A_123 : vector<1x1x320xf32> to vector<1x320xf32>
    %add3A_125 = vector.broadcast %get3A_124 : vector<1x320xf32> to vector<64x320xf32>
    %add3A_126 = arith.addf %dot_general3A_119, %add3A_125 : vector<64x320xf32>
    %max3A_127 = arith.constant 0.000000e+00 : f32
    %max3A_128 = vector.broadcast %max3A_127 : f32 to vector<64x320xf32>
    %max3A_129 = arith.maximumf %add3A_126, %max3A_128 : vector<64x320xf32>
    %get3A_130 = arith.constant 0 : index
    %get3A_131 = arith.constant 0 : index
    %get3A_132 = vector.load %arg0[%get3A_130, %get3A_131] : memref<64x1xi32, #tpu.memory_space<vmem>>, vector<64x1xi32>
    %eq3A_133 = arith.constant 4 : i32
    %eq3A_134 = vector.broadcast %eq3A_133 : i32 to vector<64x1xi32>
    %eq3A_135 = arith.cmpi eq, %get3A_132, %eq3A_134 : vector<64x1xi32>
    %jit3A_136 = arith.constant 0.000000e+00 : f32
    %broadcast_in_dim3A_137 = vector.shape_cast %eq3A_135 : vector<64x1xi1> to vector<64x1xi1>
    %broadcast_in_dim3A_138 = vector.broadcast %broadcast_in_dim3A_137 : vector<64x1xi1> to vector<64x320xi1>
    %broadcast_in_dim3A_139 = vector.broadcast %jit3A_136 : f32 to vector<64x320xf32>
    %select_n3A_140 = arith.select %broadcast_in_dim3A_138, %max3A_129, %broadcast_in_dim3A_139 : vector<64x320xi1>, vector<64x320xf32>
    %add3A_141 = arith.addf %add3A_112, %select_n3A_140 : vector<64x320xf32>
    %get3A_142 = arith.constant 5 : index
    %get3A_143 = arith.constant 0 : index
    %get3A_144 = arith.constant 0 : index
    %get3A_145 = vector.load %arg2[%get3A_142, %get3A_143, %get3A_144] : memref<16x2560x320xbf16, #tpu.memory_space<vmem>>, vector<1x2560x320xbf16>
    %get3A_146 = vector.shape_cast %get3A_145 : vector<1x2560x320xbf16> to vector<2560x320xbf16>
    %dot_general3A_147 = arith.constant dense<0.000000e+00> : vector<64x320xf32>
    %dot_general3A_148 = tpu.matmul %convert_element_type3A, %get3A_146, %dot_general3A_147 {dimension_numbers = #tpu.dot_dimension_numbers<[1], [0], [0], [1], [0, 0, 1, 1], [], []>, transpose_lhs_hint = false} : vector<64x2560xbf16>, vector<2560x320xbf16>, vector<64x320xf32> -> vector<64x320xf32>
    %get3A_149 = arith.constant 5 : index
    %get3A_150 = arith.constant 0 : index
    %get3A_151 = arith.constant 0 : index
    %get3A_152 = vector.load %arg3[%get3A_149, %get3A_150, %get3A_151] : memref<16x1x320xf32, #tpu.memory_space<vmem>>, vector<1x1x320xf32>
    %get3A_153 = vector.shape_cast %get3A_152 : vector<1x1x320xf32> to vector<1x320xf32>
    %add3A_154 = vector.broadcast %get3A_153 : vector<1x320xf32> to vector<64x320xf32>
    %add3A_155 = arith.addf %dot_general3A_148, %add3A_154 : vector<64x320xf32>
    %max3A_156 = arith.constant 0.000000e+00 : f32
    %max3A_157 = vector.broadcast %max3A_156 : f32 to vector<64x320xf32>
    %max3A_158 = arith.maximumf %add3A_155, %max3A_157 : vector<64x320xf32>
    %get3A_159 = arith.constant 0 : index
    %get3A_160 = arith.constant 0 : index
    %get3A_161 = vector.load %arg0[%get3A_159, %get3A_160] : memref<64x1xi32, #tpu.memory_space<vmem>>, vector<64x1xi32>
    %eq3A_162 = arith.constant 5 : i32
    %eq3A_163 = vector.broadcast %eq3A_162 : i32 to vector<64x1xi32>
    %eq3A_164 = arith.cmpi eq, %get3A_161, %eq3A_163 : vector<64x1xi32>
    %jit3A_165 = arith.constant 0.000000e+00 : f32
    %broadcast_in_dim3A_166 = vector.shape_cast %eq3A_164 : vector<64x1xi1> to vector<64x1xi1>
    %broadcast_in_dim3A_167 = vector.broadcast %broadcast_in_dim3A_166 : vector<64x1xi1> to vector<64x320xi1>
    %broadcast_in_dim3A_168 = vector.broadcast %jit3A_165 : f32 to vector<64x320xf32>
    %select_n3A_169 = arith.select %broadcast_in_dim3A_167, %max3A_158, %broadcast_in_dim3A_168 : vector<64x320xi1>, vector<64x320xf32>
    %add3A_170 = arith.addf %add3A_141, %select_n3A_169 : vector<64x320xf32>
    %get3A_171 = arith.constant 6 : index
    %get3A_172 = arith.constant 0 : index
    %get3A_173 = arith.constant 0 : index
    %get3A_174 = vector.load %arg2[%get3A_171, %get3A_172, %get3A_173] : memref<16x2560x320xbf16, #tpu.memory_space<vmem>>, vector<1x2560x320xbf16>
    %get3A_175 = vector.shape_cast %get3A_174 : vector<1x2560x320xbf16> to vector<2560x320xbf16>
    %dot_general3A_176 = arith.constant dense<0.000000e+00> : vector<64x320xf32>
    %dot_general3A_177 = tpu.matmul %convert_element_type3A, %get3A_175, %dot_general3A_176 {dimension_numbers = #tpu.dot_dimension_numbers<[1], [0], [0], [1], [0, 0, 1, 1], [], []>, transpose_lhs_hint = false} : vector<64x2560xbf16>, vector<2560x320xbf16>, vector<64x320xf32> -> vector<64x320xf32>
    %get3A_178 = arith.constant 6 : index
    %get3A_179 = arith.constant 0 : index
    %get3A_180 = arith.constant 0 : index
    %get3A_181 = vector.load %arg3[%get3A_178, %get3A_179, %get3A_180] : memref<16x1x320xf32, #tpu.memory_space<vmem>>, vector<1x1x320xf32>
    %get3A_182 = vector.shape_cast %get3A_181 : vector<1x1x320xf32> to vector<1x320xf32>
    %add3A_183 = vector.broadcast %get3A_182 : vector<1x320xf32> to vector<64x320xf32>
    %add3A_184 = arith.addf %dot_general3A_177, %add3A_183 : vector<64x320xf32>
    %max3A_185 = arith.constant 0.000000e+00 : f32
    %max3A_186 = vector.broadcast %max3A_185 : f32 to vector<64x320xf32>
    %max3A_187 = arith.maximumf %add3A_184, %max3A_186 : vector<64x320xf32>
    %get3A_188 = arith.constant 0 : index
    %get3A_189 = arith.constant 0 : index
    %get3A_190 = vector.load %arg0[%get3A_188, %get3A_189] : memref<64x1xi32, #tpu.memory_space<vmem>>, vector<64x1xi32>
    %eq3A_191 = arith.constant 6 : i32
    %eq3A_192 = vector.broadcast %eq3A_191 : i32 to vector<64x1xi32>
    %eq3A_193 = arith.cmpi eq, %get3A_190, %eq3A_192 : vector<64x1xi32>
    %jit3A_194 = arith.constant 0.000000e+00 : f32
    %broadcast_in_dim3A_195 = vector.shape_cast %eq3A_193 : vector<64x1xi1> to vector<64x1xi1>
    %broadcast_in_dim3A_196 = vector.broadcast %broadcast_in_dim3A_195 : vector<64x1xi1> to vector<64x320xi1>
    %broadcast_in_dim3A_197 = vector.broadcast %jit3A_194 : f32 to vector<64x320xf32>
    %select_n3A_198 = arith.select %broadcast_in_dim3A_196, %max3A_187, %broadcast_in_dim3A_197 : vector<64x320xi1>, vector<64x320xf32>
    %add3A_199 = arith.addf %add3A_170, %select_n3A_198 : vector<64x320xf32>
    %get3A_200 = arith.constant 7 : index
    %get3A_201 = arith.constant 0 : index
    %get3A_202 = arith.constant 0 : index
    %get3A_203 = vector.load %arg2[%get3A_200, %get3A_201, %get3A_202] : memref<16x2560x320xbf16, #tpu.memory_space<vmem>>, vector<1x2560x320xbf16>
    %get3A_204 = vector.shape_cast %get3A_203 : vector<1x2560x320xbf16> to vector<2560x320xbf16>
    %dot_general3A_205 = arith.constant dense<0.000000e+00> : vector<64x320xf32>
    %dot_general3A_206 = tpu.matmul %convert_element_type3A, %get3A_204, %dot_general3A_205 {dimension_numbers = #tpu.dot_dimension_numbers<[1], [0], [0], [1], [0, 0, 1, 1], [], []>, transpose_lhs_hint = false} : vector<64x2560xbf16>, vector<2560x320xbf16>, vector<64x320xf32> -> vector<64x320xf32>
    %get3A_207 = arith.constant 7 : index
    %get3A_208 = arith.constant 0 : index
    %get3A_209 = arith.constant 0 : index
    %get3A_210 = vector.load %arg3[%get3A_207, %get3A_208, %get3A_209] : memref<16x1x320xf32, #tpu.memory_space<vmem>>, vector<1x1x320xf32>
    %get3A_211 = vector.shape_cast %get3A_210 : vector<1x1x320xf32> to vector<1x320xf32>
    %add3A_212 = vector.broadcast %get3A_211 : vector<1x320xf32> to vector<64x320xf32>
    %add3A_213 = arith.addf %dot_general3A_206, %add3A_212 : vector<64x320xf32>
    %max3A_214 = arith.constant 0.000000e+00 : f32
    %max3A_215 = vector.broadcast %max3A_214 : f32 to vector<64x320xf32>
    %max3A_216 = arith.maximumf %add3A_213, %max3A_215 : vector<64x320xf32>
    %get3A_217 = arith.constant 0 : index
    %get3A_218 = arith.constant 0 : index
    %get3A_219 = vector.load %arg0[%get3A_217, %get3A_218] : memref<64x1xi32, #tpu.memory_space<vmem>>, vector<64x1xi32>
    %eq3A_220 = arith.constant 7 : i32
    %eq3A_221 = vector.broadcast %eq3A_220 : i32 to vector<64x1xi32>
    %eq3A_222 = arith.cmpi eq, %get3A_219, %eq3A_221 : vector<64x1xi32>
    %jit3A_223 = arith.constant 0.000000e+00 : f32
    %broadcast_in_dim3A_224 = vector.shape_cast %eq3A_222 : vector<64x1xi1> to vector<64x1xi1>
    %broadcast_in_dim3A_225 = vector.broadcast %broadcast_in_dim3A_224 : vector<64x1xi1> to vector<64x320xi1>
    %broadcast_in_dim3A_226 = vector.broadcast %jit3A_223 : f32 to vector<64x320xf32>
    %select_n3A_227 = arith.select %broadcast_in_dim3A_225, %max3A_216, %broadcast_in_dim3A_226 : vector<64x320xi1>, vector<64x320xf32>
    %add3A_228 = arith.addf %add3A_199, %select_n3A_227 : vector<64x320xf32>
    %get3A_229 = arith.constant 8 : index
    %get3A_230 = arith.constant 0 : index
    %get3A_231 = arith.constant 0 : index
    %get3A_232 = vector.load %arg2[%get3A_229, %get3A_230, %get3A_231] : memref<16x2560x320xbf16, #tpu.memory_space<vmem>>, vector<1x2560x320xbf16>
    %get3A_233 = vector.shape_cast %get3A_232 : vector<1x2560x320xbf16> to vector<2560x320xbf16>
    %dot_general3A_234 = arith.constant dense<0.000000e+00> : vector<64x320xf32>
    %dot_general3A_235 = tpu.matmul %convert_element_type3A, %get3A_233, %dot_general3A_234 {dimension_numbers = #tpu.dot_dimension_numbers<[1], [0], [0], [1], [0, 0, 1, 1], [], []>, transpose_lhs_hint = false} : vector<64x2560xbf16>, vector<2560x320xbf16>, vector<64x320xf32> -> vector<64x320xf32>
    %get3A_236 = arith.constant 8 : index
    %get3A_237 = arith.constant 0 : index
    %get3A_238 = arith.constant 0 : index
    %get3A_239 = vector.load %arg3[%get3A_236, %get3A_237, %get3A_238] : memref<16x1x320xf32, #tpu.memory_space<vmem>>, vector<1x1x320xf32>
    %get3A_240 = vector.shape_cast %get3A_239 : vector<1x1x320xf32> to vector<1x320xf32>
    %add3A_241 = vector.broadcast %get3A_240 : vector<1x320xf32> to vector<64x320xf32>
    %add3A_242 = arith.addf %dot_general3A_235, %add3A_241 : vector<64x320xf32>
    %max3A_243 = arith.constant 0.000000e+00 : f32
    %max3A_244 = vector.broadcast %max3A_243 : f32 to vector<64x320xf32>
    %max3A_245 = arith.maximumf %add3A_242, %max3A_244 : vector<64x320xf32>
    %get3A_246 = arith.constant 0 : index
    %get3A_247 = arith.constant 0 : index
    %get3A_248 = vector.load %arg0[%get3A_246, %get3A_247] : memref<64x1xi32, #tpu.memory_space<vmem>>, vector<64x1xi32>
    %eq3A_249 = arith.constant 8 : i32
    %eq3A_250 = vector.broadcast %eq3A_249 : i32 to vector<64x1xi32>
    %eq3A_251 = arith.cmpi eq, %get3A_248, %eq3A_250 : vector<64x1xi32>
    %jit3A_252 = arith.constant 0.000000e+00 : f32
    %broadcast_in_dim3A_253 = vector.shape_cast %eq3A_251 : vector<64x1xi1> to vector<64x1xi1>
    %broadcast_in_dim3A_254 = vector.broadcast %broadcast_in_dim3A_253 : vector<64x1xi1> to vector<64x320xi1>
    %broadcast_in_dim3A_255 = vector.broadcast %jit3A_252 : f32 to vector<64x320xf32>
    %select_n3A_256 = arith.select %broadcast_in_dim3A_254, %max3A_245, %broadcast_in_dim3A_255 : vector<64x320xi1>, vector<64x320xf32>
    %add3A_257 = arith.addf %add3A_228, %select_n3A_256 : vector<64x320xf32>
    %get3A_258 = arith.constant 9 : index
    %get3A_259 = arith.constant 0 : index
    %get3A_260 = arith.constant 0 : index
    %get3A_261 = vector.load %arg2[%get3A_258, %get3A_259, %get3A_260] : memref<16x2560x320xbf16, #tpu.memory_space<vmem>>, vector<1x2560x320xbf16>
    %get3A_262 = vector.shape_cast %get3A_261 : vector<1x2560x320xbf16> to vector<2560x320xbf16>
    %dot_general3A_263 = arith.constant dense<0.000000e+00> : vector<64x320xf32>
    %dot_general3A_264 = tpu.matmul %convert_element_type3A, %get3A_262, %dot_general3A_263 {dimension_numbers = #tpu.dot_dimension_numbers<[1], [0], [0], [1], [0, 0, 1, 1], [], []>, transpose_lhs_hint = false} : vector<64x2560xbf16>, vector<2560x320xbf16>, vector<64x320xf32> -> vector<64x320xf32>
    %get3A_265 = arith.constant 9 : index
    %get3A_266 = arith.constant 0 : index
    %get3A_267 = arith.constant 0 : index
    %get3A_268 = vector.load %arg3[%get3A_265, %get3A_266, %get3A_267] : memref<16x1x320xf32, #tpu.memory_space<vmem>>, vector<1x1x320xf32>
    %get3A_269 = vector.shape_cast %get3A_268 : vector<1x1x320xf32> to vector<1x320xf32>
    %add3A_270 = vector.broadcast %get3A_269 : vector<1x320xf32> to vector<64x320xf32>
    %add3A_271 = arith.addf %dot_general3A_264, %add3A_270 : vector<64x320xf32>
    %max3A_272 = arith.constant 0.000000e+00 : f32
    %max3A_273 = vector.broadcast %max3A_272 : f32 to vector<64x320xf32>
    %max3A_274 = arith.maximumf %add3A_271, %max3A_273 : vector<64x320xf32>
    %get3A_275 = arith.constant 0 : index
    %get3A_276 = arith.constant 0 : index
    %get3A_277 = vector.load %arg0[%get3A_275, %get3A_276] : memref<64x1xi32, #tpu.memory_space<vmem>>, vector<64x1xi32>
    %eq3A_278 = arith.constant 9 : i32
    %eq3A_279 = vector.broadcast %eq3A_278 : i32 to vector<64x1xi32>
    %eq3A_280 = arith.cmpi eq, %get3A_277, %eq3A_279 : vector<64x1xi32>
    %jit3A_281 = arith.constant 0.000000e+00 : f32
    %broadcast_in_dim3A_282 = vector.shape_cast %eq3A_280 : vector<64x1xi1> to vector<64x1xi1>
    %broadcast_in_dim3A_283 = vector.broadcast %broadcast_in_dim3A_282 : vector<64x1xi1> to vector<64x320xi1>
    %broadcast_in_dim3A_284 = vector.broadcast %jit3A_281 : f32 to vector<64x320xf32>
    %select_n3A_285 = arith.select %broadcast_in_dim3A_283, %max3A_274, %broadcast_in_dim3A_284 : vector<64x320xi1>, vector<64x320xf32>
    %add3A_286 = arith.addf %add3A_257, %select_n3A_285 : vector<64x320xf32>
    %get3A_287 = arith.constant 10 : index
    %get3A_288 = arith.constant 0 : index
    %get3A_289 = arith.constant 0 : index
    %get3A_290 = vector.load %arg2[%get3A_287, %get3A_288, %get3A_289] : memref<16x2560x320xbf16, #tpu.memory_space<vmem>>, vector<1x2560x320xbf16>
    %get3A_291 = vector.shape_cast %get3A_290 : vector<1x2560x320xbf16> to vector<2560x320xbf16>
    %dot_general3A_292 = arith.constant dense<0.000000e+00> : vector<64x320xf32>
    %dot_general3A_293 = tpu.matmul %convert_element_type3A, %get3A_291, %dot_general3A_292 {dimension_numbers = #tpu.dot_dimension_numbers<[1], [0], [0], [1], [0, 0, 1, 1], [], []>, transpose_lhs_hint = false} : vector<64x2560xbf16>, vector<2560x320xbf16>, vector<64x320xf32> -> vector<64x320xf32>
    %get3A_294 = arith.constant 10 : index
    %get3A_295 = arith.constant 0 : index
    %get3A_296 = arith.constant 0 : index
    %get3A_297 = vector.load %arg3[%get3A_294, %get3A_295, %get3A_296] : memref<16x1x320xf32, #tpu.memory_space<vmem>>, vector<1x1x320xf32>
    %get3A_298 = vector.shape_cast %get3A_297 : vector<1x1x320xf32> to vector<1x320xf32>
    %add3A_299 = vector.broadcast %get3A_298 : vector<1x320xf32> to vector<64x320xf32>
    %add3A_300 = arith.addf %dot_general3A_293, %add3A_299 : vector<64x320xf32>
    %max3A_301 = arith.constant 0.000000e+00 : f32
    %max3A_302 = vector.broadcast %max3A_301 : f32 to vector<64x320xf32>
    %max3A_303 = arith.maximumf %add3A_300, %max3A_302 : vector<64x320xf32>
    %get3A_304 = arith.constant 0 : index
    %get3A_305 = arith.constant 0 : index
    %get3A_306 = vector.load %arg0[%get3A_304, %get3A_305] : memref<64x1xi32, #tpu.memory_space<vmem>>, vector<64x1xi32>
    %eq3A_307 = arith.constant 10 : i32
    %eq3A_308 = vector.broadcast %eq3A_307 : i32 to vector<64x1xi32>
    %eq3A_309 = arith.cmpi eq, %get3A_306, %eq3A_308 : vector<64x1xi32>
    %jit3A_310 = arith.constant 0.000000e+00 : f32
    %broadcast_in_dim3A_311 = vector.shape_cast %eq3A_309 : vector<64x1xi1> to vector<64x1xi1>
    %broadcast_in_dim3A_312 = vector.broadcast %broadcast_in_dim3A_311 : vector<64x1xi1> to vector<64x320xi1>
    %broadcast_in_dim3A_313 = vector.broadcast %jit3A_310 : f32 to vector<64x320xf32>
    %select_n3A_314 = arith.select %broadcast_in_dim3A_312, %max3A_303, %broadcast_in_dim3A_313 : vector<64x320xi1>, vector<64x320xf32>
    %add3A_315 = arith.addf %add3A_286, %select_n3A_314 : vector<64x320xf32>
    %get3A_316 = arith.constant 11 : index
    %get3A_317 = arith.constant 0 : index
    %get3A_318 = arith.constant 0 : index
    %get3A_319 = vector.load %arg2[%get3A_316, %get3A_317, %get3A_318] : memref<16x2560x320xbf16, #tpu.memory_space<vmem>>, vector<1x2560x320xbf16>
    %get3A_320 = vector.shape_cast %get3A_319 : vector<1x2560x320xbf16> to vector<2560x320xbf16>
    %dot_general3A_321 = arith.constant dense<0.000000e+00> : vector<64x320xf32>
    %dot_general3A_322 = tpu.matmul %convert_element_type3A, %get3A_320, %dot_general3A_321 {dimension_numbers = #tpu.dot_dimension_numbers<[1], [0], [0], [1], [0, 0, 1, 1], [], []>, transpose_lhs_hint = false} : vector<64x2560xbf16>, vector<2560x320xbf16>, vector<64x320xf32> -> vector<64x320xf32>
    %get3A_323 = arith.constant 11 : index
    %get3A_324 = arith.constant 0 : index
    %get3A_325 = arith.constant 0 : index
    %get3A_326 = vector.load %arg3[%get3A_323, %get3A_324, %get3A_325] : memref<16x1x320xf32, #tpu.memory_space<vmem>>, vector<1x1x320xf32>
    %get3A_327 = vector.shape_cast %get3A_326 : vector<1x1x320xf32> to vector<1x320xf32>
    %add3A_328 = vector.broadcast %get3A_327 : vector<1x320xf32> to vector<64x320xf32>
    %add3A_329 = arith.addf %dot_general3A_322, %add3A_328 : vector<64x320xf32>
    %max3A_330 = arith.constant 0.000000e+00 : f32
    %max3A_331 = vector.broadcast %max3A_330 : f32 to vector<64x320xf32>
    %max3A_332 = arith.maximumf %add3A_329, %max3A_331 : vector<64x320xf32>
    %get3A_333 = arith.constant 0 : index
    %get3A_334 = arith.constant 0 : index
    %get3A_335 = vector.load %arg0[%get3A_333, %get3A_334] : memref<64x1xi32, #tpu.memory_space<vmem>>, vector<64x1xi32>
    %eq3A_336 = arith.constant 11 : i32
    %eq3A_337 = vector.broadcast %eq3A_336 : i32 to vector<64x1xi32>
    %eq3A_338 = arith.cmpi eq, %get3A_335, %eq3A_337 : vector<64x1xi32>
    %jit3A_339 = arith.constant 0.000000e+00 : f32
    %broadcast_in_dim3A_340 = vector.shape_cast %eq3A_338 : vector<64x1xi1> to vector<64x1xi1>
    %broadcast_in_dim3A_341 = vector.broadcast %broadcast_in_dim3A_340 : vector<64x1xi1> to vector<64x320xi1>
    %broadcast_in_dim3A_342 = vector.broadcast %jit3A_339 : f32 to vector<64x320xf32>
    %select_n3A_343 = arith.select %broadcast_in_dim3A_341, %max3A_332, %broadcast_in_dim3A_342 : vector<64x320xi1>, vector<64x320xf32>
    %add3A_344 = arith.addf %add3A_315, %select_n3A_343 : vector<64x320xf32>
    %get3A_345 = arith.constant 12 : index
    %get3A_346 = arith.constant 0 : index
    %get3A_347 = arith.constant 0 : index
    %get3A_348 = vector.load %arg2[%get3A_345, %get3A_346, %get3A_347] : memref<16x2560x320xbf16, #tpu.memory_space<vmem>>, vector<1x2560x320xbf16>
    %get3A_349 = vector.shape_cast %get3A_348 : vector<1x2560x320xbf16> to vector<2560x320xbf16>
    %dot_general3A_350 = arith.constant dense<0.000000e+00> : vector<64x320xf32>
    %dot_general3A_351 = tpu.matmul %convert_element_type3A, %get3A_349, %dot_general3A_350 {dimension_numbers = #tpu.dot_dimension_numbers<[1], [0], [0], [1], [0, 0, 1, 1], [], []>, transpose_lhs_hint = false} : vector<64x2560xbf16>, vector<2560x320xbf16>, vector<64x320xf32> -> vector<64x320xf32>
    %get3A_352 = arith.constant 12 : index
    %get3A_353 = arith.constant 0 : index
    %get3A_354 = arith.constant 0 : index
    %get3A_355 = vector.load %arg3[%get3A_352, %get3A_353, %get3A_354] : memref<16x1x320xf32, #tpu.memory_space<vmem>>, vector<1x1x320xf32>
    %get3A_356 = vector.shape_cast %get3A_355 : vector<1x1x320xf32> to vector<1x320xf32>
    %add3A_357 = vector.broadcast %get3A_356 : vector<1x320xf32> to vector<64x320xf32>
    %add3A_358 = arith.addf %dot_general3A_351, %add3A_357 : vector<64x320xf32>
    %max3A_359 = arith.constant 0.000000e+00 : f32
    %max3A_360 = vector.broadcast %max3A_359 : f32 to vector<64x320xf32>
    %max3A_361 = arith.maximumf %add3A_358, %max3A_360 : vector<64x320xf32>
    %get3A_362 = arith.constant 0 : index
    %get3A_363 = arith.constant 0 : index
    %get3A_364 = vector.load %arg0[%get3A_362, %get3A_363] : memref<64x1xi32, #tpu.memory_space<vmem>>, vector<64x1xi32>
    %eq3A_365 = arith.constant 12 : i32
    %eq3A_366 = vector.broadcast %eq3A_365 : i32 to vector<64x1xi32>
    %eq3A_367 = arith.cmpi eq, %get3A_364, %eq3A_366 : vector<64x1xi32>
    %jit3A_368 = arith.constant 0.000000e+00 : f32
    %broadcast_in_dim3A_369 = vector.shape_cast %eq3A_367 : vector<64x1xi1> to vector<64x1xi1>
    %broadcast_in_dim3A_370 = vector.broadcast %broadcast_in_dim3A_369 : vector<64x1xi1> to vector<64x320xi1>
    %broadcast_in_dim3A_371 = vector.broadcast %jit3A_368 : f32 to vector<64x320xf32>
    %select_n3A_372 = arith.select %broadcast_in_dim3A_370, %max3A_361, %broadcast_in_dim3A_371 : vector<64x320xi1>, vector<64x320xf32>
    %add3A_373 = arith.addf %add3A_344, %select_n3A_372 : vector<64x320xf32>
    %get3A_374 = arith.constant 13 : index
    %get3A_375 = arith.constant 0 : index
    %get3A_376 = arith.constant 0 : index
    %get3A_377 = vector.load %arg2[%get3A_374, %get3A_375, %get3A_376] : memref<16x2560x320xbf16, #tpu.memory_space<vmem>>, vector<1x2560x320xbf16>
    %get3A_378 = vector.shape_cast %get3A_377 : vector<1x2560x320xbf16> to vector<2560x320xbf16>
    %dot_general3A_379 = arith.constant dense<0.000000e+00> : vector<64x320xf32>
    %dot_general3A_380 = tpu.matmul %convert_element_type3A, %get3A_378, %dot_general3A_379 {dimension_numbers = #tpu.dot_dimension_numbers<[1], [0], [0], [1], [0, 0, 1, 1], [], []>, transpose_lhs_hint = false} : vector<64x2560xbf16>, vector<2560x320xbf16>, vector<64x320xf32> -> vector<64x320xf32>
    %get3A_381 = arith.constant 13 : index
    %get3A_382 = arith.constant 0 : index
    %get3A_383 = arith.constant 0 : index
    %get3A_384 = vector.load %arg3[%get3A_381, %get3A_382, %get3A_383] : memref<16x1x320xf32, #tpu.memory_space<vmem>>, vector<1x1x320xf32>
    %get3A_385 = vector.shape_cast %get3A_384 : vector<1x1x320xf32> to vector<1x320xf32>
    %add3A_386 = vector.broadcast %get3A_385 : vector<1x320xf32> to vector<64x320xf32>
    %add3A_387 = arith.addf %dot_general3A_380, %add3A_386 : vector<64x320xf32>
    %max3A_388 = arith.constant 0.000000e+00 : f32
    %max3A_389 = vector.broadcast %max3A_388 : f32 to vector<64x320xf32>
    %max3A_390 = arith.maximumf %add3A_387, %max3A_389 : vector<64x320xf32>
    %get3A_391 = arith.constant 0 : index
    %get3A_392 = arith.constant 0 : index
    %get3A_393 = vector.load %arg0[%get3A_391, %get3A_392] : memref<64x1xi32, #tpu.memory_space<vmem>>, vector<64x1xi32>
    %eq3A_394 = arith.constant 13 : i32
    %eq3A_395 = vector.broadcast %eq3A_394 : i32 to vector<64x1xi32>
    %eq3A_396 = arith.cmpi eq, %get3A_393, %eq3A_395 : vector<64x1xi32>
    %jit3A_397 = arith.constant 0.000000e+00 : f32
    %broadcast_in_dim3A_398 = vector.shape_cast %eq3A_396 : vector<64x1xi1> to vector<64x1xi1>
    %broadcast_in_dim3A_399 = vector.broadcast %broadcast_in_dim3A_398 : vector<64x1xi1> to vector<64x320xi1>
    %broadcast_in_dim3A_400 = vector.broadcast %jit3A_397 : f32 to vector<64x320xf32>
    %select_n3A_401 = arith.select %broadcast_in_dim3A_399, %max3A_390, %broadcast_in_dim3A_400 : vector<64x320xi1>, vector<64x320xf32>
    %add3A_402 = arith.addf %add3A_373, %select_n3A_401 : vector<64x320xf32>
    %get3A_403 = arith.constant 14 : index
    %get3A_404 = arith.constant 0 : index
    %get3A_405 = arith.constant 0 : index
    %get3A_406 = vector.load %arg2[%get3A_403, %get3A_404, %get3A_405] : memref<16x2560x320xbf16, #tpu.memory_space<vmem>>, vector<1x2560x320xbf16>
    %get3A_407 = vector.shape_cast %get3A_406 : vector<1x2560x320xbf16> to vector<2560x320xbf16>
    %dot_general3A_408 = arith.constant dense<0.000000e+00> : vector<64x320xf32>
    %dot_general3A_409 = tpu.matmul %convert_element_type3A, %get3A_407, %dot_general3A_408 {dimension_numbers = #tpu.dot_dimension_numbers<[1], [0], [0], [1], [0, 0, 1, 1], [], []>, transpose_lhs_hint = false} : vector<64x2560xbf16>, vector<2560x320xbf16>, vector<64x320xf32> -> vector<64x320xf32>
    %get3A_410 = arith.constant 14 : index
    %get3A_411 = arith.constant 0 : index
    %get3A_412 = arith.constant 0 : index
    %get3A_413 = vector.load %arg3[%get3A_410, %get3A_411, %get3A_412] : memref<16x1x320xf32, #tpu.memory_space<vmem>>, vector<1x1x320xf32>
    %get3A_414 = vector.shape_cast %get3A_413 : vector<1x1x320xf32> to vector<1x320xf32>
    %add3A_415 = vector.broadcast %get3A_414 : vector<1x320xf32> to vector<64x320xf32>
    %add3A_416 = arith.addf %dot_general3A_409, %add3A_415 : vector<64x320xf32>
    %max3A_417 = arith.constant 0.000000e+00 : f32
    %max3A_418 = vector.broadcast %max3A_417 : f32 to vector<64x320xf32>
    %max3A_419 = arith.maximumf %add3A_416, %max3A_418 : vector<64x320xf32>
    %get3A_420 = arith.constant 0 : index
    %get3A_421 = arith.constant 0 : index
    %get3A_422 = vector.load %arg0[%get3A_420, %get3A_421] : memref<64x1xi32, #tpu.memory_space<vmem>>, vector<64x1xi32>
    %eq3A_423 = arith.constant 14 : i32
    %eq3A_424 = vector.broadcast %eq3A_423 : i32 to vector<64x1xi32>
    %eq3A_425 = arith.cmpi eq, %get3A_422, %eq3A_424 : vector<64x1xi32>
    %jit3A_426 = arith.constant 0.000000e+00 : f32
    %broadcast_in_dim3A_427 = vector.shape_cast %eq3A_425 : vector<64x1xi1> to vector<64x1xi1>
    %broadcast_in_dim3A_428 = vector.broadcast %broadcast_in_dim3A_427 : vector<64x1xi1> to vector<64x320xi1>
    %broadcast_in_dim3A_429 = vector.broadcast %jit3A_426 : f32 to vector<64x320xf32>
    %select_n3A_430 = arith.select %broadcast_in_dim3A_428, %max3A_419, %broadcast_in_dim3A_429 : vector<64x320xi1>, vector<64x320xf32>
    %add3A_431 = arith.addf %add3A_402, %select_n3A_430 : vector<64x320xf32>
    %get3A_432 = arith.constant 15 : index
    %get3A_433 = arith.constant 0 : index
    %get3A_434 = arith.constant 0 : index
    %get3A_435 = vector.load %arg2[%get3A_432, %get3A_433, %get3A_434] : memref<16x2560x320xbf16, #tpu.memory_space<vmem>>, vector<1x2560x320xbf16>
    %get3A_436 = vector.shape_cast %get3A_435 : vector<1x2560x320xbf16> to vector<2560x320xbf16>
    %dot_general3A_437 = arith.constant dense<0.000000e+00> : vector<64x320xf32>
    %dot_general3A_438 = tpu.matmul %convert_element_type3A, %get3A_436, %dot_general3A_437 {dimension_numbers = #tpu.dot_dimension_numbers<[1], [0], [0], [1], [0, 0, 1, 1], [], []>, transpose_lhs_hint = false} : vector<64x2560xbf16>, vector<2560x320xbf16>, vector<64x320xf32> -> vector<64x320xf32>
    %get3A_439 = arith.constant 15 : index
    %get3A_440 = arith.constant 0 : index
    %get3A_441 = arith.constant 0 : index
    %get3A_442 = vector.load %arg3[%get3A_439, %get3A_440, %get3A_441] : memref<16x1x320xf32, #tpu.memory_space<vmem>>, vector<1x1x320xf32>
    %get3A_443 = vector.shape_cast %get3A_442 : vector<1x1x320xf32> to vector<1x320xf32>
    %add3A_444 = vector.broadcast %get3A_443 : vector<1x320xf32> to vector<64x320xf32>
    %add3A_445 = arith.addf %dot_general3A_438, %add3A_444 : vector<64x320xf32>
    %max3A_446 = arith.constant 0.000000e+00 : f32
    %max3A_447 = vector.broadcast %max3A_446 : f32 to vector<64x320xf32>
    %max3A_448 = arith.maximumf %add3A_445, %max3A_447 : vector<64x320xf32>
    %get3A_449 = arith.constant 0 : index
    %get3A_450 = arith.constant 0 : index
    %get3A_451 = vector.load %arg0[%get3A_449, %get3A_450] : memref<64x1xi32, #tpu.memory_space<vmem>>, vector<64x1xi32>
    %eq3A_452 = arith.constant 15 : i32
    %eq3A_453 = vector.broadcast %eq3A_452 : i32 to vector<64x1xi32>
    %eq3A_454 = arith.cmpi eq, %get3A_451, %eq3A_453 : vector<64x1xi32>
    %jit3A_455 = arith.constant 0.000000e+00 : f32
    %broadcast_in_dim3A_456 = vector.shape_cast %eq3A_454 : vector<64x1xi1> to vector<64x1xi1>
    %broadcast_in_dim3A_457 = vector.broadcast %broadcast_in_dim3A_456 : vector<64x1xi1> to vector<64x320xi1>
    %broadcast_in_dim3A_458 = vector.broadcast %jit3A_455 : f32 to vector<64x320xf32>
    %select_n3A_459 = arith.select %broadcast_in_dim3A_457, %max3A_448, %broadcast_in_dim3A_458 : vector<64x320xi1>, vector<64x320xf32>
    %add3A_460 = arith.addf %add3A_431, %select_n3A_459 : vector<64x320xf32>
    %swap3A = arith.constant 0 : index
    %swap3A_461 = arith.constant 0 : index
    %swap3A_462 = vector.load %arg4[%swap3A, %swap3A_461] : memref<64x320xf32, #tpu.memory_space<vmem>>, vector<64x320xf32>
    tpu.vector_store %arg4[%swap3A, %swap3A_461], %add3A_460 {strides = array<i32>} : memref<64x320xf32, #tpu.memory_space<vmem>>, vector<64x320xf32>,
    return
  }
}

module attributes {stable_mosaic.version = 14 : i64} {
  func.func @_fc23_body(%arg0: memref<64x1xi32, #tpu.memory_space<vmem>>, %arg1: memref<64x1xi32, #tpu.memory_space<vmem>>, %arg2: memref<64x320xf32, #tpu.memory_space<vmem>>, %arg3: memref<16x320x320xf32, #tpu.memory_space<vmem>>, %arg4: memref<16x1x320xf32, #tpu.memory_space<vmem>>, %arg5: memref<16x320x512xf32, #tpu.memory_space<vmem>>, %arg6: memref<16x1x512xf32, #tpu.memory_space<vmem>>, %arg7: memref<64x512xf32, #tpu.memory_space<vmem>>) attributes {dimension_semantics = [], scalar_prefetch = 0 : i64, scratch_operands = 0 : i64, tpu.core_type = #tpu.core_type<tc>} {
    %get3A = arith.constant 0 : index
    %get3A_0 = arith.constant 0 : index
    %get3A_1 = vector.load %arg2[%get3A, %get3A_0] : memref<64x320xf32, #tpu.memory_space<vmem>>, vector<64x320xf32>
    %convert_element_type3A = arith.truncf %get3A_1 : vector<64x320xf32> to vector<64x320xbf16>
    %broadcast_in_dim3A = arith.constant 0.000000e+00 : f32
    %broadcast_in_dim3A_2 = vector.broadcast %broadcast_in_dim3A : f32 to vector<64x320xf32>
    %get3A_3 = arith.constant 0 : index
    %get3A_4 = arith.constant 0 : index
    %get3A_5 = arith.constant 0 : index
    %get3A_6 = vector.load %arg3[%get3A_3, %get3A_4, %get3A_5] : memref<16x320x320xf32, #tpu.memory_space<vmem>>, vector<1x320x320xf32>
    %get3A_7 = vector.shape_cast %get3A_6 : vector<1x320x320xf32> to vector<320x320xf32>
    %convert_element_type3A_8 = arith.truncf %get3A_7 : vector<320x320xf32> to vector<320x320xbf16>
    %dot_general3A = arith.constant dense<0.000000e+00> : vector<64x320xf32>
    %dot_general3A_9 = tpu.matmul %convert_element_type3A, %convert_element_type3A_8, %dot_general3A {dimension_numbers = #tpu.dot_dimension_numbers<[1], [0], [0], [1], [0, 0, 1, 1], [], []>, transpose_lhs_hint = false} : vector<64x320xbf16>, vector<320x320xbf16>, vector<64x320xf32> -> vector<64x320xf32>
    %get3A_10 = arith.constant 0 : index
    %get3A_11 = arith.constant 0 : index
    %get3A_12 = arith.constant 0 : index
    %get3A_13 = vector.load %arg4[%get3A_10, %get3A_11, %get3A_12] : memref<16x1x320xf32, #tpu.memory_space<vmem>>, vector<1x1x320xf32>
    %get3A_14 = vector.shape_cast %get3A_13 : vector<1x1x320xf32> to vector<1x320xf32>
    %add3A = vector.broadcast %get3A_14 : vector<1x320xf32> to vector<64x320xf32>
    %add3A_15 = arith.addf %dot_general3A_9, %add3A : vector<64x320xf32>
    %max3A = arith.constant 0.000000e+00 : f32
    %max3A_16 = vector.broadcast %max3A : f32 to vector<64x320xf32>
    %max3A_17 = arith.maximumf %add3A_15, %max3A_16 : vector<64x320xf32>
    %get3A_18 = arith.constant 0 : index
    %get3A_19 = arith.constant 0 : index
    %get3A_20 = vector.load %arg0[%get3A_18, %get3A_19] : memref<64x1xi32, #tpu.memory_space<vmem>>, vector<64x1xi32>
    %eq3A = arith.constant 0 : i32
    %eq3A_21 = vector.broadcast %eq3A : i32 to vector<64x1xi32>
    %eq3A_22 = arith.cmpi eq, %get3A_20, %eq3A_21 : vector<64x1xi32>
    %jit3A = arith.constant 0.000000e+00 : f32
    %broadcast_in_dim3A_23 = vector.shape_cast %eq3A_22 : vector<64x1xi1> to vector<64x1xi1>
    %broadcast_in_dim3A_24 = vector.broadcast %broadcast_in_dim3A_23 : vector<64x1xi1> to vector<64x320xi1>
    %broadcast_in_dim3A_25 = vector.broadcast %jit3A : f32 to vector<64x320xf32>
    %select_n3A = arith.select %broadcast_in_dim3A_24, %max3A_17, %broadcast_in_dim3A_25 : vector<64x320xi1>, vector<64x320xf32>
    %add3A_26 = arith.addf %broadcast_in_dim3A_2, %select_n3A : vector<64x320xf32>
    %get3A_27 = arith.constant 1 : index
    %get3A_28 = arith.constant 0 : index
    %get3A_29 = arith.constant 0 : index
    %get3A_30 = vector.load %arg3[%get3A_27, %get3A_28, %get3A_29] : memref<16x320x320xf32, #tpu.memory_space<vmem>>, vector<1x320x320xf32>
    %get3A_31 = vector.shape_cast %get3A_30 : vector<1x320x320xf32> to vector<320x320xf32>
    %convert_element_type3A_32 = arith.truncf %get3A_31 : vector<320x320xf32> to vector<320x320xbf16>
    %dot_general3A_33 = arith.constant dense<0.000000e+00> : vector<64x320xf32>
    %dot_general3A_34 = tpu.matmul %convert_element_type3A, %convert_element_type3A_32, %dot_general3A_33 {dimension_numbers = #tpu.dot_dimension_numbers<[1], [0], [0], [1], [0, 0, 1, 1], [], []>, transpose_lhs_hint = false} : vector<64x320xbf16>, vector<320x320xbf16>, vector<64x320xf32> -> vector<64x320xf32>
    %get3A_35 = arith.constant 1 : index
    %get3A_36 = arith.constant 0 : index
    %get3A_37 = arith.constant 0 : index
    %get3A_38 = vector.load %arg4[%get3A_35, %get3A_36, %get3A_37] : memref<16x1x320xf32, #tpu.memory_space<vmem>>, vector<1x1x320xf32>
    %get3A_39 = vector.shape_cast %get3A_38 : vector<1x1x320xf32> to vector<1x320xf32>
    %add3A_40 = vector.broadcast %get3A_39 : vector<1x320xf32> to vector<64x320xf32>
    %add3A_41 = arith.addf %dot_general3A_34, %add3A_40 : vector<64x320xf32>
    %max3A_42 = arith.constant 0.000000e+00 : f32
    %max3A_43 = vector.broadcast %max3A_42 : f32 to vector<64x320xf32>
    %max3A_44 = arith.maximumf %add3A_41, %max3A_43 : vector<64x320xf32>
    %get3A_45 = arith.constant 0 : index
    %get3A_46 = arith.constant 0 : index
    %get3A_47 = vector.load %arg0[%get3A_45, %get3A_46] : memref<64x1xi32, #tpu.memory_space<vmem>>, vector<64x1xi32>
    %eq3A_48 = arith.constant 1 : i32
    %eq3A_49 = vector.broadcast %eq3A_48 : i32 to vector<64x1xi32>
    %eq3A_50 = arith.cmpi eq, %get3A_47, %eq3A_49 : vector<64x1xi32>
    %jit3A_51 = arith.constant 0.000000e+00 : f32
    %broadcast_in_dim3A_52 = vector.shape_cast %eq3A_50 : vector<64x1xi1> to vector<64x1xi1>
    %broadcast_in_dim3A_53 = vector.broadcast %broadcast_in_dim3A_52 : vector<64x1xi1> to vector<64x320xi1>
    %broadcast_in_dim3A_54 = vector.broadcast %jit3A_51 : f32 to vector<64x320xf32>
    %select_n3A_55 = arith.select %broadcast_in_dim3A_53, %max3A_44, %broadcast_in_dim3A_54 : vector<64x320xi1>, vector<64x320xf32>
    %add3A_56 = arith.addf %add3A_26, %select_n3A_55 : vector<64x320xf32>
    %get3A_57 = arith.constant 2 : index
    %get3A_58 = arith.constant 0 : index
    %get3A_59 = arith.constant 0 : index
    %get3A_60 = vector.load %arg3[%get3A_57, %get3A_58, %get3A_59] : memref<16x320x320xf32, #tpu.memory_space<vmem>>, vector<1x320x320xf32>
    %get3A_61 = vector.shape_cast %get3A_60 : vector<1x320x320xf32> to vector<320x320xf32>
    %convert_element_type3A_62 = arith.truncf %get3A_61 : vector<320x320xf32> to vector<320x320xbf16>
    %dot_general3A_63 = arith.constant dense<0.000000e+00> : vector<64x320xf32>
    %dot_general3A_64 = tpu.matmul %convert_element_type3A, %convert_element_type3A_62, %dot_general3A_63 {dimension_numbers = #tpu.dot_dimension_numbers<[1], [0], [0], [1], [0, 0, 1, 1], [], []>, transpose_lhs_hint = false} : vector<64x320xbf16>, vector<320x320xbf16>, vector<64x320xf32> -> vector<64x320xf32>
    %get3A_65 = arith.constant 2 : index
    %get3A_66 = arith.constant 0 : index
    %get3A_67 = arith.constant 0 : index
    %get3A_68 = vector.load %arg4[%get3A_65, %get3A_66, %get3A_67] : memref<16x1x320xf32, #tpu.memory_space<vmem>>, vector<1x1x320xf32>
    %get3A_69 = vector.shape_cast %get3A_68 : vector<1x1x320xf32> to vector<1x320xf32>
    %add3A_70 = vector.broadcast %get3A_69 : vector<1x320xf32> to vector<64x320xf32>
    %add3A_71 = arith.addf %dot_general3A_64, %add3A_70 : vector<64x320xf32>
    %max3A_72 = arith.constant 0.000000e+00 : f32
    %max3A_73 = vector.broadcast %max3A_72 : f32 to vector<64x320xf32>
    %max3A_74 = arith.maximumf %add3A_71, %max3A_73 : vector<64x320xf32>
    %get3A_75 = arith.constant 0 : index
    %get3A_76 = arith.constant 0 : index
    %get3A_77 = vector.load %arg0[%get3A_75, %get3A_76] : memref<64x1xi32, #tpu.memory_space<vmem>>, vector<64x1xi32>
    %eq3A_78 = arith.constant 2 : i32
    %eq3A_79 = vector.broadcast %eq3A_78 : i32 to vector<64x1xi32>
    %eq3A_80 = arith.cmpi eq, %get3A_77, %eq3A_79 : vector<64x1xi32>
    %jit3A_81 = arith.constant 0.000000e+00 : f32
    %broadcast_in_dim3A_82 = vector.shape_cast %eq3A_80 : vector<64x1xi1> to vector<64x1xi1>
    %broadcast_in_dim3A_83 = vector.broadcast %broadcast_in_dim3A_82 : vector<64x1xi1> to vector<64x320xi1>
    %broadcast_in_dim3A_84 = vector.broadcast %jit3A_81 : f32 to vector<64x320xf32>
    %select_n3A_85 = arith.select %broadcast_in_dim3A_83, %max3A_74, %broadcast_in_dim3A_84 : vector<64x320xi1>, vector<64x320xf32>
    %add3A_86 = arith.addf %add3A_56, %select_n3A_85 : vector<64x320xf32>
    %get3A_87 = arith.constant 3 : index
    %get3A_88 = arith.constant 0 : index
    %get3A_89 = arith.constant 0 : index
    %get3A_90 = vector.load %arg3[%get3A_87, %get3A_88, %get3A_89] : memref<16x320x320xf32, #tpu.memory_space<vmem>>, vector<1x320x320xf32>
    %get3A_91 = vector.shape_cast %get3A_90 : vector<1x320x320xf32> to vector<320x320xf32>
    %convert_element_type3A_92 = arith.truncf %get3A_91 : vector<320x320xf32> to vector<320x320xbf16>
    %dot_general3A_93 = arith.constant dense<0.000000e+00> : vector<64x320xf32>
    %dot_general3A_94 = tpu.matmul %convert_element_type3A, %convert_element_type3A_92, %dot_general3A_93 {dimension_numbers = #tpu.dot_dimension_numbers<[1], [0], [0], [1], [0, 0, 1, 1], [], []>, transpose_lhs_hint = false} : vector<64x320xbf16>, vector<320x320xbf16>, vector<64x320xf32> -> vector<64x320xf32>
    %get3A_95 = arith.constant 3 : index
    %get3A_96 = arith.constant 0 : index
    %get3A_97 = arith.constant 0 : index
    %get3A_98 = vector.load %arg4[%get3A_95, %get3A_96, %get3A_97] : memref<16x1x320xf32, #tpu.memory_space<vmem>>, vector<1x1x320xf32>
    %get3A_99 = vector.shape_cast %get3A_98 : vector<1x1x320xf32> to vector<1x320xf32>
    %add3A_100 = vector.broadcast %get3A_99 : vector<1x320xf32> to vector<64x320xf32>
    %add3A_101 = arith.addf %dot_general3A_94, %add3A_100 : vector<64x320xf32>
    %max3A_102 = arith.constant 0.000000e+00 : f32
    %max3A_103 = vector.broadcast %max3A_102 : f32 to vector<64x320xf32>
    %max3A_104 = arith.maximumf %add3A_101, %max3A_103 : vector<64x320xf32>
    %get3A_105 = arith.constant 0 : index
    %get3A_106 = arith.constant 0 : index
    %get3A_107 = vector.load %arg0[%get3A_105, %get3A_106] : memref<64x1xi32, #tpu.memory_space<vmem>>, vector<64x1xi32>
    %eq3A_108 = arith.constant 3 : i32
    %eq3A_109 = vector.broadcast %eq3A_108 : i32 to vector<64x1xi32>
    %eq3A_110 = arith.cmpi eq, %get3A_107, %eq3A_109 : vector<64x1xi32>
    %jit3A_111 = arith.constant 0.000000e+00 : f32
    %broadcast_in_dim3A_112 = vector.shape_cast %eq3A_110 : vector<64x1xi1> to vector<64x1xi1>
    %broadcast_in_dim3A_113 = vector.broadcast %broadcast_in_dim3A_112 : vector<64x1xi1> to vector<64x320xi1>
    %broadcast_in_dim3A_114 = vector.broadcast %jit3A_111 : f32 to vector<64x320xf32>
    %select_n3A_115 = arith.select %broadcast_in_dim3A_113, %max3A_104, %broadcast_in_dim3A_114 : vector<64x320xi1>, vector<64x320xf32>
    %add3A_116 = arith.addf %add3A_86, %select_n3A_115 : vector<64x320xf32>
    %get3A_117 = arith.constant 4 : index
    %get3A_118 = arith.constant 0 : index
    %get3A_119 = arith.constant 0 : index
    %get3A_120 = vector.load %arg3[%get3A_117, %get3A_118, %get3A_119] : memref<16x320x320xf32, #tpu.memory_space<vmem>>, vector<1x320x320xf32>
    %get3A_121 = vector.shape_cast %get3A_120 : vector<1x320x320xf32> to vector<320x320xf32>
    %convert_element_type3A_122 = arith.truncf %get3A_121 : vector<320x320xf32> to vector<320x320xbf16>
    %dot_general3A_123 = arith.constant dense<0.000000e+00> : vector<64x320xf32>
    %dot_general3A_124 = tpu.matmul %convert_element_type3A, %convert_element_type3A_122, %dot_general3A_123 {dimension_numbers = #tpu.dot_dimension_numbers<[1], [0], [0], [1], [0, 0, 1, 1], [], []>, transpose_lhs_hint = false} : vector<64x320xbf16>, vector<320x320xbf16>, vector<64x320xf32> -> vector<64x320xf32>
    %get3A_125 = arith.constant 4 : index
    %get3A_126 = arith.constant 0 : index
    %get3A_127 = arith.constant 0 : index
    %get3A_128 = vector.load %arg4[%get3A_125, %get3A_126, %get3A_127] : memref<16x1x320xf32, #tpu.memory_space<vmem>>, vector<1x1x320xf32>
    %get3A_129 = vector.shape_cast %get3A_128 : vector<1x1x320xf32> to vector<1x320xf32>
    %add3A_130 = vector.broadcast %get3A_129 : vector<1x320xf32> to vector<64x320xf32>
    %add3A_131 = arith.addf %dot_general3A_124, %add3A_130 : vector<64x320xf32>
    %max3A_132 = arith.constant 0.000000e+00 : f32
    %max3A_133 = vector.broadcast %max3A_132 : f32 to vector<64x320xf32>
    %max3A_134 = arith.maximumf %add3A_131, %max3A_133 : vector<64x320xf32>
    %get3A_135 = arith.constant 0 : index
    %get3A_136 = arith.constant 0 : index
    %get3A_137 = vector.load %arg0[%get3A_135, %get3A_136] : memref<64x1xi32, #tpu.memory_space<vmem>>, vector<64x1xi32>
    %eq3A_138 = arith.constant 4 : i32
    %eq3A_139 = vector.broadcast %eq3A_138 : i32 to vector<64x1xi32>
    %eq3A_140 = arith.cmpi eq, %get3A_137, %eq3A_139 : vector<64x1xi32>
    %jit3A_141 = arith.constant 0.000000e+00 : f32
    %broadcast_in_dim3A_142 = vector.shape_cast %eq3A_140 : vector<64x1xi1> to vector<64x1xi1>
    %broadcast_in_dim3A_143 = vector.broadcast %broadcast_in_dim3A_142 : vector<64x1xi1> to vector<64x320xi1>
    %broadcast_in_dim3A_144 = vector.broadcast %jit3A_141 : f32 to vector<64x320xf32>
    %select_n3A_145 = arith.select %broadcast_in_dim3A_143, %max3A_134, %broadcast_in_dim3A_144 : vector<64x320xi1>, vector<64x320xf32>
    %add3A_146 = arith.addf %add3A_116, %select_n3A_145 : vector<64x320xf32>
    %get3A_147 = arith.constant 5 : index
    %get3A_148 = arith.constant 0 : index
    %get3A_149 = arith.constant 0 : index
    %get3A_150 = vector.load %arg3[%get3A_147, %get3A_148, %get3A_149] : memref<16x320x320xf32, #tpu.memory_space<vmem>>, vector<1x320x320xf32>
    %get3A_151 = vector.shape_cast %get3A_150 : vector<1x320x320xf32> to vector<320x320xf32>
    %convert_element_type3A_152 = arith.truncf %get3A_151 : vector<320x320xf32> to vector<320x320xbf16>
    %dot_general3A_153 = arith.constant dense<0.000000e+00> : vector<64x320xf32>
    %dot_general3A_154 = tpu.matmul %convert_element_type3A, %convert_element_type3A_152, %dot_general3A_153 {dimension_numbers = #tpu.dot_dimension_numbers<[1], [0], [0], [1], [0, 0, 1, 1], [], []>, transpose_lhs_hint = false} : vector<64x320xbf16>, vector<320x320xbf16>, vector<64x320xf32> -> vector<64x320xf32>
    %get3A_155 = arith.constant 5 : index
    %get3A_156 = arith.constant 0 : index
    %get3A_157 = arith.constant 0 : index
    %get3A_158 = vector.load %arg4[%get3A_155, %get3A_156, %get3A_157] : memref<16x1x320xf32, #tpu.memory_space<vmem>>, vector<1x1x320xf32>
    %get3A_159 = vector.shape_cast %get3A_158 : vector<1x1x320xf32> to vector<1x320xf32>
    %add3A_160 = vector.broadcast %get3A_159 : vector<1x320xf32> to vector<64x320xf32>
    %add3A_161 = arith.addf %dot_general3A_154, %add3A_160 : vector<64x320xf32>
    %max3A_162 = arith.constant 0.000000e+00 : f32
    %max3A_163 = vector.broadcast %max3A_162 : f32 to vector<64x320xf32>
    %max3A_164 = arith.maximumf %add3A_161, %max3A_163 : vector<64x320xf32>
    %get3A_165 = arith.constant 0 : index
    %get3A_166 = arith.constant 0 : index
    %get3A_167 = vector.load %arg0[%get3A_165, %get3A_166] : memref<64x1xi32, #tpu.memory_space<vmem>>, vector<64x1xi32>
    %eq3A_168 = arith.constant 5 : i32
    %eq3A_169 = vector.broadcast %eq3A_168 : i32 to vector<64x1xi32>
    %eq3A_170 = arith.cmpi eq, %get3A_167, %eq3A_169 : vector<64x1xi32>
    %jit3A_171 = arith.constant 0.000000e+00 : f32
    %broadcast_in_dim3A_172 = vector.shape_cast %eq3A_170 : vector<64x1xi1> to vector<64x1xi1>
    %broadcast_in_dim3A_173 = vector.broadcast %broadcast_in_dim3A_172 : vector<64x1xi1> to vector<64x320xi1>
    %broadcast_in_dim3A_174 = vector.broadcast %jit3A_171 : f32 to vector<64x320xf32>
    %select_n3A_175 = arith.select %broadcast_in_dim3A_173, %max3A_164, %broadcast_in_dim3A_174 : vector<64x320xi1>, vector<64x320xf32>
    %add3A_176 = arith.addf %add3A_146, %select_n3A_175 : vector<64x320xf32>
    %get3A_177 = arith.constant 6 : index
    %get3A_178 = arith.constant 0 : index
    %get3A_179 = arith.constant 0 : index
    %get3A_180 = vector.load %arg3[%get3A_177, %get3A_178, %get3A_179] : memref<16x320x320xf32, #tpu.memory_space<vmem>>, vector<1x320x320xf32>
    %get3A_181 = vector.shape_cast %get3A_180 : vector<1x320x320xf32> to vector<320x320xf32>
    %convert_element_type3A_182 = arith.truncf %get3A_181 : vector<320x320xf32> to vector<320x320xbf16>
    %dot_general3A_183 = arith.constant dense<0.000000e+00> : vector<64x320xf32>
    %dot_general3A_184 = tpu.matmul %convert_element_type3A, %convert_element_type3A_182, %dot_general3A_183 {dimension_numbers = #tpu.dot_dimension_numbers<[1], [0], [0], [1], [0, 0, 1, 1], [], []>, transpose_lhs_hint = false} : vector<64x320xbf16>, vector<320x320xbf16>, vector<64x320xf32> -> vector<64x320xf32>
    %get3A_185 = arith.constant 6 : index
    %get3A_186 = arith.constant 0 : index
    %get3A_187 = arith.constant 0 : index
    %get3A_188 = vector.load %arg4[%get3A_185, %get3A_186, %get3A_187] : memref<16x1x320xf32, #tpu.memory_space<vmem>>, vector<1x1x320xf32>
    %get3A_189 = vector.shape_cast %get3A_188 : vector<1x1x320xf32> to vector<1x320xf32>
    %add3A_190 = vector.broadcast %get3A_189 : vector<1x320xf32> to vector<64x320xf32>
    %add3A_191 = arith.addf %dot_general3A_184, %add3A_190 : vector<64x320xf32>
    %max3A_192 = arith.constant 0.000000e+00 : f32
    %max3A_193 = vector.broadcast %max3A_192 : f32 to vector<64x320xf32>
    %max3A_194 = arith.maximumf %add3A_191, %max3A_193 : vector<64x320xf32>
    %get3A_195 = arith.constant 0 : index
    %get3A_196 = arith.constant 0 : index
    %get3A_197 = vector.load %arg0[%get3A_195, %get3A_196] : memref<64x1xi32, #tpu.memory_space<vmem>>, vector<64x1xi32>
    %eq3A_198 = arith.constant 6 : i32
    %eq3A_199 = vector.broadcast %eq3A_198 : i32 to vector<64x1xi32>
    %eq3A_200 = arith.cmpi eq, %get3A_197, %eq3A_199 : vector<64x1xi32>
    %jit3A_201 = arith.constant 0.000000e+00 : f32
    %broadcast_in_dim3A_202 = vector.shape_cast %eq3A_200 : vector<64x1xi1> to vector<64x1xi1>
    %broadcast_in_dim3A_203 = vector.broadcast %broadcast_in_dim3A_202 : vector<64x1xi1> to vector<64x320xi1>
    %broadcast_in_dim3A_204 = vector.broadcast %jit3A_201 : f32 to vector<64x320xf32>
    %select_n3A_205 = arith.select %broadcast_in_dim3A_203, %max3A_194, %broadcast_in_dim3A_204 : vector<64x320xi1>, vector<64x320xf32>
    %add3A_206 = arith.addf %add3A_176, %select_n3A_205 : vector<64x320xf32>
    %get3A_207 = arith.constant 7 : index
    %get3A_208 = arith.constant 0 : index
    %get3A_209 = arith.constant 0 : index
    %get3A_210 = vector.load %arg3[%get3A_207, %get3A_208, %get3A_209] : memref<16x320x320xf32, #tpu.memory_space<vmem>>, vector<1x320x320xf32>
    %get3A_211 = vector.shape_cast %get3A_210 : vector<1x320x320xf32> to vector<320x320xf32>
    %convert_element_type3A_212 = arith.truncf %get3A_211 : vector<320x320xf32> to vector<320x320xbf16>
    %dot_general3A_213 = arith.constant dense<0.000000e+00> : vector<64x320xf32>
    %dot_general3A_214 = tpu.matmul %convert_element_type3A, %convert_element_type3A_212, %dot_general3A_213 {dimension_numbers = #tpu.dot_dimension_numbers<[1], [0], [0], [1], [0, 0, 1, 1], [], []>, transpose_lhs_hint = false} : vector<64x320xbf16>, vector<320x320xbf16>, vector<64x320xf32> -> vector<64x320xf32>
    %get3A_215 = arith.constant 7 : index
    %get3A_216 = arith.constant 0 : index
    %get3A_217 = arith.constant 0 : index
    %get3A_218 = vector.load %arg4[%get3A_215, %get3A_216, %get3A_217] : memref<16x1x320xf32, #tpu.memory_space<vmem>>, vector<1x1x320xf32>
    %get3A_219 = vector.shape_cast %get3A_218 : vector<1x1x320xf32> to vector<1x320xf32>
    %add3A_220 = vector.broadcast %get3A_219 : vector<1x320xf32> to vector<64x320xf32>
    %add3A_221 = arith.addf %dot_general3A_214, %add3A_220 : vector<64x320xf32>
    %max3A_222 = arith.constant 0.000000e+00 : f32
    %max3A_223 = vector.broadcast %max3A_222 : f32 to vector<64x320xf32>
    %max3A_224 = arith.maximumf %add3A_221, %max3A_223 : vector<64x320xf32>
    %get3A_225 = arith.constant 0 : index
    %get3A_226 = arith.constant 0 : index
    %get3A_227 = vector.load %arg0[%get3A_225, %get3A_226] : memref<64x1xi32, #tpu.memory_space<vmem>>, vector<64x1xi32>
    %eq3A_228 = arith.constant 7 : i32
    %eq3A_229 = vector.broadcast %eq3A_228 : i32 to vector<64x1xi32>
    %eq3A_230 = arith.cmpi eq, %get3A_227, %eq3A_229 : vector<64x1xi32>
    %jit3A_231 = arith.constant 0.000000e+00 : f32
    %broadcast_in_dim3A_232 = vector.shape_cast %eq3A_230 : vector<64x1xi1> to vector<64x1xi1>
    %broadcast_in_dim3A_233 = vector.broadcast %broadcast_in_dim3A_232 : vector<64x1xi1> to vector<64x320xi1>
    %broadcast_in_dim3A_234 = vector.broadcast %jit3A_231 : f32 to vector<64x320xf32>
    %select_n3A_235 = arith.select %broadcast_in_dim3A_233, %max3A_224, %broadcast_in_dim3A_234 : vector<64x320xi1>, vector<64x320xf32>
    %add3A_236 = arith.addf %add3A_206, %select_n3A_235 : vector<64x320xf32>
    %get3A_237 = arith.constant 8 : index
    %get3A_238 = arith.constant 0 : index
    %get3A_239 = arith.constant 0 : index
    %get3A_240 = vector.load %arg3[%get3A_237, %get3A_238, %get3A_239] : memref<16x320x320xf32, #tpu.memory_space<vmem>>, vector<1x320x320xf32>
    %get3A_241 = vector.shape_cast %get3A_240 : vector<1x320x320xf32> to vector<320x320xf32>
    %convert_element_type3A_242 = arith.truncf %get3A_241 : vector<320x320xf32> to vector<320x320xbf16>
    %dot_general3A_243 = arith.constant dense<0.000000e+00> : vector<64x320xf32>
    %dot_general3A_244 = tpu.matmul %convert_element_type3A, %convert_element_type3A_242, %dot_general3A_243 {dimension_numbers = #tpu.dot_dimension_numbers<[1], [0], [0], [1], [0, 0, 1, 1], [], []>, transpose_lhs_hint = false} : vector<64x320xbf16>, vector<320x320xbf16>, vector<64x320xf32> -> vector<64x320xf32>
    %get3A_245 = arith.constant 8 : index
    %get3A_246 = arith.constant 0 : index
    %get3A_247 = arith.constant 0 : index
    %get3A_248 = vector.load %arg4[%get3A_245, %get3A_246, %get3A_247] : memref<16x1x320xf32, #tpu.memory_space<vmem>>, vector<1x1x320xf32>
    %get3A_249 = vector.shape_cast %get3A_248 : vector<1x1x320xf32> to vector<1x320xf32>
    %add3A_250 = vector.broadcast %get3A_249 : vector<1x320xf32> to vector<64x320xf32>
    %add3A_251 = arith.addf %dot_general3A_244, %add3A_250 : vector<64x320xf32>
    %max3A_252 = arith.constant 0.000000e+00 : f32
    %max3A_253 = vector.broadcast %max3A_252 : f32 to vector<64x320xf32>
    %max3A_254 = arith.maximumf %add3A_251, %max3A_253 : vector<64x320xf32>
    %get3A_255 = arith.constant 0 : index
    %get3A_256 = arith.constant 0 : index
    %get3A_257 = vector.load %arg0[%get3A_255, %get3A_256] : memref<64x1xi32, #tpu.memory_space<vmem>>, vector<64x1xi32>
    %eq3A_258 = arith.constant 8 : i32
    %eq3A_259 = vector.broadcast %eq3A_258 : i32 to vector<64x1xi32>
    %eq3A_260 = arith.cmpi eq, %get3A_257, %eq3A_259 : vector<64x1xi32>
    %jit3A_261 = arith.constant 0.000000e+00 : f32
    %broadcast_in_dim3A_262 = vector.shape_cast %eq3A_260 : vector<64x1xi1> to vector<64x1xi1>
    %broadcast_in_dim3A_263 = vector.broadcast %broadcast_in_dim3A_262 : vector<64x1xi1> to vector<64x320xi1>
    %broadcast_in_dim3A_264 = vector.broadcast %jit3A_261 : f32 to vector<64x320xf32>
    %select_n3A_265 = arith.select %broadcast_in_dim3A_263, %max3A_254, %broadcast_in_dim3A_264 : vector<64x320xi1>, vector<64x320xf32>
    %add3A_266 = arith.addf %add3A_236, %select_n3A_265 : vector<64x320xf32>
    %get3A_267 = arith.constant 9 : index
    %get3A_268 = arith.constant 0 : index
    %get3A_269 = arith.constant 0 : index
    %get3A_270 = vector.load %arg3[%get3A_267, %get3A_268, %get3A_269] : memref<16x320x320xf32, #tpu.memory_space<vmem>>, vector<1x320x320xf32>
    %get3A_271 = vector.shape_cast %get3A_270 : vector<1x320x320xf32> to vector<320x320xf32>
    %convert_element_type3A_272 = arith.truncf %get3A_271 : vector<320x320xf32> to vector<320x320xbf16>
    %dot_general3A_273 = arith.constant dense<0.000000e+00> : vector<64x320xf32>
    %dot_general3A_274 = tpu.matmul %convert_element_type3A, %convert_element_type3A_272, %dot_general3A_273 {dimension_numbers = #tpu.dot_dimension_numbers<[1], [0], [0], [1], [0, 0, 1, 1], [], []>, transpose_lhs_hint = false} : vector<64x320xbf16>, vector<320x320xbf16>, vector<64x320xf32> -> vector<64x320xf32>
    %get3A_275 = arith.constant 9 : index
    %get3A_276 = arith.constant 0 : index
    %get3A_277 = arith.constant 0 : index
    %get3A_278 = vector.load %arg4[%get3A_275, %get3A_276, %get3A_277] : memref<16x1x320xf32, #tpu.memory_space<vmem>>, vector<1x1x320xf32>
    %get3A_279 = vector.shape_cast %get3A_278 : vector<1x1x320xf32> to vector<1x320xf32>
    %add3A_280 = vector.broadcast %get3A_279 : vector<1x320xf32> to vector<64x320xf32>
    %add3A_281 = arith.addf %dot_general3A_274, %add3A_280 : vector<64x320xf32>
    %max3A_282 = arith.constant 0.000000e+00 : f32
    %max3A_283 = vector.broadcast %max3A_282 : f32 to vector<64x320xf32>
    %max3A_284 = arith.maximumf %add3A_281, %max3A_283 : vector<64x320xf32>
    %get3A_285 = arith.constant 0 : index
    %get3A_286 = arith.constant 0 : index
    %get3A_287 = vector.load %arg0[%get3A_285, %get3A_286] : memref<64x1xi32, #tpu.memory_space<vmem>>, vector<64x1xi32>
    %eq3A_288 = arith.constant 9 : i32
    %eq3A_289 = vector.broadcast %eq3A_288 : i32 to vector<64x1xi32>
    %eq3A_290 = arith.cmpi eq, %get3A_287, %eq3A_289 : vector<64x1xi32>
    %jit3A_291 = arith.constant 0.000000e+00 : f32
    %broadcast_in_dim3A_292 = vector.shape_cast %eq3A_290 : vector<64x1xi1> to vector<64x1xi1>
    %broadcast_in_dim3A_293 = vector.broadcast %broadcast_in_dim3A_292 : vector<64x1xi1> to vector<64x320xi1>
    %broadcast_in_dim3A_294 = vector.broadcast %jit3A_291 : f32 to vector<64x320xf32>
    %select_n3A_295 = arith.select %broadcast_in_dim3A_293, %max3A_284, %broadcast_in_dim3A_294 : vector<64x320xi1>, vector<64x320xf32>
    %add3A_296 = arith.addf %add3A_266, %select_n3A_295 : vector<64x320xf32>
    %get3A_297 = arith.constant 10 : index
    %get3A_298 = arith.constant 0 : index
    %get3A_299 = arith.constant 0 : index
    %get3A_300 = vector.load %arg3[%get3A_297, %get3A_298, %get3A_299] : memref<16x320x320xf32, #tpu.memory_space<vmem>>, vector<1x320x320xf32>
    %get3A_301 = vector.shape_cast %get3A_300 : vector<1x320x320xf32> to vector<320x320xf32>
    %convert_element_type3A_302 = arith.truncf %get3A_301 : vector<320x320xf32> to vector<320x320xbf16>
    %dot_general3A_303 = arith.constant dense<0.000000e+00> : vector<64x320xf32>
    %dot_general3A_304 = tpu.matmul %convert_element_type3A, %convert_element_type3A_302, %dot_general3A_303 {dimension_numbers = #tpu.dot_dimension_numbers<[1], [0], [0], [1], [0, 0, 1, 1], [], []>, transpose_lhs_hint = false} : vector<64x320xbf16>, vector<320x320xbf16>, vector<64x320xf32> -> vector<64x320xf32>
    %get3A_305 = arith.constant 10 : index
    %get3A_306 = arith.constant 0 : index
    %get3A_307 = arith.constant 0 : index
    %get3A_308 = vector.load %arg4[%get3A_305, %get3A_306, %get3A_307] : memref<16x1x320xf32, #tpu.memory_space<vmem>>, vector<1x1x320xf32>
    %get3A_309 = vector.shape_cast %get3A_308 : vector<1x1x320xf32> to vector<1x320xf32>
    %add3A_310 = vector.broadcast %get3A_309 : vector<1x320xf32> to vector<64x320xf32>
    %add3A_311 = arith.addf %dot_general3A_304, %add3A_310 : vector<64x320xf32>
    %max3A_312 = arith.constant 0.000000e+00 : f32
    %max3A_313 = vector.broadcast %max3A_312 : f32 to vector<64x320xf32>
    %max3A_314 = arith.maximumf %add3A_311, %max3A_313 : vector<64x320xf32>
    %get3A_315 = arith.constant 0 : index
    %get3A_316 = arith.constant 0 : index
    %get3A_317 = vector.load %arg0[%get3A_315, %get3A_316] : memref<64x1xi32, #tpu.memory_space<vmem>>, vector<64x1xi32>
    %eq3A_318 = arith.constant 10 : i32
    %eq3A_319 = vector.broadcast %eq3A_318 : i32 to vector<64x1xi32>
    %eq3A_320 = arith.cmpi eq, %get3A_317, %eq3A_319 : vector<64x1xi32>
    %jit3A_321 = arith.constant 0.000000e+00 : f32
    %broadcast_in_dim3A_322 = vector.shape_cast %eq3A_320 : vector<64x1xi1> to vector<64x1xi1>
    %broadcast_in_dim3A_323 = vector.broadcast %broadcast_in_dim3A_322 : vector<64x1xi1> to vector<64x320xi1>
    %broadcast_in_dim3A_324 = vector.broadcast %jit3A_321 : f32 to vector<64x320xf32>
    %select_n3A_325 = arith.select %broadcast_in_dim3A_323, %max3A_314, %broadcast_in_dim3A_324 : vector<64x320xi1>, vector<64x320xf32>
    %add3A_326 = arith.addf %add3A_296, %select_n3A_325 : vector<64x320xf32>
    %get3A_327 = arith.constant 11 : index
    %get3A_328 = arith.constant 0 : index
    %get3A_329 = arith.constant 0 : index
    %get3A_330 = vector.load %arg3[%get3A_327, %get3A_328, %get3A_329] : memref<16x320x320xf32, #tpu.memory_space<vmem>>, vector<1x320x320xf32>
    %get3A_331 = vector.shape_cast %get3A_330 : vector<1x320x320xf32> to vector<320x320xf32>
    %convert_element_type3A_332 = arith.truncf %get3A_331 : vector<320x320xf32> to vector<320x320xbf16>
    %dot_general3A_333 = arith.constant dense<0.000000e+00> : vector<64x320xf32>
    %dot_general3A_334 = tpu.matmul %convert_element_type3A, %convert_element_type3A_332, %dot_general3A_333 {dimension_numbers = #tpu.dot_dimension_numbers<[1], [0], [0], [1], [0, 0, 1, 1], [], []>, transpose_lhs_hint = false} : vector<64x320xbf16>, vector<320x320xbf16>, vector<64x320xf32> -> vector<64x320xf32>
    %get3A_335 = arith.constant 11 : index
    %get3A_336 = arith.constant 0 : index
    %get3A_337 = arith.constant 0 : index
    %get3A_338 = vector.load %arg4[%get3A_335, %get3A_336, %get3A_337] : memref<16x1x320xf32, #tpu.memory_space<vmem>>, vector<1x1x320xf32>
    %get3A_339 = vector.shape_cast %get3A_338 : vector<1x1x320xf32> to vector<1x320xf32>
    %add3A_340 = vector.broadcast %get3A_339 : vector<1x320xf32> to vector<64x320xf32>
    %add3A_341 = arith.addf %dot_general3A_334, %add3A_340 : vector<64x320xf32>
    %max3A_342 = arith.constant 0.000000e+00 : f32
    %max3A_343 = vector.broadcast %max3A_342 : f32 to vector<64x320xf32>
    %max3A_344 = arith.maximumf %add3A_341, %max3A_343 : vector<64x320xf32>
    %get3A_345 = arith.constant 0 : index
    %get3A_346 = arith.constant 0 : index
    %get3A_347 = vector.load %arg0[%get3A_345, %get3A_346] : memref<64x1xi32, #tpu.memory_space<vmem>>, vector<64x1xi32>
    %eq3A_348 = arith.constant 11 : i32
    %eq3A_349 = vector.broadcast %eq3A_348 : i32 to vector<64x1xi32>
    %eq3A_350 = arith.cmpi eq, %get3A_347, %eq3A_349 : vector<64x1xi32>
    %jit3A_351 = arith.constant 0.000000e+00 : f32
    %broadcast_in_dim3A_352 = vector.shape_cast %eq3A_350 : vector<64x1xi1> to vector<64x1xi1>
    %broadcast_in_dim3A_353 = vector.broadcast %broadcast_in_dim3A_352 : vector<64x1xi1> to vector<64x320xi1>
    %broadcast_in_dim3A_354 = vector.broadcast %jit3A_351 : f32 to vector<64x320xf32>
    %select_n3A_355 = arith.select %broadcast_in_dim3A_353, %max3A_344, %broadcast_in_dim3A_354 : vector<64x320xi1>, vector<64x320xf32>
    %add3A_356 = arith.addf %add3A_326, %select_n3A_355 : vector<64x320xf32>
    %get3A_357 = arith.constant 12 : index
    %get3A_358 = arith.constant 0 : index
    %get3A_359 = arith.constant 0 : index
    %get3A_360 = vector.load %arg3[%get3A_357, %get3A_358, %get3A_359] : memref<16x320x320xf32, #tpu.memory_space<vmem>>, vector<1x320x320xf32>
    %get3A_361 = vector.shape_cast %get3A_360 : vector<1x320x320xf32> to vector<320x320xf32>
    %convert_element_type3A_362 = arith.truncf %get3A_361 : vector<320x320xf32> to vector<320x320xbf16>
    %dot_general3A_363 = arith.constant dense<0.000000e+00> : vector<64x320xf32>
    %dot_general3A_364 = tpu.matmul %convert_element_type3A, %convert_element_type3A_362, %dot_general3A_363 {dimension_numbers = #tpu.dot_dimension_numbers<[1], [0], [0], [1], [0, 0, 1, 1], [], []>, transpose_lhs_hint = false} : vector<64x320xbf16>, vector<320x320xbf16>, vector<64x320xf32> -> vector<64x320xf32>
    %get3A_365 = arith.constant 12 : index
    %get3A_366 = arith.constant 0 : index
    %get3A_367 = arith.constant 0 : index
    %get3A_368 = vector.load %arg4[%get3A_365, %get3A_366, %get3A_367] : memref<16x1x320xf32, #tpu.memory_space<vmem>>, vector<1x1x320xf32>
    %get3A_369 = vector.shape_cast %get3A_368 : vector<1x1x320xf32> to vector<1x320xf32>
    %add3A_370 = vector.broadcast %get3A_369 : vector<1x320xf32> to vector<64x320xf32>
    %add3A_371 = arith.addf %dot_general3A_364, %add3A_370 : vector<64x320xf32>
    %max3A_372 = arith.constant 0.000000e+00 : f32
    %max3A_373 = vector.broadcast %max3A_372 : f32 to vector<64x320xf32>
    %max3A_374 = arith.maximumf %add3A_371, %max3A_373 : vector<64x320xf32>
    %get3A_375 = arith.constant 0 : index
    %get3A_376 = arith.constant 0 : index
    %get3A_377 = vector.load %arg0[%get3A_375, %get3A_376] : memref<64x1xi32, #tpu.memory_space<vmem>>, vector<64x1xi32>
    %eq3A_378 = arith.constant 12 : i32
    %eq3A_379 = vector.broadcast %eq3A_378 : i32 to vector<64x1xi32>
    %eq3A_380 = arith.cmpi eq, %get3A_377, %eq3A_379 : vector<64x1xi32>
    %jit3A_381 = arith.constant 0.000000e+00 : f32
    %broadcast_in_dim3A_382 = vector.shape_cast %eq3A_380 : vector<64x1xi1> to vector<64x1xi1>
    %broadcast_in_dim3A_383 = vector.broadcast %broadcast_in_dim3A_382 : vector<64x1xi1> to vector<64x320xi1>
    %broadcast_in_dim3A_384 = vector.broadcast %jit3A_381 : f32 to vector<64x320xf32>
    %select_n3A_385 = arith.select %broadcast_in_dim3A_383, %max3A_374, %broadcast_in_dim3A_384 : vector<64x320xi1>, vector<64x320xf32>
    %add3A_386 = arith.addf %add3A_356, %select_n3A_385 : vector<64x320xf32>
    %get3A_387 = arith.constant 13 : index
    %get3A_388 = arith.constant 0 : index
    %get3A_389 = arith.constant 0 : index
    %get3A_390 = vector.load %arg3[%get3A_387, %get3A_388, %get3A_389] : memref<16x320x320xf32, #tpu.memory_space<vmem>>, vector<1x320x320xf32>
    %get3A_391 = vector.shape_cast %get3A_390 : vector<1x320x320xf32> to vector<320x320xf32>
    %convert_element_type3A_392 = arith.truncf %get3A_391 : vector<320x320xf32> to vector<320x320xbf16>
    %dot_general3A_393 = arith.constant dense<0.000000e+00> : vector<64x320xf32>
    %dot_general3A_394 = tpu.matmul %convert_element_type3A, %convert_element_type3A_392, %dot_general3A_393 {dimension_numbers = #tpu.dot_dimension_numbers<[1], [0], [0], [1], [0, 0, 1, 1], [], []>, transpose_lhs_hint = false} : vector<64x320xbf16>, vector<320x320xbf16>, vector<64x320xf32> -> vector<64x320xf32>
    %get3A_395 = arith.constant 13 : index
    %get3A_396 = arith.constant 0 : index
    %get3A_397 = arith.constant 0 : index
    %get3A_398 = vector.load %arg4[%get3A_395, %get3A_396, %get3A_397] : memref<16x1x320xf32, #tpu.memory_space<vmem>>, vector<1x1x320xf32>
    %get3A_399 = vector.shape_cast %get3A_398 : vector<1x1x320xf32> to vector<1x320xf32>
    %add3A_400 = vector.broadcast %get3A_399 : vector<1x320xf32> to vector<64x320xf32>
    %add3A_401 = arith.addf %dot_general3A_394, %add3A_400 : vector<64x320xf32>
    %max3A_402 = arith.constant 0.000000e+00 : f32
    %max3A_403 = vector.broadcast %max3A_402 : f32 to vector<64x320xf32>
    %max3A_404 = arith.maximumf %add3A_401, %max3A_403 : vector<64x320xf32>
    %get3A_405 = arith.constant 0 : index
    %get3A_406 = arith.constant 0 : index
    %get3A_407 = vector.load %arg0[%get3A_405, %get3A_406] : memref<64x1xi32, #tpu.memory_space<vmem>>, vector<64x1xi32>
    %eq3A_408 = arith.constant 13 : i32
    %eq3A_409 = vector.broadcast %eq3A_408 : i32 to vector<64x1xi32>
    %eq3A_410 = arith.cmpi eq, %get3A_407, %eq3A_409 : vector<64x1xi32>
    %jit3A_411 = arith.constant 0.000000e+00 : f32
    %broadcast_in_dim3A_412 = vector.shape_cast %eq3A_410 : vector<64x1xi1> to vector<64x1xi1>
    %broadcast_in_dim3A_413 = vector.broadcast %broadcast_in_dim3A_412 : vector<64x1xi1> to vector<64x320xi1>
    %broadcast_in_dim3A_414 = vector.broadcast %jit3A_411 : f32 to vector<64x320xf32>
    %select_n3A_415 = arith.select %broadcast_in_dim3A_413, %max3A_404, %broadcast_in_dim3A_414 : vector<64x320xi1>, vector<64x320xf32>
    %add3A_416 = arith.addf %add3A_386, %select_n3A_415 : vector<64x320xf32>
    %get3A_417 = arith.constant 14 : index
    %get3A_418 = arith.constant 0 : index
    %get3A_419 = arith.constant 0 : index
    %get3A_420 = vector.load %arg3[%get3A_417, %get3A_418, %get3A_419] : memref<16x320x320xf32, #tpu.memory_space<vmem>>, vector<1x320x320xf32>
    %get3A_421 = vector.shape_cast %get3A_420 : vector<1x320x320xf32> to vector<320x320xf32>
    %convert_element_type3A_422 = arith.truncf %get3A_421 : vector<320x320xf32> to vector<320x320xbf16>
    %dot_general3A_423 = arith.constant dense<0.000000e+00> : vector<64x320xf32>
    %dot_general3A_424 = tpu.matmul %convert_element_type3A, %convert_element_type3A_422, %dot_general3A_423 {dimension_numbers = #tpu.dot_dimension_numbers<[1], [0], [0], [1], [0, 0, 1, 1], [], []>, transpose_lhs_hint = false} : vector<64x320xbf16>, vector<320x320xbf16>, vector<64x320xf32> -> vector<64x320xf32>
    %get3A_425 = arith.constant 14 : index
    %get3A_426 = arith.constant 0 : index
    %get3A_427 = arith.constant 0 : index
    %get3A_428 = vector.load %arg4[%get3A_425, %get3A_426, %get3A_427] : memref<16x1x320xf32, #tpu.memory_space<vmem>>, vector<1x1x320xf32>
    %get3A_429 = vector.shape_cast %get3A_428 : vector<1x1x320xf32> to vector<1x320xf32>
    %add3A_430 = vector.broadcast %get3A_429 : vector<1x320xf32> to vector<64x320xf32>
    %add3A_431 = arith.addf %dot_general3A_424, %add3A_430 : vector<64x320xf32>
    %max3A_432 = arith.constant 0.000000e+00 : f32
    %max3A_433 = vector.broadcast %max3A_432 : f32 to vector<64x320xf32>
    %max3A_434 = arith.maximumf %add3A_431, %max3A_433 : vector<64x320xf32>
    %get3A_435 = arith.constant 0 : index
    %get3A_436 = arith.constant 0 : index
    %get3A_437 = vector.load %arg0[%get3A_435, %get3A_436] : memref<64x1xi32, #tpu.memory_space<vmem>>, vector<64x1xi32>
    %eq3A_438 = arith.constant 14 : i32
    %eq3A_439 = vector.broadcast %eq3A_438 : i32 to vector<64x1xi32>
    %eq3A_440 = arith.cmpi eq, %get3A_437, %eq3A_439 : vector<64x1xi32>
    %jit3A_441 = arith.constant 0.000000e+00 : f32
    %broadcast_in_dim3A_442 = vector.shape_cast %eq3A_440 : vector<64x1xi1> to vector<64x1xi1>
    %broadcast_in_dim3A_443 = vector.broadcast %broadcast_in_dim3A_442 : vector<64x1xi1> to vector<64x320xi1>
    %broadcast_in_dim3A_444 = vector.broadcast %jit3A_441 : f32 to vector<64x320xf32>
    %select_n3A_445 = arith.select %broadcast_in_dim3A_443, %max3A_434, %broadcast_in_dim3A_444 : vector<64x320xi1>, vector<64x320xf32>
    %add3A_446 = arith.addf %add3A_416, %select_n3A_445 : vector<64x320xf32>
    %get3A_447 = arith.constant 15 : index
    %get3A_448 = arith.constant 0 : index
    %get3A_449 = arith.constant 0 : index
    %get3A_450 = vector.load %arg3[%get3A_447, %get3A_448, %get3A_449] : memref<16x320x320xf32, #tpu.memory_space<vmem>>, vector<1x320x320xf32>
    %get3A_451 = vector.shape_cast %get3A_450 : vector<1x320x320xf32> to vector<320x320xf32>
    %convert_element_type3A_452 = arith.truncf %get3A_451 : vector<320x320xf32> to vector<320x320xbf16>
    %dot_general3A_453 = arith.constant dense<0.000000e+00> : vector<64x320xf32>
    %dot_general3A_454 = tpu.matmul %convert_element_type3A, %convert_element_type3A_452, %dot_general3A_453 {dimension_numbers = #tpu.dot_dimension_numbers<[1], [0], [0], [1], [0, 0, 1, 1], [], []>, transpose_lhs_hint = false} : vector<64x320xbf16>, vector<320x320xbf16>, vector<64x320xf32> -> vector<64x320xf32>
    %get3A_455 = arith.constant 15 : index
    %get3A_456 = arith.constant 0 : index
    %get3A_457 = arith.constant 0 : index
    %get3A_458 = vector.load %arg4[%get3A_455, %get3A_456, %get3A_457] : memref<16x1x320xf32, #tpu.memory_space<vmem>>, vector<1x1x320xf32>
    %get3A_459 = vector.shape_cast %get3A_458 : vector<1x1x320xf32> to vector<1x320xf32>
    %add3A_460 = vector.broadcast %get3A_459 : vector<1x320xf32> to vector<64x320xf32>
    %add3A_461 = arith.addf %dot_general3A_454, %add3A_460 : vector<64x320xf32>
    %max3A_462 = arith.constant 0.000000e+00 : f32
    %max3A_463 = vector.broadcast %max3A_462 : f32 to vector<64x320xf32>
    %max3A_464 = arith.maximumf %add3A_461, %max3A_463 : vector<64x320xf32>
    %get3A_465 = arith.constant 0 : index
    %get3A_466 = arith.constant 0 : index
    %get3A_467 = vector.load %arg0[%get3A_465, %get3A_466] : memref<64x1xi32, #tpu.memory_space<vmem>>, vector<64x1xi32>
    %eq3A_468 = arith.constant 15 : i32
    %eq3A_469 = vector.broadcast %eq3A_468 : i32 to vector<64x1xi32>
    %eq3A_470 = arith.cmpi eq, %get3A_467, %eq3A_469 : vector<64x1xi32>
    %jit3A_471 = arith.constant 0.000000e+00 : f32
    %broadcast_in_dim3A_472 = vector.shape_cast %eq3A_470 : vector<64x1xi1> to vector<64x1xi1>
    %broadcast_in_dim3A_473 = vector.broadcast %broadcast_in_dim3A_472 : vector<64x1xi1> to vector<64x320xi1>
    %broadcast_in_dim3A_474 = vector.broadcast %jit3A_471 : f32 to vector<64x320xf32>
    %select_n3A_475 = arith.select %broadcast_in_dim3A_473, %max3A_464, %broadcast_in_dim3A_474 : vector<64x320xi1>, vector<64x320xf32>
    %add3A_476 = arith.addf %add3A_446, %select_n3A_475 : vector<64x320xf32>
    %convert_element_type3A_477 = arith.truncf %add3A_476 : vector<64x320xf32> to vector<64x320xbf16>
    %broadcast_in_dim3A_478 = arith.constant 0.000000e+00 : f32
    %broadcast_in_dim3A_479 = vector.broadcast %broadcast_in_dim3A_478 : f32 to vector<64x512xf32>
    %get3A_480 = arith.constant 0 : index
    %get3A_481 = arith.constant 0 : index
    %get3A_482 = arith.constant 0 : index
    %get3A_483 = vector.load %arg5[%get3A_480, %get3A_481, %get3A_482] : memref<16x320x512xf32, #tpu.memory_space<vmem>>, vector<1x320x512xf32>
    %get3A_484 = vector.shape_cast %get3A_483 : vector<1x320x512xf32> to vector<320x512xf32>
    %convert_element_type3A_485 = arith.truncf %get3A_484 : vector<320x512xf32> to vector<320x512xbf16>
    %dot_general3A_486 = arith.constant dense<0.000000e+00> : vector<64x512xf32>
    %dot_general3A_487 = tpu.matmul %convert_element_type3A_477, %convert_element_type3A_485, %dot_general3A_486 {dimension_numbers = #tpu.dot_dimension_numbers<[1], [0], [0], [1], [0, 0, 1, 1], [], []>, transpose_lhs_hint = false} : vector<64x320xbf16>, vector<320x512xbf16>, vector<64x512xf32> -> vector<64x512xf32>
    %get3A_488 = arith.constant 0 : index
    %get3A_489 = arith.constant 0 : index
    %get3A_490 = arith.constant 0 : index
    %get3A_491 = vector.load %arg6[%get3A_488, %get3A_489, %get3A_490] : memref<16x1x512xf32, #tpu.memory_space<vmem>>, vector<1x1x512xf32>
    %get3A_492 = vector.shape_cast %get3A_491 : vector<1x1x512xf32> to vector<1x512xf32>
    %add3A_493 = vector.broadcast %get3A_492 : vector<1x512xf32> to vector<64x512xf32>
    %add3A_494 = arith.addf %dot_general3A_487, %add3A_493 : vector<64x512xf32>
    %get3A_495 = arith.constant 0 : index
    %get3A_496 = arith.constant 0 : index
    %get3A_497 = vector.load %arg1[%get3A_495, %get3A_496] : memref<64x1xi32, #tpu.memory_space<vmem>>, vector<64x1xi32>
    %eq3A_498 = arith.constant 0 : i32
    %eq3A_499 = vector.broadcast %eq3A_498 : i32 to vector<64x1xi32>
    %eq3A_500 = arith.cmpi eq, %get3A_497, %eq3A_499 : vector<64x1xi32>
    %jit3A_501 = arith.constant 0.000000e+00 : f32
    %broadcast_in_dim3A_502 = vector.shape_cast %eq3A_500 : vector<64x1xi1> to vector<64x1xi1>
    %broadcast_in_dim3A_503 = vector.broadcast %broadcast_in_dim3A_502 : vector<64x1xi1> to vector<64x512xi1>
    %broadcast_in_dim3A_504 = vector.broadcast %jit3A_501 : f32 to vector<64x512xf32>
    %select_n3A_505 = arith.select %broadcast_in_dim3A_503, %add3A_494, %broadcast_in_dim3A_504 : vector<64x512xi1>, vector<64x512xf32>
    %add3A_506 = arith.addf %broadcast_in_dim3A_479, %select_n3A_505 : vector<64x512xf32>
    %get3A_507 = arith.constant 1 : index
    %get3A_508 = arith.constant 0 : index
    %get3A_509 = arith.constant 0 : index
    %get3A_510 = vector.load %arg5[%get3A_507, %get3A_508, %get3A_509] : memref<16x320x512xf32, #tpu.memory_space<vmem>>, vector<1x320x512xf32>
    %get3A_511 = vector.shape_cast %get3A_510 : vector<1x320x512xf32> to vector<320x512xf32>
    %convert_element_type3A_512 = arith.truncf %get3A_511 : vector<320x512xf32> to vector<320x512xbf16>
    %dot_general3A_513 = arith.constant dense<0.000000e+00> : vector<64x512xf32>
    %dot_general3A_514 = tpu.matmul %convert_element_type3A_477, %convert_element_type3A_512, %dot_general3A_513 {dimension_numbers = #tpu.dot_dimension_numbers<[1], [0], [0], [1], [0, 0, 1, 1], [], []>, transpose_lhs_hint = false} : vector<64x320xbf16>, vector<320x512xbf16>, vector<64x512xf32> -> vector<64x512xf32>
    %get3A_515 = arith.constant 1 : index
    %get3A_516 = arith.constant 0 : index
    %get3A_517 = arith.constant 0 : index
    %get3A_518 = vector.load %arg6[%get3A_515, %get3A_516, %get3A_517] : memref<16x1x512xf32, #tpu.memory_space<vmem>>, vector<1x1x512xf32>
    %get3A_519 = vector.shape_cast %get3A_518 : vector<1x1x512xf32> to vector<1x512xf32>
    %add3A_520 = vector.broadcast %get3A_519 : vector<1x512xf32> to vector<64x512xf32>
    %add3A_521 = arith.addf %dot_general3A_514, %add3A_520 : vector<64x512xf32>
    %get3A_522 = arith.constant 0 : index
    %get3A_523 = arith.constant 0 : index
    %get3A_524 = vector.load %arg1[%get3A_522, %get3A_523] : memref<64x1xi32, #tpu.memory_space<vmem>>, vector<64x1xi32>
    %eq3A_525 = arith.constant 1 : i32
    %eq3A_526 = vector.broadcast %eq3A_525 : i32 to vector<64x1xi32>
    %eq3A_527 = arith.cmpi eq, %get3A_524, %eq3A_526 : vector<64x1xi32>
    %jit3A_528 = arith.constant 0.000000e+00 : f32
    %broadcast_in_dim3A_529 = vector.shape_cast %eq3A_527 : vector<64x1xi1> to vector<64x1xi1>
    %broadcast_in_dim3A_530 = vector.broadcast %broadcast_in_dim3A_529 : vector<64x1xi1> to vector<64x512xi1>
    %broadcast_in_dim3A_531 = vector.broadcast %jit3A_528 : f32 to vector<64x512xf32>
    %select_n3A_532 = arith.select %broadcast_in_dim3A_530, %add3A_521, %broadcast_in_dim3A_531 : vector<64x512xi1>, vector<64x512xf32>
    %add3A_533 = arith.addf %add3A_506, %select_n3A_532 : vector<64x512xf32>
    %get3A_534 = arith.constant 2 : index
    %get3A_535 = arith.constant 0 : index
    %get3A_536 = arith.constant 0 : index
    %get3A_537 = vector.load %arg5[%get3A_534, %get3A_535, %get3A_536] : memref<16x320x512xf32, #tpu.memory_space<vmem>>, vector<1x320x512xf32>
    %get3A_538 = vector.shape_cast %get3A_537 : vector<1x320x512xf32> to vector<320x512xf32>
    %convert_element_type3A_539 = arith.truncf %get3A_538 : vector<320x512xf32> to vector<320x512xbf16>
    %dot_general3A_540 = arith.constant dense<0.000000e+00> : vector<64x512xf32>
    %dot_general3A_541 = tpu.matmul %convert_element_type3A_477, %convert_element_type3A_539, %dot_general3A_540 {dimension_numbers = #tpu.dot_dimension_numbers<[1], [0], [0], [1], [0, 0, 1, 1], [], []>, transpose_lhs_hint = false} : vector<64x320xbf16>, vector<320x512xbf16>, vector<64x512xf32> -> vector<64x512xf32>
    %get3A_542 = arith.constant 2 : index
    %get3A_543 = arith.constant 0 : index
    %get3A_544 = arith.constant 0 : index
    %get3A_545 = vector.load %arg6[%get3A_542, %get3A_543, %get3A_544] : memref<16x1x512xf32, #tpu.memory_space<vmem>>, vector<1x1x512xf32>
    %get3A_546 = vector.shape_cast %get3A_545 : vector<1x1x512xf32> to vector<1x512xf32>
    %add3A_547 = vector.broadcast %get3A_546 : vector<1x512xf32> to vector<64x512xf32>
    %add3A_548 = arith.addf %dot_general3A_541, %add3A_547 : vector<64x512xf32>
    %get3A_549 = arith.constant 0 : index
    %get3A_550 = arith.constant 0 : index
    %get3A_551 = vector.load %arg1[%get3A_549, %get3A_550] : memref<64x1xi32, #tpu.memory_space<vmem>>, vector<64x1xi32>
    %eq3A_552 = arith.constant 2 : i32
    %eq3A_553 = vector.broadcast %eq3A_552 : i32 to vector<64x1xi32>
    %eq3A_554 = arith.cmpi eq, %get3A_551, %eq3A_553 : vector<64x1xi32>
    %jit3A_555 = arith.constant 0.000000e+00 : f32
    %broadcast_in_dim3A_556 = vector.shape_cast %eq3A_554 : vector<64x1xi1> to vector<64x1xi1>
    %broadcast_in_dim3A_557 = vector.broadcast %broadcast_in_dim3A_556 : vector<64x1xi1> to vector<64x512xi1>
    %broadcast_in_dim3A_558 = vector.broadcast %jit3A_555 : f32 to vector<64x512xf32>
    %select_n3A_559 = arith.select %broadcast_in_dim3A_557, %add3A_548, %broadcast_in_dim3A_558 : vector<64x512xi1>, vector<64x512xf32>
    %add3A_560 = arith.addf %add3A_533, %select_n3A_559 : vector<64x512xf32>
    %get3A_561 = arith.constant 3 : index
    %get3A_562 = arith.constant 0 : index
    %get3A_563 = arith.constant 0 : index
    %get3A_564 = vector.load %arg5[%get3A_561, %get3A_562, %get3A_563] : memref<16x320x512xf32, #tpu.memory_space<vmem>>, vector<1x320x512xf32>
    %get3A_565 = vector.shape_cast %get3A_564 : vector<1x320x512xf32> to vector<320x512xf32>
    %convert_element_type3A_566 = arith.truncf %get3A_565 : vector<320x512xf32> to vector<320x512xbf16>
    %dot_general3A_567 = arith.constant dense<0.000000e+00> : vector<64x512xf32>
    %dot_general3A_568 = tpu.matmul %convert_element_type3A_477, %convert_element_type3A_566, %dot_general3A_567 {dimension_numbers = #tpu.dot_dimension_numbers<[1], [0], [0], [1], [0, 0, 1, 1], [], []>, transpose_lhs_hint = false} : vector<64x320xbf16>, vector<320x512xbf16>, vector<64x512xf32> -> vector<64x512xf32>
    %get3A_569 = arith.constant 3 : index
    %get3A_570 = arith.constant 0 : index
    %get3A_571 = arith.constant 0 : index
    %get3A_572 = vector.load %arg6[%get3A_569, %get3A_570, %get3A_571] : memref<16x1x512xf32, #tpu.memory_space<vmem>>, vector<1x1x512xf32>
    %get3A_573 = vector.shape_cast %get3A_572 : vector<1x1x512xf32> to vector<1x512xf32>
    %add3A_574 = vector.broadcast %get3A_573 : vector<1x512xf32> to vector<64x512xf32>
    %add3A_575 = arith.addf %dot_general3A_568, %add3A_574 : vector<64x512xf32>
    %get3A_576 = arith.constant 0 : index
    %get3A_577 = arith.constant 0 : index
    %get3A_578 = vector.load %arg1[%get3A_576, %get3A_577] : memref<64x1xi32, #tpu.memory_space<vmem>>, vector<64x1xi32>
    %eq3A_579 = arith.constant 3 : i32
    %eq3A_580 = vector.broadcast %eq3A_579 : i32 to vector<64x1xi32>
    %eq3A_581 = arith.cmpi eq, %get3A_578, %eq3A_580 : vector<64x1xi32>
    %jit3A_582 = arith.constant 0.000000e+00 : f32
    %broadcast_in_dim3A_583 = vector.shape_cast %eq3A_581 : vector<64x1xi1> to vector<64x1xi1>
    %broadcast_in_dim3A_584 = vector.broadcast %broadcast_in_dim3A_583 : vector<64x1xi1> to vector<64x512xi1>
    %broadcast_in_dim3A_585 = vector.broadcast %jit3A_582 : f32 to vector<64x512xf32>
    %select_n3A_586 = arith.select %broadcast_in_dim3A_584, %add3A_575, %broadcast_in_dim3A_585 : vector<64x512xi1>, vector<64x512xf32>
    %add3A_587 = arith.addf %add3A_560, %select_n3A_586 : vector<64x512xf32>
    %get3A_588 = arith.constant 4 : index
    %get3A_589 = arith.constant 0 : index
    %get3A_590 = arith.constant 0 : index
    %get3A_591 = vector.load %arg5[%get3A_588, %get3A_589, %get3A_590] : memref<16x320x512xf32, #tpu.memory_space<vmem>>, vector<1x320x512xf32>
    %get3A_592 = vector.shape_cast %get3A_591 : vector<1x320x512xf32> to vector<320x512xf32>
    %convert_element_type3A_593 = arith.truncf %get3A_592 : vector<320x512xf32> to vector<320x512xbf16>
    %dot_general3A_594 = arith.constant dense<0.000000e+00> : vector<64x512xf32>
    %dot_general3A_595 = tpu.matmul %convert_element_type3A_477, %convert_element_type3A_593, %dot_general3A_594 {dimension_numbers = #tpu.dot_dimension_numbers<[1], [0], [0], [1], [0, 0, 1, 1], [], []>, transpose_lhs_hint = false} : vector<64x320xbf16>, vector<320x512xbf16>, vector<64x512xf32> -> vector<64x512xf32>
    %get3A_596 = arith.constant 4 : index
    %get3A_597 = arith.constant 0 : index
    %get3A_598 = arith.constant 0 : index
    %get3A_599 = vector.load %arg6[%get3A_596, %get3A_597, %get3A_598] : memref<16x1x512xf32, #tpu.memory_space<vmem>>, vector<1x1x512xf32>
    %get3A_600 = vector.shape_cast %get3A_599 : vector<1x1x512xf32> to vector<1x512xf32>
    %add3A_601 = vector.broadcast %get3A_600 : vector<1x512xf32> to vector<64x512xf32>
    %add3A_602 = arith.addf %dot_general3A_595, %add3A_601 : vector<64x512xf32>
    %get3A_603 = arith.constant 0 : index
    %get3A_604 = arith.constant 0 : index
    %get3A_605 = vector.load %arg1[%get3A_603, %get3A_604] : memref<64x1xi32, #tpu.memory_space<vmem>>, vector<64x1xi32>
    %eq3A_606 = arith.constant 4 : i32
    %eq3A_607 = vector.broadcast %eq3A_606 : i32 to vector<64x1xi32>
    %eq3A_608 = arith.cmpi eq, %get3A_605, %eq3A_607 : vector<64x1xi32>
    %jit3A_609 = arith.constant 0.000000e+00 : f32
    %broadcast_in_dim3A_610 = vector.shape_cast %eq3A_608 : vector<64x1xi1> to vector<64x1xi1>
    %broadcast_in_dim3A_611 = vector.broadcast %broadcast_in_dim3A_610 : vector<64x1xi1> to vector<64x512xi1>
    %broadcast_in_dim3A_612 = vector.broadcast %jit3A_609 : f32 to vector<64x512xf32>
    %select_n3A_613 = arith.select %broadcast_in_dim3A_611, %add3A_602, %broadcast_in_dim3A_612 : vector<64x512xi1>, vector<64x512xf32>
    %add3A_614 = arith.addf %add3A_587, %select_n3A_613 : vector<64x512xf32>
    %get3A_615 = arith.constant 5 : index
    %get3A_616 = arith.constant 0 : index
    %get3A_617 = arith.constant 0 : index
    %get3A_618 = vector.load %arg5[%get3A_615, %get3A_616, %get3A_617] : memref<16x320x512xf32, #tpu.memory_space<vmem>>, vector<1x320x512xf32>
    %get3A_619 = vector.shape_cast %get3A_618 : vector<1x320x512xf32> to vector<320x512xf32>
    %convert_element_type3A_620 = arith.truncf %get3A_619 : vector<320x512xf32> to vector<320x512xbf16>
    %dot_general3A_621 = arith.constant dense<0.000000e+00> : vector<64x512xf32>
    %dot_general3A_622 = tpu.matmul %convert_element_type3A_477, %convert_element_type3A_620, %dot_general3A_621 {dimension_numbers = #tpu.dot_dimension_numbers<[1], [0], [0], [1], [0, 0, 1, 1], [], []>, transpose_lhs_hint = false} : vector<64x320xbf16>, vector<320x512xbf16>, vector<64x512xf32> -> vector<64x512xf32>
    %get3A_623 = arith.constant 5 : index
    %get3A_624 = arith.constant 0 : index
    %get3A_625 = arith.constant 0 : index
    %get3A_626 = vector.load %arg6[%get3A_623, %get3A_624, %get3A_625] : memref<16x1x512xf32, #tpu.memory_space<vmem>>, vector<1x1x512xf32>
    %get3A_627 = vector.shape_cast %get3A_626 : vector<1x1x512xf32> to vector<1x512xf32>
    %add3A_628 = vector.broadcast %get3A_627 : vector<1x512xf32> to vector<64x512xf32>
    %add3A_629 = arith.addf %dot_general3A_622, %add3A_628 : vector<64x512xf32>
    %get3A_630 = arith.constant 0 : index
    %get3A_631 = arith.constant 0 : index
    %get3A_632 = vector.load %arg1[%get3A_630, %get3A_631] : memref<64x1xi32, #tpu.memory_space<vmem>>, vector<64x1xi32>
    %eq3A_633 = arith.constant 5 : i32
    %eq3A_634 = vector.broadcast %eq3A_633 : i32 to vector<64x1xi32>
    %eq3A_635 = arith.cmpi eq, %get3A_632, %eq3A_634 : vector<64x1xi32>
    %jit3A_636 = arith.constant 0.000000e+00 : f32
    %broadcast_in_dim3A_637 = vector.shape_cast %eq3A_635 : vector<64x1xi1> to vector<64x1xi1>
    %broadcast_in_dim3A_638 = vector.broadcast %broadcast_in_dim3A_637 : vector<64x1xi1> to vector<64x512xi1>
    %broadcast_in_dim3A_639 = vector.broadcast %jit3A_636 : f32 to vector<64x512xf32>
    %select_n3A_640 = arith.select %broadcast_in_dim3A_638, %add3A_629, %broadcast_in_dim3A_639 : vector<64x512xi1>, vector<64x512xf32>
    %add3A_641 = arith.addf %add3A_614, %select_n3A_640 : vector<64x512xf32>
    %get3A_642 = arith.constant 6 : index
    %get3A_643 = arith.constant 0 : index
    %get3A_644 = arith.constant 0 : index
    %get3A_645 = vector.load %arg5[%get3A_642, %get3A_643, %get3A_644] : memref<16x320x512xf32, #tpu.memory_space<vmem>>, vector<1x320x512xf32>
    %get3A_646 = vector.shape_cast %get3A_645 : vector<1x320x512xf32> to vector<320x512xf32>
    %convert_element_type3A_647 = arith.truncf %get3A_646 : vector<320x512xf32> to vector<320x512xbf16>
    %dot_general3A_648 = arith.constant dense<0.000000e+00> : vector<64x512xf32>
    %dot_general3A_649 = tpu.matmul %convert_element_type3A_477, %convert_element_type3A_647, %dot_general3A_648 {dimension_numbers = #tpu.dot_dimension_numbers<[1], [0], [0], [1], [0, 0, 1, 1], [], []>, transpose_lhs_hint = false} : vector<64x320xbf16>, vector<320x512xbf16>, vector<64x512xf32> -> vector<64x512xf32>
    %get3A_650 = arith.constant 6 : index
    %get3A_651 = arith.constant 0 : index
    %get3A_652 = arith.constant 0 : index
    %get3A_653 = vector.load %arg6[%get3A_650, %get3A_651, %get3A_652] : memref<16x1x512xf32, #tpu.memory_space<vmem>>, vector<1x1x512xf32>
    %get3A_654 = vector.shape_cast %get3A_653 : vector<1x1x512xf32> to vector<1x512xf32>
    %add3A_655 = vector.broadcast %get3A_654 : vector<1x512xf32> to vector<64x512xf32>
    %add3A_656 = arith.addf %dot_general3A_649, %add3A_655 : vector<64x512xf32>
    %get3A_657 = arith.constant 0 : index
    %get3A_658 = arith.constant 0 : index
    %get3A_659 = vector.load %arg1[%get3A_657, %get3A_658] : memref<64x1xi32, #tpu.memory_space<vmem>>, vector<64x1xi32>
    %eq3A_660 = arith.constant 6 : i32
    %eq3A_661 = vector.broadcast %eq3A_660 : i32 to vector<64x1xi32>
    %eq3A_662 = arith.cmpi eq, %get3A_659, %eq3A_661 : vector<64x1xi32>
    %jit3A_663 = arith.constant 0.000000e+00 : f32
    %broadcast_in_dim3A_664 = vector.shape_cast %eq3A_662 : vector<64x1xi1> to vector<64x1xi1>
    %broadcast_in_dim3A_665 = vector.broadcast %broadcast_in_dim3A_664 : vector<64x1xi1> to vector<64x512xi1>
    %broadcast_in_dim3A_666 = vector.broadcast %jit3A_663 : f32 to vector<64x512xf32>
    %select_n3A_667 = arith.select %broadcast_in_dim3A_665, %add3A_656, %broadcast_in_dim3A_666 : vector<64x512xi1>, vector<64x512xf32>
    %add3A_668 = arith.addf %add3A_641, %select_n3A_667 : vector<64x512xf32>
    %get3A_669 = arith.constant 7 : index
    %get3A_670 = arith.constant 0 : index
    %get3A_671 = arith.constant 0 : index
    %get3A_672 = vector.load %arg5[%get3A_669, %get3A_670, %get3A_671] : memref<16x320x512xf32, #tpu.memory_space<vmem>>, vector<1x320x512xf32>
    %get3A_673 = vector.shape_cast %get3A_672 : vector<1x320x512xf32> to vector<320x512xf32>
    %convert_element_type3A_674 = arith.truncf %get3A_673 : vector<320x512xf32> to vector<320x512xbf16>
    %dot_general3A_675 = arith.constant dense<0.000000e+00> : vector<64x512xf32>
    %dot_general3A_676 = tpu.matmul %convert_element_type3A_477, %convert_element_type3A_674, %dot_general3A_675 {dimension_numbers = #tpu.dot_dimension_numbers<[1], [0], [0], [1], [0, 0, 1, 1], [], []>, transpose_lhs_hint = false} : vector<64x320xbf16>, vector<320x512xbf16>, vector<64x512xf32> -> vector<64x512xf32>
    %get3A_677 = arith.constant 7 : index
    %get3A_678 = arith.constant 0 : index
    %get3A_679 = arith.constant 0 : index
    %get3A_680 = vector.load %arg6[%get3A_677, %get3A_678, %get3A_679] : memref<16x1x512xf32, #tpu.memory_space<vmem>>, vector<1x1x512xf32>
    %get3A_681 = vector.shape_cast %get3A_680 : vector<1x1x512xf32> to vector<1x512xf32>
    %add3A_682 = vector.broadcast %get3A_681 : vector<1x512xf32> to vector<64x512xf32>
    %add3A_683 = arith.addf %dot_general3A_676, %add3A_682 : vector<64x512xf32>
    %get3A_684 = arith.constant 0 : index
    %get3A_685 = arith.constant 0 : index
    %get3A_686 = vector.load %arg1[%get3A_684, %get3A_685] : memref<64x1xi32, #tpu.memory_space<vmem>>, vector<64x1xi32>
    %eq3A_687 = arith.constant 7 : i32
    %eq3A_688 = vector.broadcast %eq3A_687 : i32 to vector<64x1xi32>
    %eq3A_689 = arith.cmpi eq, %get3A_686, %eq3A_688 : vector<64x1xi32>
    %jit3A_690 = arith.constant 0.000000e+00 : f32
    %broadcast_in_dim3A_691 = vector.shape_cast %eq3A_689 : vector<64x1xi1> to vector<64x1xi1>
    %broadcast_in_dim3A_692 = vector.broadcast %broadcast_in_dim3A_691 : vector<64x1xi1> to vector<64x512xi1>
    %broadcast_in_dim3A_693 = vector.broadcast %jit3A_690 : f32 to vector<64x512xf32>
    %select_n3A_694 = arith.select %broadcast_in_dim3A_692, %add3A_683, %broadcast_in_dim3A_693 : vector<64x512xi1>, vector<64x512xf32>
    %add3A_695 = arith.addf %add3A_668, %select_n3A_694 : vector<64x512xf32>
    %get3A_696 = arith.constant 8 : index
    %get3A_697 = arith.constant 0 : index
    %get3A_698 = arith.constant 0 : index
    %get3A_699 = vector.load %arg5[%get3A_696, %get3A_697, %get3A_698] : memref<16x320x512xf32, #tpu.memory_space<vmem>>, vector<1x320x512xf32>
    %get3A_700 = vector.shape_cast %get3A_699 : vector<1x320x512xf32> to vector<320x512xf32>
    %convert_element_type3A_701 = arith.truncf %get3A_700 : vector<320x512xf32> to vector<320x512xbf16>
    %dot_general3A_702 = arith.constant dense<0.000000e+00> : vector<64x512xf32>
    %dot_general3A_703 = tpu.matmul %convert_element_type3A_477, %convert_element_type3A_701, %dot_general3A_702 {dimension_numbers = #tpu.dot_dimension_numbers<[1], [0], [0], [1], [0, 0, 1, 1], [], []>, transpose_lhs_hint = false} : vector<64x320xbf16>, vector<320x512xbf16>, vector<64x512xf32> -> vector<64x512xf32>
    %get3A_704 = arith.constant 8 : index
    %get3A_705 = arith.constant 0 : index
    %get3A_706 = arith.constant 0 : index
    %get3A_707 = vector.load %arg6[%get3A_704, %get3A_705, %get3A_706] : memref<16x1x512xf32, #tpu.memory_space<vmem>>, vector<1x1x512xf32>
    %get3A_708 = vector.shape_cast %get3A_707 : vector<1x1x512xf32> to vector<1x512xf32>
    %add3A_709 = vector.broadcast %get3A_708 : vector<1x512xf32> to vector<64x512xf32>
    %add3A_710 = arith.addf %dot_general3A_703, %add3A_709 : vector<64x512xf32>
    %get3A_711 = arith.constant 0 : index
    %get3A_712 = arith.constant 0 : index
    %get3A_713 = vector.load %arg1[%get3A_711, %get3A_712] : memref<64x1xi32, #tpu.memory_space<vmem>>, vector<64x1xi32>
    %eq3A_714 = arith.constant 8 : i32
    %eq3A_715 = vector.broadcast %eq3A_714 : i32 to vector<64x1xi32>
    %eq3A_716 = arith.cmpi eq, %get3A_713, %eq3A_715 : vector<64x1xi32>
    %jit3A_717 = arith.constant 0.000000e+00 : f32
    %broadcast_in_dim3A_718 = vector.shape_cast %eq3A_716 : vector<64x1xi1> to vector<64x1xi1>
    %broadcast_in_dim3A_719 = vector.broadcast %broadcast_in_dim3A_718 : vector<64x1xi1> to vector<64x512xi1>
    %broadcast_in_dim3A_720 = vector.broadcast %jit3A_717 : f32 to vector<64x512xf32>
    %select_n3A_721 = arith.select %broadcast_in_dim3A_719, %add3A_710, %broadcast_in_dim3A_720 : vector<64x512xi1>, vector<64x512xf32>
    %add3A_722 = arith.addf %add3A_695, %select_n3A_721 : vector<64x512xf32>
    %get3A_723 = arith.constant 9 : index
    %get3A_724 = arith.constant 0 : index
    %get3A_725 = arith.constant 0 : index
    %get3A_726 = vector.load %arg5[%get3A_723, %get3A_724, %get3A_725] : memref<16x320x512xf32, #tpu.memory_space<vmem>>, vector<1x320x512xf32>
    %get3A_727 = vector.shape_cast %get3A_726 : vector<1x320x512xf32> to vector<320x512xf32>
    %convert_element_type3A_728 = arith.truncf %get3A_727 : vector<320x512xf32> to vector<320x512xbf16>
    %dot_general3A_729 = arith.constant dense<0.000000e+00> : vector<64x512xf32>
    %dot_general3A_730 = tpu.matmul %convert_element_type3A_477, %convert_element_type3A_728, %dot_general3A_729 {dimension_numbers = #tpu.dot_dimension_numbers<[1], [0], [0], [1], [0, 0, 1, 1], [], []>, transpose_lhs_hint = false} : vector<64x320xbf16>, vector<320x512xbf16>, vector<64x512xf32> -> vector<64x512xf32>
    %get3A_731 = arith.constant 9 : index
    %get3A_732 = arith.constant 0 : index
    %get3A_733 = arith.constant 0 : index
    %get3A_734 = vector.load %arg6[%get3A_731, %get3A_732, %get3A_733] : memref<16x1x512xf32, #tpu.memory_space<vmem>>, vector<1x1x512xf32>
    %get3A_735 = vector.shape_cast %get3A_734 : vector<1x1x512xf32> to vector<1x512xf32>
    %add3A_736 = vector.broadcast %get3A_735 : vector<1x512xf32> to vector<64x512xf32>
    %add3A_737 = arith.addf %dot_general3A_730, %add3A_736 : vector<64x512xf32>
    %get3A_738 = arith.constant 0 : index
    %get3A_739 = arith.constant 0 : index
    %get3A_740 = vector.load %arg1[%get3A_738, %get3A_739] : memref<64x1xi32, #tpu.memory_space<vmem>>, vector<64x1xi32>
    %eq3A_741 = arith.constant 9 : i32
    %eq3A_742 = vector.broadcast %eq3A_741 : i32 to vector<64x1xi32>
    %eq3A_743 = arith.cmpi eq, %get3A_740, %eq3A_742 : vector<64x1xi32>
    %jit3A_744 = arith.constant 0.000000e+00 : f32
    %broadcast_in_dim3A_745 = vector.shape_cast %eq3A_743 : vector<64x1xi1> to vector<64x1xi1>
    %broadcast_in_dim3A_746 = vector.broadcast %broadcast_in_dim3A_745 : vector<64x1xi1> to vector<64x512xi1>
    %broadcast_in_dim3A_747 = vector.broadcast %jit3A_744 : f32 to vector<64x512xf32>
    %select_n3A_748 = arith.select %broadcast_in_dim3A_746, %add3A_737, %broadcast_in_dim3A_747 : vector<64x512xi1>, vector<64x512xf32>
    %add3A_749 = arith.addf %add3A_722, %select_n3A_748 : vector<64x512xf32>
    %get3A_750 = arith.constant 10 : index
    %get3A_751 = arith.constant 0 : index
    %get3A_752 = arith.constant 0 : index
    %get3A_753 = vector.load %arg5[%get3A_750, %get3A_751, %get3A_752] : memref<16x320x512xf32, #tpu.memory_space<vmem>>, vector<1x320x512xf32>
    %get3A_754 = vector.shape_cast %get3A_753 : vector<1x320x512xf32> to vector<320x512xf32>
    %convert_element_type3A_755 = arith.truncf %get3A_754 : vector<320x512xf32> to vector<320x512xbf16>
    %dot_general3A_756 = arith.constant dense<0.000000e+00> : vector<64x512xf32>
    %dot_general3A_757 = tpu.matmul %convert_element_type3A_477, %convert_element_type3A_755, %dot_general3A_756 {dimension_numbers = #tpu.dot_dimension_numbers<[1], [0], [0], [1], [0, 0, 1, 1], [], []>, transpose_lhs_hint = false} : vector<64x320xbf16>, vector<320x512xbf16>, vector<64x512xf32> -> vector<64x512xf32>
    %get3A_758 = arith.constant 10 : index
    %get3A_759 = arith.constant 0 : index
    %get3A_760 = arith.constant 0 : index
    %get3A_761 = vector.load %arg6[%get3A_758, %get3A_759, %get3A_760] : memref<16x1x512xf32, #tpu.memory_space<vmem>>, vector<1x1x512xf32>
    %get3A_762 = vector.shape_cast %get3A_761 : vector<1x1x512xf32> to vector<1x512xf32>
    %add3A_763 = vector.broadcast %get3A_762 : vector<1x512xf32> to vector<64x512xf32>
    %add3A_764 = arith.addf %dot_general3A_757, %add3A_763 : vector<64x512xf32>
    %get3A_765 = arith.constant 0 : index
    %get3A_766 = arith.constant 0 : index
    %get3A_767 = vector.load %arg1[%get3A_765, %get3A_766] : memref<64x1xi32, #tpu.memory_space<vmem>>, vector<64x1xi32>
    %eq3A_768 = arith.constant 10 : i32
    %eq3A_769 = vector.broadcast %eq3A_768 : i32 to vector<64x1xi32>
    %eq3A_770 = arith.cmpi eq, %get3A_767, %eq3A_769 : vector<64x1xi32>
    %jit3A_771 = arith.constant 0.000000e+00 : f32
    %broadcast_in_dim3A_772 = vector.shape_cast %eq3A_770 : vector<64x1xi1> to vector<64x1xi1>
    %broadcast_in_dim3A_773 = vector.broadcast %broadcast_in_dim3A_772 : vector<64x1xi1> to vector<64x512xi1>
    %broadcast_in_dim3A_774 = vector.broadcast %jit3A_771 : f32 to vector<64x512xf32>
    %select_n3A_775 = arith.select %broadcast_in_dim3A_773, %add3A_764, %broadcast_in_dim3A_774 : vector<64x512xi1>, vector<64x512xf32>
    %add3A_776 = arith.addf %add3A_749, %select_n3A_775 : vector<64x512xf32>
    %get3A_777 = arith.constant 11 : index
    %get3A_778 = arith.constant 0 : index
    %get3A_779 = arith.constant 0 : index
    %get3A_780 = vector.load %arg5[%get3A_777, %get3A_778, %get3A_779] : memref<16x320x512xf32, #tpu.memory_space<vmem>>, vector<1x320x512xf32>
    %get3A_781 = vector.shape_cast %get3A_780 : vector<1x320x512xf32> to vector<320x512xf32>
    %convert_element_type3A_782 = arith.truncf %get3A_781 : vector<320x512xf32> to vector<320x512xbf16>
    %dot_general3A_783 = arith.constant dense<0.000000e+00> : vector<64x512xf32>
    %dot_general3A_784 = tpu.matmul %convert_element_type3A_477, %convert_element_type3A_782, %dot_general3A_783 {dimension_numbers = #tpu.dot_dimension_numbers<[1], [0], [0], [1], [0, 0, 1, 1], [], []>, transpose_lhs_hint = false} : vector<64x320xbf16>, vector<320x512xbf16>, vector<64x512xf32> -> vector<64x512xf32>
    %get3A_785 = arith.constant 11 : index
    %get3A_786 = arith.constant 0 : index
    %get3A_787 = arith.constant 0 : index
    %get3A_788 = vector.load %arg6[%get3A_785, %get3A_786, %get3A_787] : memref<16x1x512xf32, #tpu.memory_space<vmem>>, vector<1x1x512xf32>
    %get3A_789 = vector.shape_cast %get3A_788 : vector<1x1x512xf32> to vector<1x512xf32>
    %add3A_790 = vector.broadcast %get3A_789 : vector<1x512xf32> to vector<64x512xf32>
    %add3A_791 = arith.addf %dot_general3A_784, %add3A_790 : vector<64x512xf32>
    %get3A_792 = arith.constant 0 : index
    %get3A_793 = arith.constant 0 : index
    %get3A_794 = vector.load %arg1[%get3A_792, %get3A_793] : memref<64x1xi32, #tpu.memory_space<vmem>>, vector<64x1xi32>
    %eq3A_795 = arith.constant 11 : i32
    %eq3A_796 = vector.broadcast %eq3A_795 : i32 to vector<64x1xi32>
    %eq3A_797 = arith.cmpi eq, %get3A_794, %eq3A_796 : vector<64x1xi32>
    %jit3A_798 = arith.constant 0.000000e+00 : f32
    %broadcast_in_dim3A_799 = vector.shape_cast %eq3A_797 : vector<64x1xi1> to vector<64x1xi1>
    %broadcast_in_dim3A_800 = vector.broadcast %broadcast_in_dim3A_799 : vector<64x1xi1> to vector<64x512xi1>
    %broadcast_in_dim3A_801 = vector.broadcast %jit3A_798 : f32 to vector<64x512xf32>
    %select_n3A_802 = arith.select %broadcast_in_dim3A_800, %add3A_791, %broadcast_in_dim3A_801 : vector<64x512xi1>, vector<64x512xf32>
    %add3A_803 = arith.addf %add3A_776, %select_n3A_802 : vector<64x512xf32>
    %get3A_804 = arith.constant 12 : index
    %get3A_805 = arith.constant 0 : index
    %get3A_806 = arith.constant 0 : index
    %get3A_807 = vector.load %arg5[%get3A_804, %get3A_805, %get3A_806] : memref<16x320x512xf32, #tpu.memory_space<vmem>>, vector<1x320x512xf32>
    %get3A_808 = vector.shape_cast %get3A_807 : vector<1x320x512xf32> to vector<320x512xf32>
    %convert_element_type3A_809 = arith.truncf %get3A_808 : vector<320x512xf32> to vector<320x512xbf16>
    %dot_general3A_810 = arith.constant dense<0.000000e+00> : vector<64x512xf32>
    %dot_general3A_811 = tpu.matmul %convert_element_type3A_477, %convert_element_type3A_809, %dot_general3A_810 {dimension_numbers = #tpu.dot_dimension_numbers<[1], [0], [0], [1], [0, 0, 1, 1], [], []>, transpose_lhs_hint = false} : vector<64x320xbf16>, vector<320x512xbf16>, vector<64x512xf32> -> vector<64x512xf32>
    %get3A_812 = arith.constant 12 : index
    %get3A_813 = arith.constant 0 : index
    %get3A_814 = arith.constant 0 : index
    %get3A_815 = vector.load %arg6[%get3A_812, %get3A_813, %get3A_814] : memref<16x1x512xf32, #tpu.memory_space<vmem>>, vector<1x1x512xf32>
    %get3A_816 = vector.shape_cast %get3A_815 : vector<1x1x512xf32> to vector<1x512xf32>
    %add3A_817 = vector.broadcast %get3A_816 : vector<1x512xf32> to vector<64x512xf32>
    %add3A_818 = arith.addf %dot_general3A_811, %add3A_817 : vector<64x512xf32>
    %get3A_819 = arith.constant 0 : index
    %get3A_820 = arith.constant 0 : index
    %get3A_821 = vector.load %arg1[%get3A_819, %get3A_820] : memref<64x1xi32, #tpu.memory_space<vmem>>, vector<64x1xi32>
    %eq3A_822 = arith.constant 12 : i32
    %eq3A_823 = vector.broadcast %eq3A_822 : i32 to vector<64x1xi32>
    %eq3A_824 = arith.cmpi eq, %get3A_821, %eq3A_823 : vector<64x1xi32>
    %jit3A_825 = arith.constant 0.000000e+00 : f32
    %broadcast_in_dim3A_826 = vector.shape_cast %eq3A_824 : vector<64x1xi1> to vector<64x1xi1>
    %broadcast_in_dim3A_827 = vector.broadcast %broadcast_in_dim3A_826 : vector<64x1xi1> to vector<64x512xi1>
    %broadcast_in_dim3A_828 = vector.broadcast %jit3A_825 : f32 to vector<64x512xf32>
    %select_n3A_829 = arith.select %broadcast_in_dim3A_827, %add3A_818, %broadcast_in_dim3A_828 : vector<64x512xi1>, vector<64x512xf32>
    %add3A_830 = arith.addf %add3A_803, %select_n3A_829 : vector<64x512xf32>
    %get3A_831 = arith.constant 13 : index
    %get3A_832 = arith.constant 0 : index
    %get3A_833 = arith.constant 0 : index
    %get3A_834 = vector.load %arg5[%get3A_831, %get3A_832, %get3A_833] : memref<16x320x512xf32, #tpu.memory_space<vmem>>, vector<1x320x512xf32>
    %get3A_835 = vector.shape_cast %get3A_834 : vector<1x320x512xf32> to vector<320x512xf32>
    %convert_element_type3A_836 = arith.truncf %get3A_835 : vector<320x512xf32> to vector<320x512xbf16>
    %dot_general3A_837 = arith.constant dense<0.000000e+00> : vector<64x512xf32>
    %dot_general3A_838 = tpu.matmul %convert_element_type3A_477, %convert_element_type3A_836, %dot_general3A_837 {dimension_numbers = #tpu.dot_dimension_numbers<[1], [0], [0], [1], [0, 0, 1, 1], [], []>, transpose_lhs_hint = false} : vector<64x320xbf16>, vector<320x512xbf16>, vector<64x512xf32> -> vector<64x512xf32>
    %get3A_839 = arith.constant 13 : index
    %get3A_840 = arith.constant 0 : index
    %get3A_841 = arith.constant 0 : index
    %get3A_842 = vector.load %arg6[%get3A_839, %get3A_840, %get3A_841] : memref<16x1x512xf32, #tpu.memory_space<vmem>>, vector<1x1x512xf32>
    %get3A_843 = vector.shape_cast %get3A_842 : vector<1x1x512xf32> to vector<1x512xf32>
    %add3A_844 = vector.broadcast %get3A_843 : vector<1x512xf32> to vector<64x512xf32>
    %add3A_845 = arith.addf %dot_general3A_838, %add3A_844 : vector<64x512xf32>
    %get3A_846 = arith.constant 0 : index
    %get3A_847 = arith.constant 0 : index
    %get3A_848 = vector.load %arg1[%get3A_846, %get3A_847] : memref<64x1xi32, #tpu.memory_space<vmem>>, vector<64x1xi32>
    %eq3A_849 = arith.constant 13 : i32
    %eq3A_850 = vector.broadcast %eq3A_849 : i32 to vector<64x1xi32>
    %eq3A_851 = arith.cmpi eq, %get3A_848, %eq3A_850 : vector<64x1xi32>
    %jit3A_852 = arith.constant 0.000000e+00 : f32
    %broadcast_in_dim3A_853 = vector.shape_cast %eq3A_851 : vector<64x1xi1> to vector<64x1xi1>
    %broadcast_in_dim3A_854 = vector.broadcast %broadcast_in_dim3A_853 : vector<64x1xi1> to vector<64x512xi1>
    %broadcast_in_dim3A_855 = vector.broadcast %jit3A_852 : f32 to vector<64x512xf32>
    %select_n3A_856 = arith.select %broadcast_in_dim3A_854, %add3A_845, %broadcast_in_dim3A_855 : vector<64x512xi1>, vector<64x512xf32>
    %add3A_857 = arith.addf %add3A_830, %select_n3A_856 : vector<64x512xf32>
    %get3A_858 = arith.constant 14 : index
    %get3A_859 = arith.constant 0 : index
    %get3A_860 = arith.constant 0 : index
    %get3A_861 = vector.load %arg5[%get3A_858, %get3A_859, %get3A_860] : memref<16x320x512xf32, #tpu.memory_space<vmem>>, vector<1x320x512xf32>
    %get3A_862 = vector.shape_cast %get3A_861 : vector<1x320x512xf32> to vector<320x512xf32>
    %convert_element_type3A_863 = arith.truncf %get3A_862 : vector<320x512xf32> to vector<320x512xbf16>
    %dot_general3A_864 = arith.constant dense<0.000000e+00> : vector<64x512xf32>
    %dot_general3A_865 = tpu.matmul %convert_element_type3A_477, %convert_element_type3A_863, %dot_general3A_864 {dimension_numbers = #tpu.dot_dimension_numbers<[1], [0], [0], [1], [0, 0, 1, 1], [], []>, transpose_lhs_hint = false} : vector<64x320xbf16>, vector<320x512xbf16>, vector<64x512xf32> -> vector<64x512xf32>
    %get3A_866 = arith.constant 14 : index
    %get3A_867 = arith.constant 0 : index
    %get3A_868 = arith.constant 0 : index
    %get3A_869 = vector.load %arg6[%get3A_866, %get3A_867, %get3A_868] : memref<16x1x512xf32, #tpu.memory_space<vmem>>, vector<1x1x512xf32>
    %get3A_870 = vector.shape_cast %get3A_869 : vector<1x1x512xf32> to vector<1x512xf32>
    %add3A_871 = vector.broadcast %get3A_870 : vector<1x512xf32> to vector<64x512xf32>
    %add3A_872 = arith.addf %dot_general3A_865, %add3A_871 : vector<64x512xf32>
    %get3A_873 = arith.constant 0 : index
    %get3A_874 = arith.constant 0 : index
    %get3A_875 = vector.load %arg1[%get3A_873, %get3A_874] : memref<64x1xi32, #tpu.memory_space<vmem>>, vector<64x1xi32>
    %eq3A_876 = arith.constant 14 : i32
    %eq3A_877 = vector.broadcast %eq3A_876 : i32 to vector<64x1xi32>
    %eq3A_878 = arith.cmpi eq, %get3A_875, %eq3A_877 : vector<64x1xi32>
    %jit3A_879 = arith.constant 0.000000e+00 : f32
    %broadcast_in_dim3A_880 = vector.shape_cast %eq3A_878 : vector<64x1xi1> to vector<64x1xi1>
    %broadcast_in_dim3A_881 = vector.broadcast %broadcast_in_dim3A_880 : vector<64x1xi1> to vector<64x512xi1>
    %broadcast_in_dim3A_882 = vector.broadcast %jit3A_879 : f32 to vector<64x512xf32>
    %select_n3A_883 = arith.select %broadcast_in_dim3A_881, %add3A_872, %broadcast_in_dim3A_882 : vector<64x512xi1>, vector<64x512xf32>
    %add3A_884 = arith.addf %add3A_857, %select_n3A_883 : vector<64x512xf32>
    %get3A_885 = arith.constant 15 : index
    %get3A_886 = arith.constant 0 : index
    %get3A_887 = arith.constant 0 : index
    %get3A_888 = vector.load %arg5[%get3A_885, %get3A_886, %get3A_887] : memref<16x320x512xf32, #tpu.memory_space<vmem>>, vector<1x320x512xf32>
    %get3A_889 = vector.shape_cast %get3A_888 : vector<1x320x512xf32> to vector<320x512xf32>
    %convert_element_type3A_890 = arith.truncf %get3A_889 : vector<320x512xf32> to vector<320x512xbf16>
    %dot_general3A_891 = arith.constant dense<0.000000e+00> : vector<64x512xf32>
    %dot_general3A_892 = tpu.matmul %convert_element_type3A_477, %convert_element_type3A_890, %dot_general3A_891 {dimension_numbers = #tpu.dot_dimension_numbers<[1], [0], [0], [1], [0, 0, 1, 1], [], []>, transpose_lhs_hint = false} : vector<64x320xbf16>, vector<320x512xbf16>, vector<64x512xf32> -> vector<64x512xf32>
    %get3A_893 = arith.constant 15 : index
    %get3A_894 = arith.constant 0 : index
    %get3A_895 = arith.constant 0 : index
    %get3A_896 = vector.load %arg6[%get3A_893, %get3A_894, %get3A_895] : memref<16x1x512xf32, #tpu.memory_space<vmem>>, vector<1x1x512xf32>
    %get3A_897 = vector.shape_cast %get3A_896 : vector<1x1x512xf32> to vector<1x512xf32>
    %add3A_898 = vector.broadcast %get3A_897 : vector<1x512xf32> to vector<64x512xf32>
    %add3A_899 = arith.addf %dot_general3A_892, %add3A_898 : vector<64x512xf32>
    %get3A_900 = arith.constant 0 : index
    %get3A_901 = arith.constant 0 : index
    %get3A_902 = vector.load %arg1[%get3A_900, %get3A_901] : memref<64x1xi32, #tpu.memory_space<vmem>>, vector<64x1xi32>
    %eq3A_903 = arith.constant 15 : i32
    %eq3A_904 = vector.broadcast %eq3A_903 : i32 to vector<64x1xi32>
    %eq3A_905 = arith.cmpi eq, %get3A_902, %eq3A_904 : vector<64x1xi32>
    %jit3A_906 = arith.constant 0.000000e+00 : f32
    %broadcast_in_dim3A_907 = vector.shape_cast %eq3A_905 : vector<64x1xi1> to vector<64x1xi1>
    %broadcast_in_dim3A_908 = vector.broadcast %broadcast_in_dim3A_907 : vector<64x1xi1> to vector<64x512xi1>
    %broadcast_in_dim3A_909 = vector.broadcast %jit3A_906 : f32 to vector<64x512xf32>
    %select_n3A_910 = arith.select %broadcast_in_dim3A_908, %add3A_899, %broadcast_in_dim3A_909 : vector<64x512xi1>, vector<64x512xf32>
    %add3A_911 = arith.addf %add3A_884, %select_n3A_910 : vector<64x512xf32>
    %swap3A = arith.constant 0 : index
    %swap3A_912 = arith.constant 0 : index
    %swap3A_913 = vector.load %arg7[%swap3A, %swap3A_912] : memref<64x512xf32, #tpu.memory_space<vmem>>, vector<64x512xf32>
    tpu.vector_store %arg7[%swap3A, %swap3A_912], %add3A_911 {strides = array<i32>} : memref<64x512xf32, #tpu.memory_space<vmem>>, vector<64x512xf32>,
    return
  }
}

</mosaic_0001>

<sc_bundles>
// kernel: kernel.6.cloned.1.call-start
scs
__scs_entry_jumppad:
0x0: {  	(pc) =	sbr.rel $0x88, $3  }
0x1: {  	(tag) =	ssettag $0x0;
	lr =	simm.s32 $0x1  }
0x2: {  	[smem:$0x3F8A] =	sst lr;
	_ =	strace $0xD0000000  }
0x3: {  	_ = 	snop  }
0x4: {  	_ = 	snop  }
0x5: {  	_ = 	snop  }
0x6: {  	_ = 	snop  }
0x7: {  	_ = 	snop  }
__scs_overlays_trampoline_lowered:
0x8: {  	[smem:$0x3F99] =	sst s0  }
0x9: {  	[smem:$0x3F9A] =	sst s1  }
0xa: {  	[smem:$0x3F9B] =	sst s2  }
0xb: {  	[smem:$0x3F9C] =	sst s3  }
0xc: {  	[smem:$0x3F9D] =	sst s4  }
0xd: {  	[smem:$0x3F9E] =	sst s5  }
0xe: {  	[smem:$0x3F9F] =	sst s6  }
0xf: {  	[smem:$0x3FA0] =	sst s7  }
0x10: {  	[smem:$0x3FA1] =	sst s8  }
0x11: {  	[smem:$0x3FA2] =	sst s9;
	s0 =	simm.s32 @!p0 $0x0  }
0x12: {  	s1 =	sld [smem:$0x3F88];
	s0 =	simm.s32 @p0 $0x1  }
0x13: {  	[smem:$0x3FA3] =	sst s0;
	s0 =	simm.s32 @!p1 $0x0  }
0x14: {  	s2 =	sld [smem:$0x3F87];
	s0 =	simm.s32 @p1 $0x1  }
0x15: {  	[smem:$0x3FA4] =	sst s0;
	s0 =	simm.s32 @!p2 $0x0  }
0x16: {  	s3 =	sld [smem:$0x3FDB];
	s0 =	simm.s32 @p2 $0x1  }
0x17: {  	s4 =	simm.s32 $0x1BF5;
	[smem:$0x3FA6] =	sst s0  }
0x18: {  	s0 =	sld [smem:$0x3F89];
	_ =	swait.ge [sflag:s4], $0x0  }
0x19: {  	s7 =	sld [smem:$0x3F8A]  }
0x1a: {  	s8 =	sadd.s32 $0xFFFFE003, lr  }
0x1b: {  	s9 =	sadd.s32 $0xFFFFFEF7, lr;
	s5 =	simm.s32 $0xFFFFFFFF;
	p2 =	slt.u32 s8, $0xFFFFF086  }
0x1c: {  	p1 =	slt.u32 s9, $0xF7A;
	s5 =	simm.s32 @!p2 $0x0  }
0x1d: {  	s5 =	simm.s32 @p1 $0x1;
	p0 =	seq.s32 s7, s2  }
0x1e: {  	s7 =	smul.u32 @!p0 $0xF7A, s2;
	p2 =	seq.s32 @!p0 s5, $0x0  }
0x1f: {  	s9 =	smul.u32 $0xF7A, s1;
	s8 =	simm.s32 @!p0 $0x1BF5;
	p2 =	por !p2, p0  }
0x20: {  	[sflag:s8] =	ssyncset.s32 @!p0 $0xFFFFF086;
	s6 =	sadd.s32 @!p0 s3, s7;
	s7 =	simm.s32 @!p0 $0x108  }
0x21: {  	s3 =	sadd.s32 s3, s9;
	s6 =	sadd.s32 @!p0 $0x88, s6;
	s7 =	simm.s32 @p2 $0x1082  }
0x22: {  	[simem:s7], [sflag:s8] =	dma.local @!p0 [hbm:s6], $0xF7A  }
0x23: {  	s9 =	sor.u32 $0xD0000000, s2;
	s6 =	simm.s32 $0x108;
	_ =	swait.ge @!p0 [sflag:s8], $0x0  }
0x24: {  	s3 =	sadd.s32 $0x88, s3;
	s6 =	simm.s32 @!p1 $0x1082;
	[sflag:s4] =	ssyncset.s32 $0xFFFFF086  }
0x25: {  	[simem:s6], [sflag:s4] =	dma.local [hbm:s3], $0xF7A  }
0x26: {  	[smem:$0x3F8A] =	sst s1;
	(tag) =	ssettag s2;
	_ =	strace s9  }
0x27: {  	s1 =	sld [smem:$0x3F9A]  }
0x28: {  	s2 =	sld [smem:$0x3F9B]  }
0x29: {  	s4 =	sld [smem:$0x3F9D]  }
0x2a: {  	p0 =	seq.s32 s5, $0x0;
	s5 =	sld [smem:$0x3F9E]  }
0x2b: {  	s6 =	sld [smem:$0x3F9F]  }
0x2c: {  	s7 =	sld [smem:$0x3FA0]  }
0x2d: {  	s3 =	simm.s32 $0x108;
	s8 =	sld [smem:$0x3FA1]  }
0x2e: {  	s3 =	simm.s32 @!p0 $0x1082;
	s9 =	sld [smem:$0x3FA2]  }
0x2f: {  	lr =	sadd.s32 s0, s3;
	s0 =	sld [smem:$0x3F99]  }
0x30: {  	s3 =	sld [smem:$0x3F9C]  }
0x31: {  	[smem:$0x3FA5] =	sst s10  }
0x32: {  	s10 =	sld [smem:$0x3FA3];
	_ =	sdelay $0x3  }
0x33: {  	p0 =	seq.s32 s10, $0x1;
	s10 =	sld [smem:$0x3FA5];
	_ =	sdelay $0x3  }
0x34: {  	[smem:$0x3FA5] =	sst s10  }
0x35: {  	s10 =	sld [smem:$0x3FA4];
	_ =	sdelay $0x3  }
0x36: {  	p1 =	seq.s32 s10, $0x1;
	s10 =	sld [smem:$0x3FA5];
	_ =	sdelay $0x3  }
0x37: {  	[smem:$0x3FA5] =	sst s10  }
0x38: {  	s10 =	sld [smem:$0x3FA6]  }
0x39: {  	_ = 	snop;
	(pc) =	sbr.ind lr, $3  }
0x3a: {  	_ = 	snop  }
0x3b: {  	_ = 	snop  }
0x3c: {  	p2 =	seq.s32 s10, $0x1;
	s10 =	sld [smem:$0x3FA5]  }
0x3d: {  	_ =	shalt  }
0x3e: {  	_ =	shalt  }
0x3f: {  	_ =	shalt  }
0x40: {  	_ =	shalt  }
0x41: {  	_ =	shalt  }
0x42: {  	_ =	shalt  }
0x43: {  	_ =	shalt  }
0x44: {  	_ =	shalt  }
0x45: {  	_ =	shalt  }
0x46: {  	_ =	shalt  }
0x47: {  	_ =	shalt  }
0x48: {  	_ =	shalt  }
0x49: {  	_ =	shalt  }
0x4a: {  	_ =	shalt  }
0x4b: {  	_ =	shalt  }
0x4c: {  	_ =	shalt  }
0x4d: {  	_ =	shalt  }
0x4e: {  	_ =	shalt  }
0x4f: {  	_ =	shalt  }
0x50: {  	_ =	shalt  }
0x51: {  	_ =	shalt  }
0x52: {  	_ =	shalt  }
0x53: {  	_ =	shalt  }
0x54: {  	_ =	shalt  }
0x55: {  	_ =	shalt  }
0x56: {  	_ =	shalt  }
0x57: {  	_ =	shalt  }
0x58: {  	_ =	shalt  }
0x59: {  	_ =	shalt  }
0x5a: {  	_ =	shalt  }
0x5b: {  	_ =	shalt  }
0x5c: {  	_ =	shalt  }
0x5d: {  	_ =	shalt  }
0x5e: {  	_ =	shalt  }
0x5f: {  	_ =	shalt  }
0x60: {  	_ =	shalt  }
0x61: {  	_ =	shalt  }
0x62: {  	_ =	shalt  }
0x63: {  	_ =	shalt  }
0x64: {  	_ =	shalt  }
0x65: {  	_ =	shalt  }
0x66: {  	_ =	shalt  }
0x67: {  	_ =	shalt  }
0x68: {  	_ =	shalt  }
0x69: {  	_ =	shalt  }
0x6a: {  	_ =	shalt  }
0x6b: {  	_ =	shalt  }
0x6c: {  	_ =	shalt  }
0x6d: {  	_ =	shalt  }
0x6e: {  	_ =	shalt  }
0x6f: {  	_ =	shalt  }
0x70: {  	_ =	shalt  }
0x71: {  	_ =	shalt  }
0x72: {  	_ =	shalt  }
0x73: {  	_ =	shalt  }
0x74: {  	_ =	shalt  }
0x75: {  	_ =	shalt  }
0x76: {  	_ =	shalt  }
0x77: {  	_ =	shalt  }
0x78: {  	_ =	shalt  }
0x79: {  	_ =	shalt  }
0x7a: {  	_ =	shalt  }
0x7b: {  	_ =	shalt  }
0x7c: {  	_ =	shalt  }
0x7d: {  	_ =	shalt  }
0x7e: {  	_ =	shalt  }
0x7f: {  	_ =	shalt  }
0x80: {  	_ =	shalt  }
0x81: {  	_ =	shalt  }
0x82: {  	_ =	shalt  }
0x83: {  	_ =	shalt  }
0x84: {  	_ =	shalt  }
0x85: {  	_ =	shalt  }
0x86: {  	_ =	shalt  }
0x87: {  	_ =	shalt  }
.Lfunc_end0:
.L_simem_size_0:
called_computation_lowered:
.L_overlay_start_0:
0x88: {  	s2 =	sld [smem:$0x3FD9]  }
0x89: {  	s3 =	sld [smem:$0x3FFE];
	_ =	sdelay $0x1  }
0x8a: {  	s1 =	srdreg.scid  }
0x8b: {  	s0 =	sand.u32 $0x1, s1  }
0x8c: {  	s14 =	sshll.u32 s0, $0xA;
	s2 =	sadd.s32 s3, s2  }
0x8d: {  	s2 =	sadd.s32 s2, s14  }
0x8e: {  	[smem:$0x3FB1] =	sst s2  }
0x8f: {  	_ = 	snop  }
0x90: {  	s2 =	sld [smem:$0x3FD0];
	_ =	sdelay $0x2  }
0x91: {  	s4 =	simm.s32 $0xA;
	s5 =	simm.s32 $0x10;
	s15 =	sld [smem:$0x3FC8]  }
0x92: {  	[smem:s5], [sflag:s4] =	dma.local [hbm:s2], $0x1  }
0x93: {  	_ =	swait.eq [sflag:s4], $0x1  }
0x94: {  	s16 =	sld [smem:$0x10]  }
0x95: {  	s17 =	sld [smem:$0x11];
	[sflag:s4] =	ssyncset.done $0x0  }
0x96: {  	s6 =	sld [smem:$0x12];
	[sflag:s4] =	ssyncadd.s32 $0xFFFFFFFF  }
0x97: {  	s18 =	sld [smem:$0x13];
	(tm) =	ssettm $0x1  }
0x98: {  	s7 =	sld [smem:$0x3FFB];
	_ =	sdelay $0x3  }
0x99: {  	_ =	strace s7  }
0x9a: {  	s7 =	sld [smem:$0x3FFC];
	_ =	sdelay $0x3  }
0x9b: {  	_ =	strace s7  }
0x9c: {  	s7 =	sld [smem:$0x3FFD];
	_ =	sdelay $0x3  }
0x9d: {  	_ =	strace s7  }
0x9e: {  	_ =	strace $0x8FFFFFFF  }
0x9f: {  	s19 =	sld [smem:$0x3FDB];
	_ =	sdelay $0x1  }
0xa0: {  	s8 =	simm.s32 $_scs_section_size  }
0xa1: {  	s9 =	simm.s32 $_size__tile_overlayer_lowered;
	s10 =	simm.s32 $_tile_overlayer_lowered  }
0xa2: {  	s22 =	simm.s32 $0x1BFF;
	s21 =	sshll.u32 s10, $0x1;
	s7 =	sadd.s32 s8, s19  }
0xa3: {  	s11 =	simm.s32 $0x0;
	s20 =	sshll.u32 s9, $0x1;
	s9 =	sadd.s32 s21, s7  }
0xa4: {  	[timem:s11], [sflag:s22] =	dma.local [hbm:s9], s20  }
0xa5: {  	_ =	swait.ge [sflag:s22], s20  }
0xa6: {  	s8 =	ssub.s32 $0x0, s20;
	[sflag:s22] =	ssyncset.done $0x0  }
0xa7: {  	[sflag:s22] =	ssyncadd.s32 s8;
	_ =	sdelay $0x1  }
0xa8: {  	s23 =	simm.s32 $0x1B8B  }
0xa9: {  	_ =	swait.ge [sflag:s23], $0x1  }
0xaa: {  	[sflag:s23] =	ssyncset.done $0x0  }
0xab: {  	s25 =	simm.s32 $0x1B8E;
	s24 =	sld [smem:$0x3FFE];
	[sflag:s23] =	ssyncadd.s32 $0xFFFFFFFF  }
0xac: {  	s26 =	simm.s32 $execute0_lowered;
	[smem:$0x3FD2] =	sst s25  }
0xad: {  	s9 =	sshll.u32 s26, $0x1;
	_ =	strace $0x80000046;
	[dreg:$0x1] =	wrdreg $0xFFFFFFFF  }
0xae: {  	s28 =	simm.s32 $_size_execute0_lowered;
	s7 =	sadd.s32 s7, s9;
	[dreg:$0x0] =	wrdreg $0x0  }
0xaf: {  	s9 =	sshll.u32 s28, $0x1;
	[dreg:$0x2] =	wrdreg s7  }
0xb0: {  	[dreg:$0x3] =	wrdreg s9  }
0xb1: {  	[dreg:$0x4] =	wrdreg $0xC0  }
0xb2: {  	_ =	task [dreg:s11], $0x5FFFF  }
0xb3: {  	[dreg:$0x1] =	wrdreg $0xFFFFFFFF  }
0xb4: {  	[dreg:$0x0] =	wrdreg $0x60  }
0xb5: {  	[dreg:$0x2] =	wrdreg s15  }
0xb6: {  	[dreg:$0x3] =	wrdreg s16  }
0xb7: {  	[dreg:$0x4] =	wrdreg s24  }
0xb8: {  	[dreg:$0x5] =	wrdreg s17  }
0xb9: {  	[dreg:$0x6] =	wrdreg s6  }
0xba: {  	[dreg:$0x7] =	wrdreg s18  }
0xbb: {  	[dreg:$0x8] =	wrdreg $0x9  }
0xbc: {  	_ =	task.clear_ibuf [dreg:s11], $0x9FFFF;
	_ =	strace $0x90000046  }
0xbd: {  	s29 =	simm.s32 $0x9;
	_ =	strace $0x80000048  }
0xbe: {  	_ =	swait.ge [sflag:s29], $0x1  }
0xbf: {  	[sflag:s29] =	ssyncadd.s32 $0xFFFFFFFF  }
0xc0: {  	_ =	strace $0x90000048  }
0xc1: {  	_ =	sfence  }
0xc2: {  	s30 =	sld [smem:$0x0];
	_ =	sdelay $0x2  }
0xc3: {  	s31 =	sshll.u32 s1, $0xD;
	s1 =	sshrl.u32 s1, $0x2  }
0xc4: {  	s3 =	sand.u32 $0x4000, s31;
	s1 =	sadd.s32 s1, s30  }
0xc5: {  	s0 =	sor.u32 s3, s0;
	s1 =	sshll.u32 s1, $0x11  }
0xc6: {  	s0 =	sor.u32 s1, s0  }
0xc7: {  	s0 =	sadd.s32 $0x8F2B, s0  }
0xc8: {  	[sflag:s0] =	ssyncadd.remote.s32 $0x1  }
0xc9: {  	_ =	sfence.sel $0xFFFF  }
0xca: {  	[dreg:$0x0] =	wrdreg $0xFFFFFFFF;
	(pc) =	sbr.abs _section_cstart, $3  }
0xcb: {  	[dreg:$0x1] =	wrdreg $0xFFFFFFFF  }
0xcc: {  	_ =	task.clear_ibuf [dreg:s11], $0x2FFFF;
	_ =	strace $0x9FFFFFFF  }
0xcd: {  	(tm) =	ssettm $0x7FFFFFFF  }
tec
execute0_lowered:
.L_overlay_start_1:
0x0: {  	(tag) =	ssettag $0x1  }
0x1: {  	s6 =	rddreg [dreg:$0x0]  }
0x2: {  	s1 =	rddreg [dreg:$0x1];
	s2 =	stileid.u32  }
0x3: {  	s5 =	rddreg [dreg:$0x2];
	p0 =	sgt.u32 s2, $0x5  }
.Ltmp0:
0x4: {  	s7 =	rddreg [dreg:$0x3];
	(pc) =	sbr.rel @p0 .LBB2_11-.Ltmp0, $4  }
0x5: {  	s8 =	rddreg [dreg:$0x4]  }
0x6: {  	s9 =	rddreg [dreg:$0x5];
	s3 =	simm.s32 $0x0  }
0x7: {  	[smem:$0x7FF] =	sst s3  }
0x8: {  	s0 =	rddreg [dreg:$0x6];
	_ =	strace $0x80000047  }
0x9: {  	s4 =	sadd.s32 $0x4200, s5;
	s10 =	srdreg.scid;
	s5 =	sadd.s32 $0x4400, s5  }
0xa: {  	s11 =	sshll.u32 s2, $0x2;
	s13 =	sshrl.u32 s2, $0x1;
	s10 =	sand.u32 $0x1, s10  }
0xb: {  	s11 =	sand.u32 $0x4, s11;
	p0 =	seq.s32 s13, $0x0;
	p1 =	sne.s32 s13, $0x0  }
.Ltmp1:
0xc: {  	p2 =	seq.s32 s13, $0x1;
	s12 =	sshll.u32 s10, $0x1;
	(pc) =	sbr.rel .LBB2_2-.Ltmp1, $4  }
0xd: {  	p3 =	sne.s32 s13, $0x2;
	s10 =	ssub.s32 $0x2, s10;
	s11 =	sor.u32 s12, s11  }
0xe: {  	s31 =	sshrl.u32 s10, $0x1;
	s12 =	simm.s32 $0x100;
	s6 =	sadd.s32 s6, s11  }
0xf: {  	s7 =	sadd.s32 s7, s11;
	s10 =	ssub.s32 s10, s31;
	s8 =	sadd.s32 s8, s11  }
0x10: {  	v0 =	vimm.s32 $0x0;
	s9 =	sadd.s32 s9, s11;
	s11 =	simm.s32 $0x1;
	s10 =	smax.u32 s10, $0x1  }
.LBB2_8:
0x11: {  	p4 =	por $0x1, $0x1;
	s13 =	smov.u32 s4;
	p6 =	por $0x0, $0x0  }
.LBB2_9:
0x12: {  	[tilespmem:s3], [sflag:$0x1] =	stream.linear.gather [hbm4b:s13+s3], $0x100, $0x38;
	[tilespmem:$0x200] =	vst v63  }
0x13: {  	_ =	swait.ge [sflag:s11], $0x100  }
0x14: {  	[sflag:s11] =	ssyncset.done $0x0  }
0x15: {  	p5 =	por p4, p4;
	p4 =	por p6, p6;
	[sflag:s11] =	ssyncadd.s32 $0xFFFFFF00  }
.LBB2_10:
0x16: {  	[tilespmem:s12], [sflag:$0x1] =	stream.linear.gather [hbm4b:s6+s3], $0x10, $0x38;
	[tilespmem:$0x200] =	vst v63  }
0x17: {  	_ =	swait.ge [sflag:s11], $0x10  }
0x18: {  	[sflag:s11] =	ssyncset.done $0x0  }
0x19: {  	[sflag:s11] =	ssyncadd.s32 $0xFFFFFFF0  }
0x1a: {  	v1 =	vld [tilespmem:$0x0]  }
0x1b: {  	v2 =	vld [tilespmem:$0x10];
	_ =	sdelay $0x1  }
0x1c: {  	v3 =	vld [tilespmem:$0x20];
	_ =	sdelay $0x1  }
0x1d: {  	v4 =	vld [tilespmem:$0x30]  }
0x1e: {  	vm0 =	vgt.f32 v2, v1  }
0x1f: {  	v1 =	vsel vm0, v2, v1;
	v2 =	vld [tilespmem:$0x40]  }
0x20: {  	vm1 =	vgt.f32 v3, v1  }
0x21: {  	v1 =	vsel vm1, v3, v1;
	v3 =	vld [tilespmem:$0x50]  }
0x22: {  	vm2 =	vgt.f32 v4, v1  }
0x23: {  	v46 =	vld [tilespmem:$0x60];
	v1 =	vsel vm2, v4, v1  }
0x24: {  	vm3 =	vgt.f32 v2, v1  }
0x25: {  	v1 =	vsel vm3, v2, v1;
	v2 =	vld [tilespmem:$0x70]  }
0x26: {  	vm4 =	vgt.f32 v3, v1  }
0x27: {  	v1 =	vsel vm4, v3, v1;
	v3 =	vld [tilespmem:$0x80]  }
0x28: {  	vm5 =	vgt.f32 v46, v1  }
0x29: {  	v47 =	vld [tilespmem:$0x90];
	v1 =	vsel vm5, v46, v1  }
0x2a: {  	vm6 =	vgt.f32 v2, v1  }
0x2b: {  	v1 =	vsel vm6, v2, v1;
	v2 =	vld [tilespmem:$0xA0]  }
0x2c: {  	vm7 =	vgt.f32 v3, v1  }
0x2d: {  	v5 =	vsel vm0, $0x1, v0;
	v1 =	vsel vm7, v3, v1;
	v3 =	vld [tilespmem:$0xB0]  }
0x2e: {  	v5 =	vsel vm1, $0x2, v5;
	vm13 =	vgt.f32 v47, v1  }
0x2f: {  	v48 =	vld [tilespmem:$0xC0];
	v5 =	vsel vm2, $0x3, v5;
	v1 =	vsel vm13, v47, v1  }
0x30: {  	v5 =	vsel vm3, $0x4, v5;
	vm14 =	vgt.f32 v2, v1  }
0x31: {  	v5 =	vsel vm4, $0x5, v5;
	v1 =	vsel vm14, v2, v1;
	v2 =	vld [tilespmem:$0xD0]  }
0x32: {  	v5 =	vsel vm5, $0x6, v5;
	vm15 =	vgt.f32 v3, v1  }
0x33: {  	v5 =	vsel vm6, $0x7, v5;
	v1 =	vsel vm15, v3, v1;
	v3 =	vld [tilespmem:$0xE0]  }
0x34: {  	v5 =	vsel vm7, $0x8, v5;
	vm8 =	vgt.f32 v48, v1  }
0x35: {  	v49 =	vld [tilespmem:$0xF0];
	v5 =	vsel vm13, $0x9, v5;
	v1 =	vsel vm8, v48, v1  }
0x36: {  	v5 =	vsel vm14, $0xA, v5;
	vm9 =	vgt.f32 v2, v1  }
0x37: {  	v5 =	vsel vm15, $0xB, v5;
	v1 =	vsel vm9, v2, v1  }
0x38: {  	v5 =	vsel vm8, $0xC, v5;
	v2 =	vld [tilespmem:$0x100];
	vm10 =	vgt.f32 v3, v1  }
0x39: {  	v5 =	vsel vm9, $0xD, v5;
	v1 =	vsel vm10, v3, v1  }
0x3a: {  	v3 =	vsel vm10, $0xE, v5;
	vm11 =	vgt.f32 v49, v1  }
0x3b: {  	v1 =	vsel vm11, $0xF, v3  }
0x3c: {  	v3 =	vbroadcast v1, $0x0  }
0x3d: {  	vm12 =	veq.s32 v2, $0x0;
	v50 =	vbroadcast v1, $0x1  }
0x3e: {  	vm13 =	veq.s32 v2, $0x1;
	v51 =	vbroadcast v1, $0x2;
	v3 =	vnsel vm12, $0x0, v3  }
0x3f: {  	vm14 =	veq.s32 v2, $0x2;
	v52 =	vbroadcast v1, $0x3;
	v3 =	vsel vm13, v50, v3  }
0x40: {  	vm15 =	veq.s32 v2, $0x3;
	v53 =	vbroadcast v1, $0x4;
	v3 =	vsel vm14, v51, v3  }
0x41: {  	vm4 =	veq.s32 v2, $0x4;
	v54 =	vbroadcast v1, $0x5;
	v3 =	vsel vm15, v52, v3  }
0x42: {  	vm5 =	veq.s32 v2, $0x5;
	v55 =	vbroadcast v1, $0x6;
	v3 =	vsel vm4, v53, v3  }
0x43: {  	vm6 =	veq.s32 v2, $0x6;
	v56 =	vbroadcast v1, $0x7;
	v3 =	vsel vm5, v54, v3  }
0x44: {  	vm7 =	veq.s32 v2, $0x7;
	v57 =	vbroadcast v1, $0x8;
	v3 =	vsel vm6, v55, v3  }
0x45: {  	vm8 =	veq.s32 v2, $0x8;
	v58 =	vbroadcast v1, $0x9;
	v3 =	vsel vm7, v56, v3  }
0x46: {  	vm9 =	veq.s32 v2, $0x9;
	v59 =	vbroadcast v1, $0xA;
	v3 =	vsel vm8, v57, v3  }
0x47: {  	vm10 =	veq.s32 v2, $0xA;
	v60 =	vbroadcast v1, $0xB;
	v3 =	vsel vm9, v58, v3  }
0x48: {  	vm11 =	veq.s32 v2, $0xB;
	v61 =	vbroadcast v1, $0xC;
	v3 =	vsel vm10, v59, v3  }
0x49: {  	v62 =	vbroadcast v1, $0xD;
	vm12 =	veq.s32 v2, $0xC;
	v3 =	vsel vm11, v60, v3  }
0x4a: {  	v63 =	vbroadcast v1, $0xE;
	vm13 =	veq.s32 v2, $0xD;
	v3 =	vsel vm12, v61, v3  }
0x4b: {  	v1 =	vbroadcast v1, $0xF;
	vm14 =	veq.s32 v2, $0xE;
	v3 =	vsel vm13, v62, v3  }
0x4c: {  	vm15 =	veq.s32 v2, $0xF;
	v3 =	vsel vm14, v63, v3  }
0x4d: {  	v1 =	vsel vm15, v1, v3  }
0x4e: {  	s13 =	simm.s32 @!p1 $0x0;
	s14 =	simm.s32 @!p1 $0x180;
	[tilespmem:$0x180] =	vst v1  }
0x4f: {  	[hbm4b:s7+s13] =	stream.linear.scatter @!p1 [tilespmem:s14], [sflag:$0x1], $0x10, $0x38;
	[tilespmem:$0x200] =	vst v63  }
0x50: {  	s13 =	simm.s32 @!p1 $0x1  }
0x51: {  	_ =	swait.ge @!p1 [sflag:s13], $0x10  }
0x52: {  	[sflag:s13] =	ssyncset.done @!p1 $0x0  }
0x53: {  	s14 =	simm.s32 @p5 $0x180;
	[sflag:s13] =	ssyncadd.s32 @!p1 $0xFFFFFFF0;
	s13 =	simm.s32 @p5 $0x0  }
0x54: {  	[hbm4b:s8+s13] =	stream.linear.scatter @p5 [tilespmem:s14], [sflag:$0x1], $0x10, $0x38;
	[tilespmem:$0x200] =	vst v63  }
0x55: {  	s13 =	simm.s32 @p5 $0x1  }
0x56: {  	_ =	swait.ge @p5 [sflag:s13], $0x10  }
0x57: {  	s10 =	sadd.s32 $0xFFFFFFFF, s10;
	s14 =	simm.s32 @p4 $0x180;
	[sflag:s13] =	ssyncset.done @p5 $0x0  }
0x58: {  	[sflag:s13] =	ssyncadd.s32 @p5 $0xFFFFFFF0;
	s13 =	simm.s32 @p4 $0x0;
	p5 =	sne.s32 s10, $0x0  }
0x59: {  	[hbm4b:s9+s13] =	stream.linear.scatter @p4 [tilespmem:s14], [sflag:$0x1], $0x10, $0x38;
	[tilespmem:$0x200] =	vst v63  }
.Ltmp2:
0x5a: {  	_ = 	snop;
	(pc) =	sbr.rel @!p5 .LBB2_11-.Ltmp2, $4  }
0x5b: {  	s13 =	simm.s32 @p4 $0x1  }
0x5c: {  	_ =	swait.ge @p4 [sflag:s13], $0x10  }
0x5d: {  	[sflag:s13] =	ssyncset.done @p4 $0x0  }
0x5e: {  	[sflag:s13] =	ssyncadd.s32 @p4 $0xFFFFFFF0  }
.LBB2_2:
.Ltmp3:
0x5f: {  	(pc) =	sbr.rel @p0 .LBB2_3-.Ltmp3, $2  }
0x60: {  	_ =	sdelay $0x2  }
0x61: {  	p4 =	por $0x0, $0x0  }
.Ltmp4:
0x62: {  	(pc) =	sbr.rel @p2 .LBB2_8-.Ltmp4, $1  }
0x63: {  	_ =	sdelay $0x3  }
.Ltmp5:
0x64: {  	(pc) =	sbr.rel @p3 .LBB2_6-.Ltmp5, $1  }
0x65: {  	_ =	sdelay $0x3  }
.Ltmp6:
0x66: {  	(pc) =	sbr.rel .LBB2_9-.Ltmp6, $2  }
0x67: {  	_ =	sdelay $0x2  }
0x68: {  	p6 =	por $0x1, $0x1;
	s13 =	smov.u32 s5  }
.LBB2_3:
.Ltmp7:
0x69: {  	(pc) =	sbr.rel .LBB2_9-.Ltmp7, $2  }
0x6a: {  	_ =	sdelay $0x2  }
0x6b: {  	s13 =	smov.u32 s1;
	p6 =	por $0x0, $0x0  }
.LBB2_6:
.Ltmp8:
0x6c: {  	(pc) =	sbr.rel .LBB2_10-.Ltmp8, $2  }
0x6d: {  	_ =	sdelay $0x2  }
0x6e: {  	p5 =	por $0x0, $0x0  }
.LBB2_11:
0x6f: {  	_ =	sfence.sel $0x180000  }
0x70: {  	[bflag:$0x0] =	sbarrier.arrive $0xFFFF  }
0x71: {  	p0 =	sne.s32 s2, $0x0;
	_ =	strace $0x90000047  }
0x72: {  	s0 =	sadd.s32 @!p0 $0x100000, s0;
	[bflag:$0x2] =	sbarrier.arrive $0xFFFF  }
0x73: {  	[sflag:s0] =	ssyncadd.tile.s32 @!p0 $0x1;
	_ =	shalt  }
.Lfunc_end2:
_tile_overlayer_lowered:
.L_overlay_start_2:
0x74: {  	(tag) =	ssettag $0x2  }
0x75: {  	s0 =	rddreg [dreg:$0x0];
	s2 =	stileid.u32  }
0x76: {  	s1 =	rddreg [dreg:$0x1];
	p0 =	sne.s32 s2, $0x0  }
0x77: {  	s3 =	rddreg [dreg:$0x2];
	[bflag:$0x3] =	sbarrier.arrive $0xFFFF;
	s2 =	simm.s32 @!p0 $0x1C01  }
0x78: {  	[timem:s3], [sflag:s2] =	dma.local @!p0 [hbm:s0], s1  }
0x79: {  	s0 =	simm.s32 @!p0 $0x1  }
0x7a: {  	_ =	swait.ge @!p0 [sflag:s0], s1  }
0x7b: {  	s1 =	ssub.s32 @!p0 $0x0, s1;
	[sflag:s0] =	ssyncset.done @!p0 $0x0  }
0x7c: {  	[sflag:s0] =	ssyncadd.s32 @!p0 s1  }
0x7d: {  	[bflag:$0x3] =	sbarrier.arrive $0xFFFF  }
0x7e: {  	_ =	shalt  }

</sc_bundles>
